<compile_context>
chip_gen: v7x
topology: tpu7x:2x2x1
jax: 0.10.2.dev20260603
libtpu: 0.0.44.dev20260713+nightly
codegen_flags: <defaults>
</compile_context>

<pallas_src>
import functools

import jax
import jax.numpy as jnp
from jax import lax
from jax.experimental import pallas as pl
from jax.experimental.pallas import tpu as pltpu
from jax.experimental.pallas import tpu_sc as plsc

_N = 50000
_H = 64
_NPAD = 50176
_SPS = _NPAD // 16
_EPAD = 802816
_ROWS = _EPAD // 128
_RPS = _ROWS // 16
_RPS_DEG = _ROWS // 32
_BLK = 1000
_G = _N // _BLK


def _mesh():
    return plsc.VectorSubcoreMesh(core_axis_name="c", subcore_axis_name="s")


_SC_PARAMS = pltpu.CompilerParams(use_tc_tiling_on_sc=False)



def _sc_deg(dst2):
    @functools.partial(
        pl.kernel, mesh=_mesh(),
        out_type=jax.ShapeDtypeStruct((2 * _NPAD, 16), jnp.float32),
        scratch_types=[
            pltpu.VMEM((64, 16), jnp.float32),
            pltpu.VMEM((128, 16), jnp.float32),
            pltpu.VMEM((4, 128), jnp.int32),
            pltpu.VMEM_SHARED((_NPAD, 16), jnp.float32),
        ],
        compiler_params=_SC_PARAMS)
    def k(dst_hbm, out_hbm, zbuf, ones_v, didx, dacc):
        c = lax.axis_index("c")
        s = lax.axis_index("s")

        @pl.loop(0, 64)
        def _(i):
            zbuf[i, :] = jnp.zeros((16,), jnp.float32)

        @pl.loop(0, 128)
        def _(i):
            ones_v[i, :] = jnp.ones((16,), jnp.float32)

        @pl.loop(0, _SPS, step=64)
        def _(t):
            pltpu.sync_copy(zbuf, dacc.at[pl.ds(s * _SPS + t, 64)])

        plsc.subcore_barrier()

        @pl.loop(0, _RPS_DEG, step=4)
        def _(r):
            row0 = (c * 16 + s) * _RPS_DEG + r
            pltpu.sync_copy(dst_hbm.at[pl.ds(row0, 4)], didx)
            for j in range(4):
                pltpu.sync_copy(ones_v, dacc.at[didx.at[j]], add=True)

        plsc.subcore_barrier()
        pltpu.sync_copy(dacc.at[pl.ds(s * _SPS, _SPS)],
                        out_hbm.at[pl.ds(c * _NPAD + s * _SPS, _SPS)])

    return k(dst2)


def _sc_conv(xsf, src2, dst2):
    @functools.partial(
        pl.kernel, mesh=_mesh(),
        out_type=jax.ShapeDtypeStruct((2 * _NPAD, 32), jnp.float32),
        scratch_types=[
            pltpu.VMEM((64, 32), jnp.float32),
            pltpu.VMEM((1, 128), jnp.int32),
            pltpu.VMEM((1, 128), jnp.int32),
            pltpu.VMEM((1, 128), jnp.int32),
            pltpu.VMEM((1, 128), jnp.int32),
            pltpu.VMEM((128, 32), jnp.float32),
            pltpu.VMEM((128, 32), jnp.float32),
            pltpu.VMEM_SHARED((_NPAD, 32), jnp.float32),
            pltpu.SemaphoreType.DMA,
            pltpu.SemaphoreType.DMA,
            pltpu.SemaphoreType.DMA,
            pltpu.SemaphoreType.DMA,
            pltpu.SemaphoreType.DMA,
            pltpu.SemaphoreType.DMA,
            pltpu.SemaphoreType.DMA,
            pltpu.SemaphoreType.DMA,
        ],
        compiler_params=_SC_PARAMS)
    def k(xs_hbm, src_hbm, dst_hbm, out_hbm, zbuf, sidxA, didxA, sidxB, didxB,
          rowsA, rowsB, acc, gA, gB, sA, sB, iA, iB, jA, jB):
        c = lax.axis_index("c")
        s = lax.axis_index("s")

        @pl.loop(0, 64)
        def _(i):
            zbuf[i, pl.ds(0, 16)] = jnp.zeros((16,), jnp.float32)
            zbuf[i, pl.ds(16, 16)] = jnp.zeros((16,), jnp.float32)

        @pl.loop(0, _SPS, step=64)
        def _(t):
            pltpu.sync_copy(zbuf, acc.at[pl.ds(s * _SPS + t, 64)])

        plsc.subcore_barrier()

        base = c * _ROWS + s * _RPS
        dbase = s * _RPS

        def phase(t, this, other):
            sidxT, didxT, rowsT, gT, sT, iT, jT = this
            sidxO, didxO, rowsO, gO, sO, iO, jO = other
            pltpu.make_async_copy(xs_hbm.at[sidxT.at[0]], rowsT, gT).wait()

            @pl.when(t + 2 < _RPS)
            def _():
                pltpu.async_copy(src_hbm.at[pl.ds(base + t + 2, 1)], sidxT,
                                 iT)

            pltpu.make_async_copy(dst_hbm.at[pl.ds(dbase + t, 1)], didxT,
                                  jT).wait()
            pltpu.async_copy(rowsT, acc.at[didxT.at[0]], sT, add=True)

            @pl.when(t + 1 < _RPS)
            def _():
                @pl.when(t > 0)
                def _():
                    pltpu.make_async_copy(rowsO, acc.at[didxO.at[0]],
                                          sO).wait()
                pltpu.make_async_copy(src_hbm.at[pl.ds(base, 1)], sidxO,
                                      iO).wait()
                pltpu.async_copy(xs_hbm.at[sidxO.at[0]], rowsO, gO)
                pltpu.async_copy(dst_hbm.at[pl.ds(dbase + t + 1, 1)], didxO,
                                 jO)

        pltpu.sync_copy(src_hbm.at[pl.ds(base, 1)], sidxA)
        pltpu.async_copy(src_hbm.at[pl.ds(base + 1, 1)], sidxB, iB)
        pltpu.async_copy(xs_hbm.at[sidxA.at[0]], rowsA, gA)
        pltpu.async_copy(dst_hbm.at[pl.ds(dbase, 1)], didxA, jA)

        slotA = (sidxA, didxA, rowsA, gA, sA, iA, jA)
        slotB = (sidxB, didxB, rowsB, gB, sB, iB, jB)

        @pl.loop(0, _RPS, step=2)
        def _(t):
            phase(t, slotA, slotB)
            phase(t + 1, slotB, slotA)

        pltpu.make_async_copy(rowsA, acc.at[didxA.at[0]], sA).wait()
        pltpu.make_async_copy(rowsB, acc.at[didxB.at[0]], sB).wait()

        plsc.subcore_barrier()
        pltpu.sync_copy(acc.at[pl.ds(s * _SPS, _SPS)],
                        out_hbm.at[pl.ds(c * _NPAD + s * _SPS, _SPS)])

    return k(xsf, src2, dst2)



_DOT = dict(preferred_element_type=jnp.float32, precision=lax.Precision.HIGHEST)


def _dinv_of(degp_blk):
    d16 = lax.rsqrt(degp_blk[0] + degp_blk[1] + 1.0)
    return jnp.concatenate([d16, d16, d16, d16], axis=1)


def _enc_body(x_ref, we_ref, be_ref, wc1_ref, o_ref):
    h = jnp.maximum(
        lax.dot_general(x_ref[...], we_ref[...], (((1,), (1,)), ((), ())), **_DOT)
        + be_ref[...], 0.0)
    o_ref[...] = lax.dot_general(h, wc1_ref[...], (((1,), (1,)), ((), ())), **_DOT)


def _tc_encode(x, W_enc, b_enc, Wc1):
    return pl.pallas_call(
        _enc_body,
        grid=(_G,),
        in_specs=[
            pl.BlockSpec((_BLK, 128), lambda i: (i, 0)),
            pl.BlockSpec((64, 128), lambda i: (0, 0)),
            pl.BlockSpec((1, 64), lambda i: (0, 0)),
            pl.BlockSpec((64, 64), lambda i: (0, 0)),
        ],
        out_specs=pl.BlockSpec((_BLK, 64), lambda i: (i, 0)),
        out_shape=jax.ShapeDtypeStruct((_N, 64), jnp.float32),
    )(x, W_enc, b_enc.reshape(1, 64), Wc1)


def _prep_body(degp_ref, xw_ref, o_ref):
    dinv = _dinv_of(degp_ref[...])
    xsv = xw_ref[...] * dinv
    o_ref[0] = xsv[:, :32]
    o_ref[1] = xsv[:, 32:]


def _tc_prep(degp, xw1):
    return pl.pallas_call(
        _prep_body,
        grid=(_G,),
        in_specs=[
            pl.BlockSpec((2, _BLK, 16), lambda i: (0, i, 0)),
            pl.BlockSpec((_BLK, 64), lambda i: (i, 0)),
        ],
        out_specs=pl.BlockSpec((2, _BLK, 32), lambda i: (0, i, 0)),
        out_shape=jax.ShapeDtypeStruct((2, _N, 32), jnp.float32),
    )(degp, xw1)


def _mid_body(agg_ref, xs_ref, degp_ref, b_ref, w_ref, o_ref):
    dinv = _dinv_of(degp_ref[...])
    pre = jnp.concatenate(
        [agg_ref[0] + xs_ref[0], agg_ref[1] + xs_ref[1]], axis=1)
    h = jnp.maximum(pre * dinv + b_ref[...], 0.0)
    xw = lax.dot_general(h, w_ref[...], (((1,), (1,)), ((), ())), **_DOT)
    xsv = xw * dinv
    o_ref[0] = xsv[:, :32]
    o_ref[1] = xsv[:, 32:]


def _tc_mid(agg, xs, degp, b_prev, W_next):
    return pl.pallas_call(
        _mid_body,
        grid=(_G,),
        in_specs=[
            pl.BlockSpec((2, _BLK, 32), lambda i: (0, i, 0)),
            pl.BlockSpec((2, _BLK, 32), lambda i: (0, i, 0)),
            pl.BlockSpec((2, _BLK, 16), lambda i: (0, i, 0)),
            pl.BlockSpec((1, 64), lambda i: (0, 0)),
            pl.BlockSpec((64, 64), lambda i: (0, 0)),
        ],
        out_specs=pl.BlockSpec((2, _BLK, 32), lambda i: (0, i, 0)),
        out_shape=jax.ShapeDtypeStruct((2, _N, 32), jnp.float32),
    )(agg, xs, degp, b_prev.reshape(1, 64), W_next)


def _heads_body(agg_ref, xs_ref, degp_ref, b_ref, wd1_ref, bd1_ref, wd2_ref,
                bd2_ref, wi1_ref, bi1_ref, wi2_ref, bi2_ref, od_ref, oi_ref):
    dinv = _dinv_of(degp_ref[...])
    pre = jnp.concatenate(
        [agg_ref[0] + xs_ref[0], agg_ref[1] + xs_ref[1]], axis=1)
    h = jnp.maximum(pre * dinv + b_ref[...], 0.0)
    hd = jnp.maximum(
        lax.dot_general(h, wd1_ref[...], (((1,), (1,)), ((), ())), **_DOT)
        + bd1_ref[...], 0.0)
    od_ref[...] = lax.dot_general(hd, wd2_ref[...], (((1,), (1,)), ((), ())),
                                  **_DOT) + bd2_ref[...]
    hi = jnp.maximum(
        lax.dot_general(h, wi1_ref[...], (((1,), (1,)), ((), ())), **_DOT)
        + bi1_ref[...], 0.0)
    oi_ref[...] = lax.dot_general(hi, wi2_ref[...], (((1,), (1,)), ((), ())),
                                  **_DOT) + bi2_ref[...]


def _pad_head(W2, b2):
    W2p = jnp.concatenate([W2, jnp.zeros((127, 32), jnp.float32)], axis=0)
    b2p = jnp.broadcast_to(b2.reshape(1, 1), (1, 128))
    return W2p, b2p


def _tc_heads(agg, xs, degp, bc3, Wd1, bd1, Wd2, bd2, Wi1, bi1, Wi2, bi2):
    full = lambda a, b: pl.BlockSpec((a, b), lambda i: (0, 0))
    return pl.pallas_call(
        _heads_body,
        grid=(_G,),
        in_specs=[
            pl.BlockSpec((2, _BLK, 32), lambda i: (0, i, 0)),
            pl.BlockSpec((2, _BLK, 32), lambda i: (0, i, 0)),
            pl.BlockSpec((2, _BLK, 16), lambda i: (0, i, 0)),
            full(1, 64),
            full(32, 64), full(1, 32), full(128, 32), full(1, 128),
            full(32, 64), full(1, 32), full(128, 32), full(1, 128),
        ],
        out_specs=[
            pl.BlockSpec((_BLK, 128), lambda i: (i, 0)),
            pl.BlockSpec((_BLK, 128), lambda i: (i, 0)),
        ],
        out_shape=[
            jax.ShapeDtypeStruct((_N, 128), jnp.float32),
            jax.ShapeDtypeStruct((_N, 128), jnp.float32),
        ],
    )(agg, xs, degp, bc3.reshape(1, 64),
      Wd1, bd1.reshape(1, 32), *_pad_head(Wd2, bd2),
      Wi1, bi1.reshape(1, 32), *_pad_head(Wi2, bi2))



def kernel(x, edge_index, W_enc, b_enc, Wc1, bc1, Wc2, bc2, Wc3, bc3,
           Wd1, bd1, Wd2, bd2, Wi1, bi1, Wi2, bi2):
    e = edge_index.shape[1]
    pad = _EPAD - e
    srcf = jnp.concatenate([edge_index[0], jnp.zeros((pad,), jnp.int32)])
    dstf = jnp.concatenate([edge_index[1], jnp.full((pad,), _N, jnp.int32)])
    src2 = jnp.concatenate([srcf, srcf + _N]).reshape(2 * _ROWS, 128)
    dst2 = dstf.reshape(_ROWS, 128)
    degp = _sc_deg(dst2).reshape(2, _NPAD, 16)
    xw1 = _tc_encode(x, W_enc, b_enc, Wc1)
    xs1 = _tc_prep(degp, xw1)
    agg1 = _sc_conv(xs1.reshape(2 * _N, 32), src2, dst2).reshape(2, _NPAD, 32)
    xs2 = _tc_mid(agg1, xs1, degp, bc1, Wc2)
    agg2 = _sc_conv(xs2.reshape(2 * _N, 32), src2, dst2).reshape(2, _NPAD, 32)
    xs3 = _tc_mid(agg2, xs2, degp, bc2, Wc3)
    agg3 = _sc_conv(xs3.reshape(2 * _N, 32), src2, dst2).reshape(2, _NPAD, 32)
    demand, inventory = _tc_heads(agg3, xs3, degp, bc3,
                                  Wd1, bd1, Wd2, bd2, Wi1, bi1, Wi2, bi2)
    return (demand[:, :1], inventory[:, :1])

# --- scband reference (transcript-rebuilt; emitter-appended) ---
"""Pipeline reference for scband-supply-chain-gnn-88373247083004 (READ-ONLY COPY).

The authoritative reference and input builder live on the scoring server;
editing this copy changes nothing except your own understanding.
"""

import jax, jax.numpy as jnp
import numpy as np

N = 50000
E = 800000
F_IN = 128
H = 64

def _init_linear(key, out_dim, in_dim):
    k1, k2 = jax.random.split(key)
    bound = 1.0 / np.sqrt(in_dim)
    W = jax.random.uniform(k1, (out_dim, in_dim), minval=-bound, maxval=bound, dtype=jnp.float32)
    b = jax.random.uniform(k2, (out_dim,), minval=-bound, maxval=bound, dtype=jnp.float32)
    return W, b

def setup_inputs(seed: int = 0):
    key = jax.random.key(seed)
    ks = jax.random.split(key, 12)
    inp = {}
    inp['x'] = jax.random.normal(ks[0], (N, F_IN), dtype=jnp.float32)
    inp['edge_index'] = jax.random.randint(ks[1], (2, E), 0, N, dtype=jnp.int32)
    inp['W_enc'], inp['b_enc'] = _init_linear(ks[2], H, F_IN)
    inp['Wc1'], inp['bc1'] = _init_linear(ks[3], H, H)
    inp['Wc2'], inp['bc2'] = _init_linear(ks[4], H, H)
    inp['Wc3'], inp['bc3'] = _init_linear(ks[5], H, H)
    inp['Wd1'], inp['bd1'] = _init_linear(ks[6], H // 2, H)
    inp['Wd2'], inp['bd2'] = _init_linear(ks[7], 1, H // 2)
    inp['Wi1'], inp['bi1'] = _init_linear(ks[8], H // 2, H)
    inp['Wi2'], inp['bi2'] = _init_linear(ks[9], 1, H // 2)
    return inp

def _gcn_norm(edge_index, num_nodes):
    src = edge_index[0]
    dst = edge_index[1]
    loop = jnp.arange(num_nodes, dtype=src.dtype)
    src = jnp.concatenate([src, loop])
    dst = jnp.concatenate([dst, loop])
    deg = jnp.zeros((num_nodes,), dtype=jnp.float32).at[dst].add(1.0)
    dinv = jnp.where(deg > 0, 1.0 / jnp.sqrt(deg), 0.0)
    norm = dinv[src] * dinv[dst]
    return src, dst, norm

def _gcn_conv(x, src, dst, norm, W, b):
    xw = x @ W.T
    msg = xw[src] * norm[:, None]
    out = jnp.zeros_like(xw).at[dst].add(msg)
    return out + b

def reference(x, edge_index, W_enc, b_enc, Wc1, bc1, Wc2, bc2, Wc3, bc3, Wd1, bd1, Wd2, bd2, Wi1, bi1, Wi2, bi2):
    src, dst, norm = _gcn_norm(edge_index, x.shape[0])
    h = jax.nn.relu(x @ W_enc.T + b_enc)
    for (W, b) in ((Wc1, bc1), (Wc2, bc2), (Wc3, bc3)):
        h = jax.nn.relu(_gcn_conv(h, src, dst, norm, W, b))
    demand = jax.nn.relu(h @ Wd1.T + bd1) @ Wd2.T + bd2
    inventory = jax.nn.relu(h @ Wi1.T + bi1) @ Wi2.T + bi2
    return (demand, inventory)

if __name__ == "__main__":
    import jax
    _d = setup_inputs()
    print(jax.jit(kernel)(*tuple(_d.values())))

</pallas_src>

<mosaic_0001>
#map = affine_map<(d0, d1) -> (0, 0)>
module attributes {stable_mosaic.version = 14 : i64} {
  func.func @k(%arg0: i32, %arg1: i32, %arg2: memref<100000x32xf32, #tpu.memory_space<hbm>>, %arg3: memref<12544x128xi32, #tpu.memory_space<hbm>>, %arg4: memref<6272x128xi32, #tpu.memory_space<hbm>>, %arg5: memref<100352x32xf32, #tpu.memory_space<hbm>>, %arg6: memref<64x32xf32, #tpu.memory_space<vmem>>, %arg7: memref<1x128xi32, #tpu.memory_space<vmem>>, %arg8: memref<1x128xi32, #tpu.memory_space<vmem>>, %arg9: memref<1x128xi32, #tpu.memory_space<vmem>>, %arg10: memref<1x128xi32, #tpu.memory_space<vmem>>, %arg11: memref<128x32xf32, #tpu.memory_space<vmem>>, %arg12: memref<128x32xf32, #tpu.memory_space<vmem>>, %arg13: memref<50176x32xf32, #tpu.memory_space<vmem_shared>>, %arg14: memref<!tpu.dma_semaphore, #tpu.memory_space<semaphore_mem>>, %arg15: memref<!tpu.dma_semaphore, #tpu.memory_space<semaphore_mem>>, %arg16: memref<!tpu.dma_semaphore, #tpu.memory_space<semaphore_mem>>, %arg17: memref<!tpu.dma_semaphore, #tpu.memory_space<semaphore_mem>>, %arg18: memref<!tpu.dma_semaphore, #tpu.memory_space<semaphore_mem>>, %arg19: memref<!tpu.dma_semaphore, #tpu.memory_space<semaphore_mem>>, %arg20: memref<!tpu.dma_semaphore, #tpu.memory_space<semaphore_mem>>, %arg21: memref<!tpu.dma_semaphore, #tpu.memory_space<semaphore_mem>>) attributes {dimension_semantics = [#tpu.dimension_semantics<core_parallel>, #tpu.dimension_semantics<subcore_parallel>], iteration_bounds = array<i64: 2, 16>, scalar_prefetch = 0 : i64, scratch_operands = 16 : i64, tpu.core_type = #tpu.core_type<sc_vector_subcore>, window_params = [{transform_indices = #map}, {transform_indices = #map}, {transform_indices = #map}, {transform_indices = #map}]} {
    %scan3A = arith.constant 0 : i32
    %scan3A_0 = arith.constant 64 : i32
    %scan3A_1 = arith.addi %scan3A, %scan3A_0 : i32
    %scan3A_2 = arith.constant 1 : i32
    scf.for %scan3A_56 = %scan3A to %scan3A_1 step %scan3A_2  : i32 {
      %mul3A_57 = arith.constant 1 : i32
      %mul3A_58 = arith.muli %scan3A_56, %mul3A_57 : i32
      %add3A_59 = arith.constant 0 : i32
      %add3A_60 = arith.addi %add3A_59, %mul3A_58 : i32
      %broadcast_in_dim3A = arith.constant 0.000000e+00 : f32
      %broadcast_in_dim3A_61 = vector.broadcast %broadcast_in_dim3A : f32 to vector<16xf32>
      %swap3A = arith.index_cast %add3A_60 : i32 to index
      %swap3A_62 = arith.constant 0 : index
      %swap3A_63 = tpu.vector_load %arg6[%swap3A, %swap3A_62] {strides = array<i32>} : memref<64x32xf32, #tpu.memory_space<vmem>>, vector<1x16xf32>,
      %swap3A_64 = vector.shape_cast %swap3A_63 : vector<1x16xf32> to vector<16xf32>
      %swap3A_65 = vector.shape_cast %broadcast_in_dim3A_61 : vector<16xf32> to vector<1x16xf32>
      tpu.vector_store %arg6[%swap3A, %swap3A_62], %swap3A_65 {strides = array<i32>} : memref<64x32xf32, #tpu.memory_space<vmem>>, vector<1x16xf32>,
      %broadcast_in_dim3A_66 = arith.constant 0.000000e+00 : f32
      %broadcast_in_dim3A_67 = vector.broadcast %broadcast_in_dim3A_66 : f32 to vector<16xf32>
      %swap3A_68 = arith.index_cast %add3A_60 : i32 to index
      %swap3A_69 = arith.constant 16 : index
      %swap3A_70 = tpu.vector_load %arg6[%swap3A_68, %swap3A_69] {strides = array<i32>} : memref<64x32xf32, #tpu.memory_space<vmem>>, vector<1x16xf32>,
      %swap3A_71 = vector.shape_cast %swap3A_70 : vector<1x16xf32> to vector<16xf32>
      %swap3A_72 = vector.shape_cast %broadcast_in_dim3A_67 : vector<16xf32> to vector<1x16xf32>
      tpu.vector_store %arg6[%swap3A_68, %swap3A_69], %swap3A_72 {strides = array<i32>} : memref<64x32xf32, #tpu.memory_space<vmem>>, vector<1x16xf32>,
    }
    %scan3A_3 = arith.constant 64 : i32
    %scan3A_4 = arith.constant 0 : i32
    %scan3A_5 = arith.constant 49 : i32
    %scan3A_6 = arith.addi %scan3A_4, %scan3A_5 : i32
    %scan3A_7 = arith.constant 1 : i32
    scf.for %scan3A_56 = %scan3A_4 to %scan3A_6 step %scan3A_7  : i32 {
      %mul3A_57 = arith.constant 64 : i32
      %mul3A_58 = arith.muli %scan3A_56, %mul3A_57 : i32
      %add3A_59 = arith.constant 0 : i32
      %add3A_60 = arith.addi %add3A_59, %mul3A_58 : i32
      %mul3A_61 = arith.constant 3136 : i32
      %mul3A_62 = arith.muli %arg1, %mul3A_61 : i32
      %add3A_63 = arith.addi %mul3A_62, %add3A_60 : i32
      "tpu.region"() ({
        %run_scoped3A = tpu.sem_alloc : memref<!tpu.dma_semaphore, #tpu.memory_space<semaphore_mem>>
        %dma_start3A_64 = arith.constant 0 : i32
        %dma_start3A_65 = tpu.memref_slice %arg13[%add3A_63, %dma_start3A_64] : memref<50176x32xf32, #tpu.memory_space<vmem_shared>> -> memref<64x32xf32, #tpu.memory_space<vmem_shared>>
        %dma_start3A_66 = arith.constant 0 : i32
        %dma_start3A_67 = tpu.memref_slice %arg13[%add3A_63, %dma_start3A_66] : memref<50176x32xf32, #tpu.memory_space<vmem_shared>> -> memref<64x32xf32, #tpu.memory_space<vmem_shared>>
        tpu.enqueue_dma source(%arg6 : memref<64x32xf32, #tpu.memory_space<vmem>>) target(%dma_start3A_67 : memref<64x32xf32, #tpu.memory_space<vmem_shared>>) target_semaphore(%run_scoped3A : memref<!tpu.dma_semaphore, #tpu.memory_space<semaphore_mem>>)
        %dma_wait3A_68 = arith.constant 0 : i32
        %dma_wait3A_69 = tpu.memref_slice %arg13[%add3A_63, %dma_wait3A_68] : memref<50176x32xf32, #tpu.memory_space<vmem_shared>> -> memref<64x32xf32, #tpu.memory_space<vmem_shared>>
        %dma_wait3A_70 = arith.constant 0 : i32
        %dma_wait3A_71 = tpu.memref_slice %arg13[%add3A_63, %dma_wait3A_70] : memref<50176x32xf32, #tpu.memory_space<vmem_shared>> -> memref<64x32xf32, #tpu.memory_space<vmem_shared>>
        tpu.wait_dma2 semaphore(%run_scoped3A : memref<!tpu.dma_semaphore, #tpu.memory_space<semaphore_mem>>) src(%arg6 : memref<64x32xf32, #tpu.memory_space<vmem>>) dst(%dma_wait3A_71 : memref<64x32xf32, #tpu.memory_space<vmem_shared>>)
        tpu.yield
      }) : () -> ()
    }
    %scan3A_8 = arith.constant 49 : i32
    %barrier3A = arith.constant 0 : index
    tpu.barrier barrier_id(%barrier3A)
    %mul3A = arith.constant 6272 : i32
    %mul3A_9 = arith.muli %arg0, %mul3A : i32
    %mul3A_10 = arith.constant 392 : i32
    %mul3A_11 = arith.muli %arg1, %mul3A_10 : i32
    %add3A = arith.addi %mul3A_9, %mul3A_11 : i32
    %mul3A_12 = arith.constant 392 : i32
    %mul3A_13 = arith.muli %arg1, %mul3A_12 : i32
    "tpu.region"() ({
      %run_scoped3A = tpu.sem_alloc : memref<!tpu.dma_semaphore, #tpu.memory_space<semaphore_mem>>
      %dma_start3A_56 = arith.constant 0 : i32
      %dma_start3A_57 = tpu.memref_slice %arg3[%add3A, %dma_start3A_56] : memref<12544x128xi32, #tpu.memory_space<hbm>> -> memref<1x128xi32, #tpu.memory_space<hbm>>
      %dma_start3A_58 = arith.constant 0 : i32
      %dma_start3A_59 = tpu.memref_slice %arg3[%add3A, %dma_start3A_58] : memref<12544x128xi32, #tpu.memory_space<hbm>> -> memref<1x128xi32, #tpu.memory_space<hbm>>
      tpu.enqueue_dma source(%dma_start3A_59 : memref<1x128xi32, #tpu.memory_space<hbm>>) target(%arg7 : memref<1x128xi32, #tpu.memory_space<vmem>>) target_semaphore(%run_scoped3A : memref<!tpu.dma_semaphore, #tpu.memory_space<semaphore_mem>>)
      %dma_wait3A_60 = arith.constant 0 : i32
      %dma_wait3A_61 = tpu.memref_slice %arg3[%add3A, %dma_wait3A_60] : memref<12544x128xi32, #tpu.memory_space<hbm>> -> memref<1x128xi32, #tpu.memory_space<hbm>>
      %dma_wait3A_62 = arith.constant 0 : i32
      %dma_wait3A_63 = tpu.memref_slice %arg3[%add3A, %dma_wait3A_62] : memref<12544x128xi32, #tpu.memory_space<hbm>> -> memref<1x128xi32, #tpu.memory_space<hbm>>
      tpu.wait_dma2 semaphore(%run_scoped3A : memref<!tpu.dma_semaphore, #tpu.memory_space<semaphore_mem>>) src(%dma_wait3A_63 : memref<1x128xi32, #tpu.memory_space<hbm>>) dst(%arg7 : memref<1x128xi32, #tpu.memory_space<vmem>>)
      tpu.yield
    }) : () -> ()
    %add3A_14 = arith.constant 1 : i32
    %add3A_15 = arith.addi %add3A, %add3A_14 : i32
    %dma_start3A = arith.constant 0 : i32
    %dma_start3A_16 = tpu.memref_slice %arg3[%add3A_15, %dma_start3A] : memref<12544x128xi32, #tpu.memory_space<hbm>> -> memref<1x128xi32, #tpu.memory_space<hbm>>
    %dma_start3A_17 = arith.constant 0 : i32
    %dma_start3A_18 = tpu.memref_slice %arg3[%add3A_15, %dma_start3A_17] : memref<12544x128xi32, #tpu.memory_space<hbm>> -> memref<1x128xi32, #tpu.memory_space<hbm>>
    tpu.enqueue_dma source(%dma_start3A_18 : memref<1x128xi32, #tpu.memory_space<hbm>>) target(%arg9 : memref<1x128xi32, #tpu.memory_space<vmem>>) target_semaphore(%arg19 : memref<!tpu.dma_semaphore, #tpu.memory_space<semaphore_mem>>)
    %dma_start3A_19 = arith.constant 0 : i32
    %dma_start3A_20 = arith.constant 0 : i32
    %dma_start3A_21 = tpu.memref_slice %arg7[%dma_start3A_19, %dma_start3A_20] : memref<1x128xi32, #tpu.memory_space<vmem>> -> memref<1x128xi32, #tpu.memory_space<vmem>>
    %dma_start3A_22 = tpu.memref_squeeze %dma_start3A_21 : memref<1x128xi32, #tpu.memory_space<vmem>> -> memref<128xi32, #tpu.memory_space<vmem>>
    %dma_start3A_23 = arith.constant 0 : i32
    %dma_start3A_24 = arith.constant 0 : i32
    %dma_start3A_25 = tpu.memref_slice %arg2[%dma_start3A_23, %dma_start3A_24] : memref<100000x32xf32, #tpu.memory_space<hbm>> -> memref<100000x32xf32, #tpu.memory_space<hbm>>
    tpu.enqueue_indirect_dma source(%dma_start3A_25 : memref<100000x32xf32, #tpu.memory_space<hbm>>) target(%arg11 : memref<128x32xf32, #tpu.memory_space<vmem>>) offsets(%dma_start3A_22 : memref<128xi32, #tpu.memory_space<vmem>>) semaphore(%arg14 : memref<!tpu.dma_semaphore, #tpu.memory_space<semaphore_mem>>)
    %dma_start3A_26 = arith.constant 0 : i32
    %dma_start3A_27 = tpu.memref_slice %arg4[%mul3A_13, %dma_start3A_26] : memref<6272x128xi32, #tpu.memory_space<hbm>> -> memref<1x128xi32, #tpu.memory_space<hbm>>
    %dma_start3A_28 = arith.constant 0 : i32
    %dma_start3A_29 = tpu.memref_slice %arg4[%mul3A_13, %dma_start3A_28] : memref<6272x128xi32, #tpu.memory_space<hbm>> -> memref<1x128xi32, #tpu.memory_space<hbm>>
    tpu.enqueue_dma source(%dma_start3A_29 : memref<1x128xi32, #tpu.memory_space<hbm>>) target(%arg8 : memref<1x128xi32, #tpu.memory_space<vmem>>) target_semaphore(%arg20 : memref<!tpu.dma_semaphore, #tpu.memory_space<semaphore_mem>>)
    %scan3A_30 = arith.constant 0 : i32
    %scan3A_31 = arith.constant 196 : i32
    %scan3A_32 = arith.addi %scan3A_30, %scan3A_31 : i32
    %scan3A_33 = arith.constant 1 : i32
    scf.for %scan3A_56 = %scan3A_30 to %scan3A_32 step %scan3A_33  : i32 {
      %mul3A_57 = arith.constant 2 : i32
      %mul3A_58 = arith.muli %scan3A_56, %mul3A_57 : i32
      %add3A_59 = arith.constant 0 : i32
      %add3A_60 = arith.addi %add3A_59, %mul3A_58 : i32
      %dma_wait3A_61 = arith.constant 0 : i32
      %dma_wait3A_62 = arith.constant 0 : i32
      %dma_wait3A_63 = tpu.memref_slice %arg7[%dma_wait3A_61, %dma_wait3A_62] : memref<1x128xi32, #tpu.memory_space<vmem>> -> memref<1x128xi32, #tpu.memory_space<vmem>>
      %dma_wait3A_64 = tpu.memref_squeeze %dma_wait3A_63 : memref<1x128xi32, #tpu.memory_space<vmem>> -> memref<128xi32, #tpu.memory_space<vmem>>
      %dma_wait3A_65 = arith.constant 0 : i32
      %dma_wait3A_66 = arith.constant 0 : i32
      %dma_wait3A_67 = tpu.memref_slice %arg2[%dma_wait3A_65, %dma_wait3A_66] : memref<100000x32xf32, #tpu.memory_space<hbm>> -> memref<100000x32xf32, #tpu.memory_space<hbm>>
      tpu.wait_indirect_dma semaphore(%arg14 : memref<!tpu.dma_semaphore, #tpu.memory_space<semaphore_mem>>) src(%dma_wait3A_67 : memref<100000x32xf32, #tpu.memory_space<hbm>>) dst(%arg11 : memref<128x32xf32, #tpu.memory_space<vmem>>)
      %add3A_68 = arith.constant 2 : i32
      %add3A_69 = arith.addi %add3A_60, %add3A_68 : i32
      %lt3A = arith.constant 392 : i32
      %lt3A_70 = arith.cmpi slt, %add3A_69, %lt3A : i32
      %convert_element_type3A = arith.extui %lt3A_70 : i1 to i32
      %cond3A = arith.constant 0 : i32
      %cond3A_71 = arith.cmpi ne, %convert_element_type3A, %cond3A : i32
      scf.if %cond3A_71 {
        %add3A_126 = arith.addi %add3A, %add3A_60 : i32
        %add3A_127 = arith.constant 2 : i32
        %add3A_128 = arith.addi %add3A_126, %add3A_127 : i32
        %dma_start3A_129 = arith.constant 0 : i32
        %dma_start3A_130 = tpu.memref_slice %arg3[%add3A_128, %dma_start3A_129] : memref<12544x128xi32, #tpu.memory_space<hbm>> -> memref<1x128xi32, #tpu.memory_space<hbm>>
        %dma_start3A_131 = arith.constant 0 : i32
        %dma_start3A_132 = tpu.memref_slice %arg3[%add3A_128, %dma_start3A_131] : memref<12544x128xi32, #tpu.memory_space<hbm>> -> memref<1x128xi32, #tpu.memory_space<hbm>>
        tpu.enqueue_dma source(%dma_start3A_132 : memref<1x128xi32, #tpu.memory_space<hbm>>) target(%arg7 : memref<1x128xi32, #tpu.memory_space<vmem>>) target_semaphore(%arg18 : memref<!tpu.dma_semaphore, #tpu.memory_space<semaphore_mem>>)
      } else {
      }
      %add3A_72 = arith.addi %mul3A_13, %add3A_60 : i32
      %dma_wait3A_73 = arith.constant 0 : i32
      %dma_wait3A_74 = tpu.memref_slice %arg4[%add3A_72, %dma_wait3A_73] : memref<6272x128xi32, #tpu.memory_space<hbm>> -> memref<1x128xi32, #tpu.memory_space<hbm>>
      %dma_wait3A_75 = arith.constant 0 : i32
      %dma_wait3A_76 = tpu.memref_slice %arg4[%add3A_72, %dma_wait3A_75] : memref<6272x128xi32, #tpu.memory_space<hbm>> -> memref<1x128xi32, #tpu.memory_space<hbm>>
      tpu.wait_dma2 semaphore(%arg20 : memref<!tpu.dma_semaphore, #tpu.memory_space<semaphore_mem>>) src(%dma_wait3A_76 : memref<1x128xi32, #tpu.memory_space<hbm>>) dst(%arg8 : memref<1x128xi32, #tpu.memory_space<vmem>>)
      %dma_start3A_77 = arith.constant 0 : i32
      %dma_start3A_78 = arith.constant 0 : i32
      %dma_start3A_79 = tpu.memref_slice %arg8[%dma_start3A_77, %dma_start3A_78] : memref<1x128xi32, #tpu.memory_space<vmem>> -> memref<1x128xi32, #tpu.memory_space<vmem>>
      %dma_start3A_80 = tpu.memref_squeeze %dma_start3A_79 : memref<1x128xi32, #tpu.memory_space<vmem>> -> memref<128xi32, #tpu.memory_space<vmem>>
      %dma_start3A_81 = arith.constant 0 : i32
      %dma_start3A_82 = arith.constant 0 : i32
      %dma_start3A_83 = tpu.memref_slice %arg13[%dma_start3A_81, %dma_start3A_82] : memref<50176x32xf32, #tpu.memory_space<vmem_shared>> -> memref<50176x32xf32, #tpu.memory_space<vmem_shared>>
      tpu.enqueue_indirect_dma source(%arg11 : memref<128x32xf32, #tpu.memory_space<vmem>>) target(%dma_start3A_83 : memref<50176x32xf32, #tpu.memory_space<vmem_shared>>) offsets(%dma_start3A_80 : memref<128xi32, #tpu.memory_space<vmem>>) semaphore(%arg16 : memref<!tpu.dma_semaphore, #tpu.memory_space<semaphore_mem>>) {add = true}
      %add3A_84 = arith.constant 1 : i32
      %add3A_85 = arith.addi %add3A_60, %add3A_84 : i32
      %lt3A_86 = arith.constant 392 : i32
      %lt3A_87 = arith.cmpi slt, %add3A_85, %lt3A_86 : i32
      %convert_element_type3A_88 = arith.extui %lt3A_87 : i1 to i32
      %cond3A_89 = arith.constant 0 : i32
      %cond3A_90 = arith.cmpi ne, %convert_element_type3A_88, %cond3A_89 : i32
      scf.if %cond3A_90 {
        %gt3A = arith.constant 0 : i32
        %gt3A_126 = arith.cmpi sgt, %add3A_60, %gt3A : i32
        %convert_element_type3A_127 = arith.extui %gt3A_126 : i1 to i32
        %cond3A_128 = arith.constant 0 : i32
        %cond3A_129 = arith.cmpi ne, %convert_element_type3A_127, %cond3A_128 : i32
        scf.if %cond3A_129 {
          %dma_wait3A_148 = arith.constant 0 : i32
          %dma_wait3A_149 = arith.constant 0 : i32
          %dma_wait3A_150 = tpu.memref_slice %arg10[%dma_wait3A_148, %dma_wait3A_149] : memref<1x128xi32, #tpu.memory_space<vmem>> -> memref<1x128xi32, #tpu.memory_space<vmem>>
          %dma_wait3A_151 = tpu.memref_squeeze %dma_wait3A_150 : memref<1x128xi32, #tpu.memory_space<vmem>> -> memref<128xi32, #tpu.memory_space<vmem>>
          %dma_wait3A_152 = arith.constant 0 : i32
          %dma_wait3A_153 = arith.constant 0 : i32
          %dma_wait3A_154 = tpu.memref_slice %arg13[%dma_wait3A_152, %dma_wait3A_153] : memref<50176x32xf32, #tpu.memory_space<vmem_shared>> -> memref<50176x32xf32, #tpu.memory_space<vmem_shared>>
          tpu.wait_indirect_dma semaphore(%arg17 : memref<!tpu.dma_semaphore, #tpu.memory_space<semaphore_mem>>) src(%arg12 : memref<128x32xf32, #tpu.memory_space<vmem>>) dst(%dma_wait3A_154 : memref<50176x32xf32, #tpu.memory_space<vmem_shared>>)
        } else {
        }
        %dma_wait3A_130 = arith.constant 0 : i32
        %dma_wait3A_131 = tpu.memref_slice %arg3[%add3A, %dma_wait3A_130] : memref<12544x128xi32, #tpu.memory_space<hbm>> -> memref<1x128xi32, #tpu.memory_space<hbm>>
        %dma_wait3A_132 = arith.constant 0 : i32
        %dma_wait3A_133 = tpu.memref_slice %arg3[%add3A, %dma_wait3A_132] : memref<12544x128xi32, #tpu.memory_space<hbm>> -> memref<1x128xi32, #tpu.memory_space<hbm>>
        tpu.wait_dma2 semaphore(%arg19 : memref<!tpu.dma_semaphore, #tpu.memory_space<semaphore_mem>>) src(%dma_wait3A_133 : memref<1x128xi32, #tpu.memory_space<hbm>>) dst(%arg9 : memref<1x128xi32, #tpu.memory_space<vmem>>)
        %dma_start3A_134 = arith.constant 0 : i32
        %dma_start3A_135 = arith.constant 0 : i32
        %dma_start3A_136 = tpu.memref_slice %arg9[%dma_start3A_134, %dma_start3A_135] : memref<1x128xi32, #tpu.memory_space<vmem>> -> memref<1x128xi32, #tpu.memory_space<vmem>>
        %dma_start3A_137 = tpu.memref_squeeze %dma_start3A_136 : memref<1x128xi32, #tpu.memory_space<vmem>> -> memref<128xi32, #tpu.memory_space<vmem>>
        %dma_start3A_138 = arith.constant 0 : i32
        %dma_start3A_139 = arith.constant 0 : i32
        %dma_start3A_140 = tpu.memref_slice %arg2[%dma_start3A_138, %dma_start3A_139] : memref<100000x32xf32, #tpu.memory_space<hbm>> -> memref<100000x32xf32, #tpu.memory_space<hbm>>
        tpu.enqueue_indirect_dma source(%dma_start3A_140 : memref<100000x32xf32, #tpu.memory_space<hbm>>) target(%arg12 : memref<128x32xf32, #tpu.memory_space<vmem>>) offsets(%dma_start3A_137 : memref<128xi32, #tpu.memory_space<vmem>>) semaphore(%arg15 : memref<!tpu.dma_semaphore, #tpu.memory_space<semaphore_mem>>)
        %add3A_141 = arith.addi %mul3A_13, %add3A_60 : i32
        %add3A_142 = arith.constant 1 : i32
        %add3A_143 = arith.addi %add3A_141, %add3A_142 : i32
        %dma_start3A_144 = arith.constant 0 : i32
        %dma_start3A_145 = tpu.memref_slice %arg4[%add3A_143, %dma_start3A_144] : memref<6272x128xi32, #tpu.memory_space<hbm>> -> memref<1x128xi32, #tpu.memory_space<hbm>>
        %dma_start3A_146 = arith.constant 0 : i32
        %dma_start3A_147 = tpu.memref_slice %arg4[%add3A_143, %dma_start3A_146] : memref<6272x128xi32, #tpu.memory_space<hbm>> -> memref<1x128xi32, #tpu.memory_space<hbm>>
        tpu.enqueue_dma source(%dma_start3A_147 : memref<1x128xi32, #tpu.memory_space<hbm>>) target(%arg10 : memref<1x128xi32, #tpu.memory_space<vmem>>) target_semaphore(%arg21 : memref<!tpu.dma_semaphore, #tpu.memory_space<semaphore_mem>>)
      } else {
      }
      %add3A_91 = arith.constant 1 : i32
      %add3A_92 = arith.addi %add3A_60, %add3A_91 : i32
      %dma_wait3A_93 = arith.constant 0 : i32
      %dma_wait3A_94 = arith.constant 0 : i32
      %dma_wait3A_95 = tpu.memref_slice %arg9[%dma_wait3A_93, %dma_wait3A_94] : memref<1x128xi32, #tpu.memory_space<vmem>> -> memref<1x128xi32, #tpu.memory_space<vmem>>
      %dma_wait3A_96 = tpu.memref_squeeze %dma_wait3A_95 : memref<1x128xi32, #tpu.memory_space<vmem>> -> memref<128xi32, #tpu.memory_space<vmem>>
      %dma_wait3A_97 = arith.constant 0 : i32
      %dma_wait3A_98 = arith.constant 0 : i32
      %dma_wait3A_99 = tpu.memref_slice %arg2[%dma_wait3A_97, %dma_wait3A_98] : memref<100000x32xf32, #tpu.memory_space<hbm>> -> memref<100000x32xf32, #tpu.memory_space<hbm>>
      tpu.wait_indirect_dma semaphore(%arg15 : memref<!tpu.dma_semaphore, #tpu.memory_space<semaphore_mem>>) src(%dma_wait3A_99 : memref<100000x32xf32, #tpu.memory_space<hbm>>) dst(%arg12 : memref<128x32xf32, #tpu.memory_space<vmem>>)
      %add3A_100 = arith.constant 2 : i32
      %add3A_101 = arith.addi %add3A_92, %add3A_100 : i32
      %lt3A_102 = arith.constant 392 : i32
      %lt3A_103 = arith.cmpi slt, %add3A_101, %lt3A_102 : i32
      %convert_element_type3A_104 = arith.extui %lt3A_103 : i1 to i32
      %cond3A_105 = arith.constant 0 : i32
      %cond3A_106 = arith.cmpi ne, %convert_element_type3A_104, %cond3A_105 : i32
      scf.if %cond3A_106 {
        %add3A_126 = arith.addi %add3A, %add3A_92 : i32
        %add3A_127 = arith.constant 2 : i32
        %add3A_128 = arith.addi %add3A_126, %add3A_127 : i32
        %dma_start3A_129 = arith.constant 0 : i32
        %dma_start3A_130 = tpu.memref_slice %arg3[%add3A_128, %dma_start3A_129] : memref<12544x128xi32, #tpu.memory_space<hbm>> -> memref<1x128xi32, #tpu.memory_space<hbm>>
        %dma_start3A_131 = arith.constant 0 : i32
        %dma_start3A_132 = tpu.memref_slice %arg3[%add3A_128, %dma_start3A_131] : memref<12544x128xi32, #tpu.memory_space<hbm>> -> memref<1x128xi32, #tpu.memory_space<hbm>>
        tpu.enqueue_dma source(%dma_start3A_132 : memref<1x128xi32, #tpu.memory_space<hbm>>) target(%arg9 : memref<1x128xi32, #tpu.memory_space<vmem>>) target_semaphore(%arg19 : memref<!tpu.dma_semaphore, #tpu.memory_space<semaphore_mem>>)
      } else {
      }
      %add3A_107 = arith.addi %mul3A_13, %add3A_92 : i32
      %dma_wait3A_108 = arith.constant 0 : i32
      %dma_wait3A_109 = tpu.memref_slice %arg4[%add3A_107, %dma_wait3A_108] : memref<6272x128xi32, #tpu.memory_space<hbm>> -> memref<1x128xi32, #tpu.memory_space<hbm>>
      %dma_wait3A_110 = arith.constant 0 : i32
      %dma_wait3A_111 = tpu.memref_slice %arg4[%add3A_107, %dma_wait3A_110] : memref<6272x128xi32, #tpu.memory_space<hbm>> -> memref<1x128xi32, #tpu.memory_space<hbm>>
      tpu.wait_dma2 semaphore(%arg21 : memref<!tpu.dma_semaphore, #tpu.memory_space<semaphore_mem>>) src(%dma_wait3A_111 : memref<1x128xi32, #tpu.memory_space<hbm>>) dst(%arg10 : memref<1x128xi32, #tpu.memory_space<vmem>>)
      %dma_start3A_112 = arith.constant 0 : i32
      %dma_start3A_113 = arith.constant 0 : i32
      %dma_start3A_114 = tpu.memref_slice %arg10[%dma_start3A_112, %dma_start3A_113] : memref<1x128xi32, #tpu.memory_space<vmem>> -> memref<1x128xi32, #tpu.memory_space<vmem>>
      %dma_start3A_115 = tpu.memref_squeeze %dma_start3A_114 : memref<1x128xi32, #tpu.memory_space<vmem>> -> memref<128xi32, #tpu.memory_space<vmem>>
      %dma_start3A_116 = arith.constant 0 : i32
      %dma_start3A_117 = arith.constant 0 : i32
      %dma_start3A_118 = tpu.memref_slice %arg13[%dma_start3A_116, %dma_start3A_117] : memref<50176x32xf32, #tpu.memory_space<vmem_shared>> -> memref<50176x32xf32, #tpu.memory_space<vmem_shared>>
      tpu.enqueue_indirect_dma source(%arg12 : memref<128x32xf32, #tpu.memory_space<vmem>>) target(%dma_start3A_118 : memref<50176x32xf32, #tpu.memory_space<vmem_shared>>) offsets(%dma_start3A_115 : memref<128xi32, #tpu.memory_space<vmem>>) semaphore(%arg17 : memref<!tpu.dma_semaphore, #tpu.memory_space<semaphore_mem>>) {add = true}
      %add3A_119 = arith.constant 1 : i32
      %add3A_120 = arith.addi %add3A_92, %add3A_119 : i32
      %lt3A_121 = arith.constant 392 : i32
      %lt3A_122 = arith.cmpi slt, %add3A_120, %lt3A_121 : i32
      %convert_element_type3A_123 = arith.extui %lt3A_122 : i1 to i32
      %cond3A_124 = arith.constant 0 : i32
      %cond3A_125 = arith.cmpi ne, %convert_element_type3A_123, %cond3A_124 : i32
      scf.if %cond3A_125 {
        %gt3A = arith.constant 0 : i32
        %gt3A_126 = arith.cmpi sgt, %add3A_92, %gt3A : i32
        %convert_element_type3A_127 = arith.extui %gt3A_126 : i1 to i32
        %cond3A_128 = arith.constant 0 : i32
        %cond3A_129 = arith.cmpi ne, %convert_element_type3A_127, %cond3A_128 : i32
        scf.if %cond3A_129 {
          %dma_wait3A_148 = arith.constant 0 : i32
          %dma_wait3A_149 = arith.constant 0 : i32
          %dma_wait3A_150 = tpu.memref_slice %arg8[%dma_wait3A_148, %dma_wait3A_149] : memref<1x128xi32, #tpu.memory_space<vmem>> -> memref<1x128xi32, #tpu.memory_space<vmem>>
          %dma_wait3A_151 = tpu.memref_squeeze %dma_wait3A_150 : memref<1x128xi32, #tpu.memory_space<vmem>> -> memref<128xi32, #tpu.memory_space<vmem>>
          %dma_wait3A_152 = arith.constant 0 : i32
          %dma_wait3A_153 = arith.constant 0 : i32
          %dma_wait3A_154 = tpu.memref_slice %arg13[%dma_wait3A_152, %dma_wait3A_153] : memref<50176x32xf32, #tpu.memory_space<vmem_shared>> -> memref<50176x32xf32, #tpu.memory_space<vmem_shared>>
          tpu.wait_indirect_dma semaphore(%arg16 : memref<!tpu.dma_semaphore, #tpu.memory_space<semaphore_mem>>) src(%arg11 : memref<128x32xf32, #tpu.memory_space<vmem>>) dst(%dma_wait3A_154 : memref<50176x32xf32, #tpu.memory_space<vmem_shared>>)
        } else {
        }
        %dma_wait3A_130 = arith.constant 0 : i32
        %dma_wait3A_131 = tpu.memref_slice %arg3[%add3A, %dma_wait3A_130] : memref<12544x128xi32, #tpu.memory_space<hbm>> -> memref<1x128xi32, #tpu.memory_space<hbm>>
        %dma_wait3A_132 = arith.constant 0 : i32
        %dma_wait3A_133 = tpu.memref_slice %arg3[%add3A, %dma_wait3A_132] : memref<12544x128xi32, #tpu.memory_space<hbm>> -> memref<1x128xi32, #tpu.memory_space<hbm>>
        tpu.wait_dma2 semaphore(%arg18 : memref<!tpu.dma_semaphore, #tpu.memory_space<semaphore_mem>>) src(%dma_wait3A_133 : memref<1x128xi32, #tpu.memory_space<hbm>>) dst(%arg7 : memref<1x128xi32, #tpu.memory_space<vmem>>)
        %dma_start3A_134 = arith.constant 0 : i32
        %dma_start3A_135 = arith.constant 0 : i32
        %dma_start3A_136 = tpu.memref_slice %arg7[%dma_start3A_134, %dma_start3A_135] : memref<1x128xi32, #tpu.memory_space<vmem>> -> memref<1x128xi32, #tpu.memory_space<vmem>>
        %dma_start3A_137 = tpu.memref_squeeze %dma_start3A_136 : memref<1x128xi32, #tpu.memory_space<vmem>> -> memref<128xi32, #tpu.memory_space<vmem>>
        %dma_start3A_138 = arith.constant 0 : i32
        %dma_start3A_139 = arith.constant 0 : i32
        %dma_start3A_140 = tpu.memref_slice %arg2[%dma_start3A_138, %dma_start3A_139] : memref<100000x32xf32, #tpu.memory_space<hbm>> -> memref<100000x32xf32, #tpu.memory_space<hbm>>
        tpu.enqueue_indirect_dma source(%dma_start3A_140 : memref<100000x32xf32, #tpu.memory_space<hbm>>) target(%arg11 : memref<128x32xf32, #tpu.memory_space<vmem>>) offsets(%dma_start3A_137 : memref<128xi32, #tpu.memory_space<vmem>>) semaphore(%arg14 : memref<!tpu.dma_semaphore, #tpu.memory_space<semaphore_mem>>)
        %add3A_141 = arith.addi %mul3A_13, %add3A_92 : i32
        %add3A_142 = arith.constant 1 : i32
        %add3A_143 = arith.addi %add3A_141, %add3A_142 : i32
        %dma_start3A_144 = arith.constant 0 : i32
        %dma_start3A_145 = tpu.memref_slice %arg4[%add3A_143, %dma_start3A_144] : memref<6272x128xi32, #tpu.memory_space<hbm>> -> memref<1x128xi32, #tpu.memory_space<hbm>>
        %dma_start3A_146 = arith.constant 0 : i32
        %dma_start3A_147 = tpu.memref_slice %arg4[%add3A_143, %dma_start3A_146] : memref<6272x128xi32, #tpu.memory_space<hbm>> -> memref<1x128xi32, #tpu.memory_space<hbm>>
        tpu.enqueue_dma source(%dma_start3A_147 : memref<1x128xi32, #tpu.memory_space<hbm>>) target(%arg8 : memref<1x128xi32, #tpu.memory_space<vmem>>) target_semaphore(%arg20 : memref<!tpu.dma_semaphore, #tpu.memory_space<semaphore_mem>>)
      } else {
      }
    }
    %scan3A_34 = arith.constant 196 : i32
    %dma_wait3A = arith.constant 0 : i32
    %dma_wait3A_35 = arith.constant 0 : i32
    %dma_wait3A_36 = tpu.memref_slice %arg8[%dma_wait3A, %dma_wait3A_35] : memref<1x128xi32, #tpu.memory_space<vmem>> -> memref<1x128xi32, #tpu.memory_space<vmem>>
    %dma_wait3A_37 = tpu.memref_squeeze %dma_wait3A_36 : memref<1x128xi32, #tpu.memory_space<vmem>> -> memref<128xi32, #tpu.memory_space<vmem>>
    %dma_wait3A_38 = arith.constant 0 : i32
    %dma_wait3A_39 = arith.constant 0 : i32
    %dma_wait3A_40 = tpu.memref_slice %arg13[%dma_wait3A_38, %dma_wait3A_39] : memref<50176x32xf32, #tpu.memory_space<vmem_shared>> -> memref<50176x32xf32, #tpu.memory_space<vmem_shared>>
    tpu.wait_indirect_dma semaphore(%arg16 : memref<!tpu.dma_semaphore, #tpu.memory_space<semaphore_mem>>) src(%arg11 : memref<128x32xf32, #tpu.memory_space<vmem>>) dst(%dma_wait3A_40 : memref<50176x32xf32, #tpu.memory_space<vmem_shared>>)
    %dma_wait3A_41 = arith.constant 0 : i32
    %dma_wait3A_42 = arith.constant 0 : i32
    %dma_wait3A_43 = tpu.memref_slice %arg10[%dma_wait3A_41, %dma_wait3A_42] : memref<1x128xi32, #tpu.memory_space<vmem>> -> memref<1x128xi32, #tpu.memory_space<vmem>>
    %dma_wait3A_44 = tpu.memref_squeeze %dma_wait3A_43 : memref<1x128xi32, #tpu.memory_space<vmem>> -> memref<128xi32, #tpu.memory_space<vmem>>
    %dma_wait3A_45 = arith.constant 0 : i32
    %dma_wait3A_46 = arith.constant 0 : i32
    %dma_wait3A_47 = tpu.memref_slice %arg13[%dma_wait3A_45, %dma_wait3A_46] : memref<50176x32xf32, #tpu.memory_space<vmem_shared>> -> memref<50176x32xf32, #tpu.memory_space<vmem_shared>>
    tpu.wait_indirect_dma semaphore(%arg17 : memref<!tpu.dma_semaphore, #tpu.memory_space<semaphore_mem>>) src(%arg12 : memref<128x32xf32, #tpu.memory_space<vmem>>) dst(%dma_wait3A_47 : memref<50176x32xf32, #tpu.memory_space<vmem_shared>>)
    %barrier3A_48 = arith.constant 0 : index
    tpu.barrier barrier_id(%barrier3A_48)
    %mul3A_49 = arith.constant 3136 : i32
    %mul3A_50 = arith.muli %arg1, %mul3A_49 : i32
    %mul3A_51 = arith.constant 50176 : i32
    %mul3A_52 = arith.muli %arg0, %mul3A_51 : i32
    %mul3A_53 = arith.constant 3136 : i32
    %mul3A_54 = arith.muli %arg1, %mul3A_53 : i32
    %add3A_55 = arith.addi %mul3A_52, %mul3A_54 : i32
    "tpu.region"() ({
      %run_scoped3A = tpu.sem_alloc : memref<!tpu.dma_semaphore, #tpu.memory_space<semaphore_mem>>
      %dma_start3A_56 = arith.constant 0 : i32
      %dma_start3A_57 = tpu.memref_slice %arg5[%add3A_55, %dma_start3A_56] : memref<100352x32xf32, #tpu.memory_space<hbm>> -> memref<3136x32xf32, #tpu.memory_space<hbm>>
      %dma_start3A_58 = arith.constant 0 : i32
      %dma_start3A_59 = tpu.memref_slice %arg13[%mul3A_50, %dma_start3A_58] : memref<50176x32xf32, #tpu.memory_space<vmem_shared>> -> memref<3136x32xf32, #tpu.memory_space<vmem_shared>>
      tpu.enqueue_dma source(%dma_start3A_59 : memref<3136x32xf32, #tpu.memory_space<vmem_shared>>) target(%dma_start3A_57 : memref<3136x32xf32, #tpu.memory_space<hbm>>) target_semaphore(%run_scoped3A : memref<!tpu.dma_semaphore, #tpu.memory_space<semaphore_mem>>)
      %dma_wait3A_60 = arith.constant 0 : i32
      %dma_wait3A_61 = tpu.memref_slice %arg5[%add3A_55, %dma_wait3A_60] : memref<100352x32xf32, #tpu.memory_space<hbm>> -> memref<3136x32xf32, #tpu.memory_space<hbm>>
      %dma_wait3A_62 = arith.constant 0 : i32
      %dma_wait3A_63 = tpu.memref_slice %arg13[%mul3A_50, %dma_wait3A_62] : memref<50176x32xf32, #tpu.memory_space<vmem_shared>> -> memref<3136x32xf32, #tpu.memory_space<vmem_shared>>
      tpu.wait_dma2 semaphore(%run_scoped3A : memref<!tpu.dma_semaphore, #tpu.memory_space<semaphore_mem>>) src(%dma_wait3A_63 : memref<3136x32xf32, #tpu.memory_space<vmem_shared>>) dst(%dma_wait3A_61 : memref<3136x32xf32, #tpu.memory_space<hbm>>)
      tpu.yield
    }) : () -> ()
    return
  }
}

#map = affine_map<(d0, d1) -> (0, 0)>
module attributes {stable_mosaic.version = 14 : i64} {
  func.func @k(%arg0: i32, %arg1: i32, %arg2: memref<6272x128xi32, #tpu.memory_space<hbm>>, %arg3: memref<100352x16xf32, #tpu.memory_space<hbm>>, %arg4: memref<64x16xf32, #tpu.memory_space<vmem>>, %arg5: memref<128x16xf32, #tpu.memory_space<vmem>>, %arg6: memref<4x128xi32, #tpu.memory_space<vmem>>, %arg7: memref<50176x16xf32, #tpu.memory_space<vmem_shared>>) attributes {dimension_semantics = [#tpu.dimension_semantics<core_parallel>, #tpu.dimension_semantics<subcore_parallel>], iteration_bounds = array<i64: 2, 16>, scalar_prefetch = 0 : i64, scratch_operands = 4 : i64, tpu.core_type = #tpu.core_type<sc_vector_subcore>, window_params = [{transform_indices = #map}, {transform_indices = #map}]} {
    %scan3A = arith.constant 0 : i32
    %scan3A_0 = arith.constant 64 : i32
    %scan3A_1 = arith.addi %scan3A, %scan3A_0 : i32
    %scan3A_2 = arith.constant 1 : i32
    scf.for %scan3A_25 = %scan3A to %scan3A_1 step %scan3A_2  : i32 {
      %mul3A_26 = arith.constant 1 : i32
      %mul3A_27 = arith.muli %scan3A_25, %mul3A_26 : i32
      %add3A_28 = arith.constant 0 : i32
      %add3A_29 = arith.addi %add3A_28, %mul3A_27 : i32
      %broadcast_in_dim3A = arith.constant 0.000000e+00 : f32
      %broadcast_in_dim3A_30 = vector.broadcast %broadcast_in_dim3A : f32 to vector<16xf32>
      %swap3A = arith.index_cast %add3A_29 : i32 to index
      %swap3A_31 = arith.constant 0 : index
      %swap3A_32 = tpu.vector_load %arg4[%swap3A, %swap3A_31] {strides = array<i32>} : memref<64x16xf32, #tpu.memory_space<vmem>>, vector<1x16xf32>,
      %swap3A_33 = vector.shape_cast %swap3A_32 : vector<1x16xf32> to vector<16xf32>
      %swap3A_34 = vector.shape_cast %broadcast_in_dim3A_30 : vector<16xf32> to vector<1x16xf32>
      tpu.vector_store %arg4[%swap3A, %swap3A_31], %swap3A_34 {strides = array<i32>} : memref<64x16xf32, #tpu.memory_space<vmem>>, vector<1x16xf32>,
    }
    %scan3A_3 = arith.constant 64 : i32
    %scan3A_4 = arith.constant 0 : i32
    %scan3A_5 = arith.constant 128 : i32
    %scan3A_6 = arith.addi %scan3A_4, %scan3A_5 : i32
    %scan3A_7 = arith.constant 1 : i32
    scf.for %scan3A_25 = %scan3A_4 to %scan3A_6 step %scan3A_7  : i32 {
      %mul3A_26 = arith.constant 1 : i32
      %mul3A_27 = arith.muli %scan3A_25, %mul3A_26 : i32
      %add3A_28 = arith.constant 0 : i32
      %add3A_29 = arith.addi %add3A_28, %mul3A_27 : i32
      %broadcast_in_dim3A = arith.constant 1.000000e+00 : f32
      %broadcast_in_dim3A_30 = vector.broadcast %broadcast_in_dim3A : f32 to vector<16xf32>
      %swap3A = arith.index_cast %add3A_29 : i32 to index
      %swap3A_31 = arith.constant 0 : index
      %swap3A_32 = tpu.vector_load %arg5[%swap3A, %swap3A_31] {strides = array<i32>} : memref<128x16xf32, #tpu.memory_space<vmem>>, vector<1x16xf32>,
      %swap3A_33 = vector.shape_cast %swap3A_32 : vector<1x16xf32> to vector<16xf32>
      %swap3A_34 = vector.shape_cast %broadcast_in_dim3A_30 : vector<16xf32> to vector<1x16xf32>
      tpu.vector_store %arg5[%swap3A, %swap3A_31], %swap3A_34 {strides = array<i32>} : memref<128x16xf32, #tpu.memory_space<vmem>>, vector<1x16xf32>,
    }
    %scan3A_8 = arith.constant 128 : i32
    %scan3A_9 = arith.constant 0 : i32
    %scan3A_10 = arith.constant 49 : i32
    %scan3A_11 = arith.addi %scan3A_9, %scan3A_10 : i32
    %scan3A_12 = arith.constant 1 : i32
    scf.for %scan3A_25 = %scan3A_9 to %scan3A_11 step %scan3A_12  : i32 {
      %mul3A_26 = arith.constant 64 : i32
      %mul3A_27 = arith.muli %scan3A_25, %mul3A_26 : i32
      %add3A_28 = arith.constant 0 : i32
      %add3A_29 = arith.addi %add3A_28, %mul3A_27 : i32
      %mul3A_30 = arith.constant 3136 : i32
      %mul3A_31 = arith.muli %arg1, %mul3A_30 : i32
      %add3A_32 = arith.addi %mul3A_31, %add3A_29 : i32
      "tpu.region"() ({
        %run_scoped3A = tpu.sem_alloc : memref<!tpu.dma_semaphore, #tpu.memory_space<semaphore_mem>>
        %dma_start3A = arith.constant 0 : i32
        %dma_start3A_33 = tpu.memref_slice %arg7[%add3A_32, %dma_start3A] : memref<50176x16xf32, #tpu.memory_space<vmem_shared>> -> memref<64x16xf32, #tpu.memory_space<vmem_shared>>
        %dma_start3A_34 = arith.constant 0 : i32
        %dma_start3A_35 = tpu.memref_slice %arg7[%add3A_32, %dma_start3A_34] : memref<50176x16xf32, #tpu.memory_space<vmem_shared>> -> memref<64x16xf32, #tpu.memory_space<vmem_shared>>
        tpu.enqueue_dma source(%arg4 : memref<64x16xf32, #tpu.memory_space<vmem>>) target(%dma_start3A_35 : memref<64x16xf32, #tpu.memory_space<vmem_shared>>) target_semaphore(%run_scoped3A : memref<!tpu.dma_semaphore, #tpu.memory_space<semaphore_mem>>)
        %dma_wait3A = arith.constant 0 : i32
        %dma_wait3A_36 = tpu.memref_slice %arg7[%add3A_32, %dma_wait3A] : memref<50176x16xf32, #tpu.memory_space<vmem_shared>> -> memref<64x16xf32, #tpu.memory_space<vmem_shared>>
        %dma_wait3A_37 = arith.constant 0 : i32
        %dma_wait3A_38 = tpu.memref_slice %arg7[%add3A_32, %dma_wait3A_37] : memref<50176x16xf32, #tpu.memory_space<vmem_shared>> -> memref<64x16xf32, #tpu.memory_space<vmem_shared>>
        tpu.wait_dma2 semaphore(%run_scoped3A : memref<!tpu.dma_semaphore, #tpu.memory_space<semaphore_mem>>) src(%arg4 : memref<64x16xf32, #tpu.memory_space<vmem>>) dst(%dma_wait3A_38 : memref<64x16xf32, #tpu.memory_space<vmem_shared>>)
        tpu.yield
      }) : () -> ()
    }
    %scan3A_13 = arith.constant 49 : i32
    %barrier3A = arith.constant 0 : index
    tpu.barrier barrier_id(%barrier3A)
    %scan3A_14 = arith.constant 0 : i32
    %scan3A_15 = arith.constant 49 : i32
    %scan3A_16 = arith.addi %scan3A_14, %scan3A_15 : i32
    %scan3A_17 = arith.constant 1 : i32
    scf.for %scan3A_25 = %scan3A_14 to %scan3A_16 step %scan3A_17  : i32 {
      %mul3A_26 = arith.constant 4 : i32
      %mul3A_27 = arith.muli %scan3A_25, %mul3A_26 : i32
      %add3A_28 = arith.constant 0 : i32
      %add3A_29 = arith.addi %add3A_28, %mul3A_27 : i32
      %mul3A_30 = arith.constant 16 : i32
      %mul3A_31 = arith.muli %arg0, %mul3A_30 : i32
      %add3A_32 = arith.addi %mul3A_31, %arg1 : i32
      %mul3A_33 = arith.constant 196 : i32
      %mul3A_34 = arith.muli %add3A_32, %mul3A_33 : i32
      %add3A_35 = arith.addi %mul3A_34, %add3A_29 : i32
      "tpu.region"() ({
        %run_scoped3A_39 = tpu.sem_alloc : memref<!tpu.dma_semaphore, #tpu.memory_space<semaphore_mem>>
        %dma_start3A = arith.constant 0 : i32
        %dma_start3A_40 = tpu.memref_slice %arg2[%add3A_35, %dma_start3A] : memref<6272x128xi32, #tpu.memory_space<hbm>> -> memref<4x128xi32, #tpu.memory_space<hbm>>
        %dma_start3A_41 = arith.constant 0 : i32
        %dma_start3A_42 = tpu.memref_slice %arg2[%add3A_35, %dma_start3A_41] : memref<6272x128xi32, #tpu.memory_space<hbm>> -> memref<4x128xi32, #tpu.memory_space<hbm>>
        tpu.enqueue_dma source(%dma_start3A_42 : memref<4x128xi32, #tpu.memory_space<hbm>>) target(%arg6 : memref<4x128xi32, #tpu.memory_space<vmem>>) target_semaphore(%run_scoped3A_39 : memref<!tpu.dma_semaphore, #tpu.memory_space<semaphore_mem>>)
        %dma_wait3A = arith.constant 0 : i32
        %dma_wait3A_43 = tpu.memref_slice %arg2[%add3A_35, %dma_wait3A] : memref<6272x128xi32, #tpu.memory_space<hbm>> -> memref<4x128xi32, #tpu.memory_space<hbm>>
        %dma_wait3A_44 = arith.constant 0 : i32
        %dma_wait3A_45 = tpu.memref_slice %arg2[%add3A_35, %dma_wait3A_44] : memref<6272x128xi32, #tpu.memory_space<hbm>> -> memref<4x128xi32, #tpu.memory_space<hbm>>
        tpu.wait_dma2 semaphore(%run_scoped3A_39 : memref<!tpu.dma_semaphore, #tpu.memory_space<semaphore_mem>>) src(%dma_wait3A_45 : memref<4x128xi32, #tpu.memory_space<hbm>>) dst(%arg6 : memref<4x128xi32, #tpu.memory_space<vmem>>)
        tpu.yield
      }) : () -> ()
      %run_scoped3A = arith.constant 0 : i32
      "tpu.region"() ({
        %run_scoped3A_39 = tpu.sem_alloc : memref<!tpu.dma_semaphore, #tpu.memory_space<semaphore_mem>>
        %dma_start3A = arith.constant 0 : i32
        %dma_start3A_40 = tpu.memref_slice %arg6[%run_scoped3A, %dma_start3A] : memref<4x128xi32, #tpu.memory_space<vmem>> -> memref<1x128xi32, #tpu.memory_space<vmem>>
        %dma_start3A_41 = tpu.memref_squeeze %dma_start3A_40 : memref<1x128xi32, #tpu.memory_space<vmem>> -> memref<128xi32, #tpu.memory_space<vmem>>
        %dma_start3A_42 = arith.constant 0 : i32
        %dma_start3A_43 = arith.constant 0 : i32
        %dma_start3A_44 = tpu.memref_slice %arg7[%dma_start3A_42, %dma_start3A_43] : memref<50176x16xf32, #tpu.memory_space<vmem_shared>> -> memref<50176x16xf32, #tpu.memory_space<vmem_shared>>
        tpu.enqueue_indirect_dma source(%arg5 : memref<128x16xf32, #tpu.memory_space<vmem>>) target(%dma_start3A_44 : memref<50176x16xf32, #tpu.memory_space<vmem_shared>>) offsets(%dma_start3A_41 : memref<128xi32, #tpu.memory_space<vmem>>) semaphore(%run_scoped3A_39 : memref<!tpu.dma_semaphore, #tpu.memory_space<semaphore_mem>>) {add = true}
        %dma_wait3A = arith.constant 0 : i32
        %dma_wait3A_45 = tpu.memref_slice %arg6[%run_scoped3A, %dma_wait3A] : memref<4x128xi32, #tpu.memory_space<vmem>> -> memref<1x128xi32, #tpu.memory_space<vmem>>
        %dma_wait3A_46 = tpu.memref_squeeze %dma_wait3A_45 : memref<1x128xi32, #tpu.memory_space<vmem>> -> memref<128xi32, #tpu.memory_space<vmem>>
        %dma_wait3A_47 = arith.constant 0 : i32
        %dma_wait3A_48 = arith.constant 0 : i32
        %dma_wait3A_49 = tpu.memref_slice %arg7[%dma_wait3A_47, %dma_wait3A_48] : memref<50176x16xf32, #tpu.memory_space<vmem_shared>> -> memref<50176x16xf32, #tpu.memory_space<vmem_shared>>
        tpu.wait_indirect_dma semaphore(%run_scoped3A_39 : memref<!tpu.dma_semaphore, #tpu.memory_space<semaphore_mem>>) src(%arg5 : memref<128x16xf32, #tpu.memory_space<vmem>>) dst(%dma_wait3A_49 : memref<50176x16xf32, #tpu.memory_space<vmem_shared>>)
        tpu.yield
      }) : () -> ()
      %run_scoped3A_36 = arith.constant 1 : i32
      "tpu.region"() ({
        %run_scoped3A_39 = tpu.sem_alloc : memref<!tpu.dma_semaphore, #tpu.memory_space<semaphore_mem>>
        %dma_start3A = arith.constant 0 : i32
        %dma_start3A_40 = tpu.memref_slice %arg6[%run_scoped3A_36, %dma_start3A] : memref<4x128xi32, #tpu.memory_space<vmem>> -> memref<1x128xi32, #tpu.memory_space<vmem>>
        %dma_start3A_41 = tpu.memref_squeeze %dma_start3A_40 : memref<1x128xi32, #tpu.memory_space<vmem>> -> memref<128xi32, #tpu.memory_space<vmem>>
        %dma_start3A_42 = arith.constant 0 : i32
        %dma_start3A_43 = arith.constant 0 : i32
        %dma_start3A_44 = tpu.memref_slice %arg7[%dma_start3A_42, %dma_start3A_43] : memref<50176x16xf32, #tpu.memory_space<vmem_shared>> -> memref<50176x16xf32, #tpu.memory_space<vmem_shared>>
        tpu.enqueue_indirect_dma source(%arg5 : memref<128x16xf32, #tpu.memory_space<vmem>>) target(%dma_start3A_44 : memref<50176x16xf32, #tpu.memory_space<vmem_shared>>) offsets(%dma_start3A_41 : memref<128xi32, #tpu.memory_space<vmem>>) semaphore(%run_scoped3A_39 : memref<!tpu.dma_semaphore, #tpu.memory_space<semaphore_mem>>) {add = true}
        %dma_wait3A = arith.constant 0 : i32
        %dma_wait3A_45 = tpu.memref_slice %arg6[%run_scoped3A_36, %dma_wait3A] : memref<4x128xi32, #tpu.memory_space<vmem>> -> memref<1x128xi32, #tpu.memory_space<vmem>>
        %dma_wait3A_46 = tpu.memref_squeeze %dma_wait3A_45 : memref<1x128xi32, #tpu.memory_space<vmem>> -> memref<128xi32, #tpu.memory_space<vmem>>
        %dma_wait3A_47 = arith.constant 0 : i32
        %dma_wait3A_48 = arith.constant 0 : i32
        %dma_wait3A_49 = tpu.memref_slice %arg7[%dma_wait3A_47, %dma_wait3A_48] : memref<50176x16xf32, #tpu.memory_space<vmem_shared>> -> memref<50176x16xf32, #tpu.memory_space<vmem_shared>>
        tpu.wait_indirect_dma semaphore(%run_scoped3A_39 : memref<!tpu.dma_semaphore, #tpu.memory_space<semaphore_mem>>) src(%arg5 : memref<128x16xf32, #tpu.memory_space<vmem>>) dst(%dma_wait3A_49 : memref<50176x16xf32, #tpu.memory_space<vmem_shared>>)
        tpu.yield
      }) : () -> ()
      %run_scoped3A_37 = arith.constant 2 : i32
      "tpu.region"() ({
        %run_scoped3A_39 = tpu.sem_alloc : memref<!tpu.dma_semaphore, #tpu.memory_space<semaphore_mem>>
        %dma_start3A = arith.constant 0 : i32
        %dma_start3A_40 = tpu.memref_slice %arg6[%run_scoped3A_37, %dma_start3A] : memref<4x128xi32, #tpu.memory_space<vmem>> -> memref<1x128xi32, #tpu.memory_space<vmem>>
        %dma_start3A_41 = tpu.memref_squeeze %dma_start3A_40 : memref<1x128xi32, #tpu.memory_space<vmem>> -> memref<128xi32, #tpu.memory_space<vmem>>
        %dma_start3A_42 = arith.constant 0 : i32
        %dma_start3A_43 = arith.constant 0 : i32
        %dma_start3A_44 = tpu.memref_slice %arg7[%dma_start3A_42, %dma_start3A_43] : memref<50176x16xf32, #tpu.memory_space<vmem_shared>> -> memref<50176x16xf32, #tpu.memory_space<vmem_shared>>
        tpu.enqueue_indirect_dma source(%arg5 : memref<128x16xf32, #tpu.memory_space<vmem>>) target(%dma_start3A_44 : memref<50176x16xf32, #tpu.memory_space<vmem_shared>>) offsets(%dma_start3A_41 : memref<128xi32, #tpu.memory_space<vmem>>) semaphore(%run_scoped3A_39 : memref<!tpu.dma_semaphore, #tpu.memory_space<semaphore_mem>>) {add = true}
        %dma_wait3A = arith.constant 0 : i32
        %dma_wait3A_45 = tpu.memref_slice %arg6[%run_scoped3A_37, %dma_wait3A] : memref<4x128xi32, #tpu.memory_space<vmem>> -> memref<1x128xi32, #tpu.memory_space<vmem>>
        %dma_wait3A_46 = tpu.memref_squeeze %dma_wait3A_45 : memref<1x128xi32, #tpu.memory_space<vmem>> -> memref<128xi32, #tpu.memory_space<vmem>>
        %dma_wait3A_47 = arith.constant 0 : i32
        %dma_wait3A_48 = arith.constant 0 : i32
        %dma_wait3A_49 = tpu.memref_slice %arg7[%dma_wait3A_47, %dma_wait3A_48] : memref<50176x16xf32, #tpu.memory_space<vmem_shared>> -> memref<50176x16xf32, #tpu.memory_space<vmem_shared>>
        tpu.wait_indirect_dma semaphore(%run_scoped3A_39 : memref<!tpu.dma_semaphore, #tpu.memory_space<semaphore_mem>>) src(%arg5 : memref<128x16xf32, #tpu.memory_space<vmem>>) dst(%dma_wait3A_49 : memref<50176x16xf32, #tpu.memory_space<vmem_shared>>)
        tpu.yield
      }) : () -> ()
      %run_scoped3A_38 = arith.constant 3 : i32
      "tpu.region"() ({
        %run_scoped3A_39 = tpu.sem_alloc : memref<!tpu.dma_semaphore, #tpu.memory_space<semaphore_mem>>
        %dma_start3A = arith.constant 0 : i32
        %dma_start3A_40 = tpu.memref_slice %arg6[%run_scoped3A_38, %dma_start3A] : memref<4x128xi32, #tpu.memory_space<vmem>> -> memref<1x128xi32, #tpu.memory_space<vmem>>
        %dma_start3A_41 = tpu.memref_squeeze %dma_start3A_40 : memref<1x128xi32, #tpu.memory_space<vmem>> -> memref<128xi32, #tpu.memory_space<vmem>>
        %dma_start3A_42 = arith.constant 0 : i32
        %dma_start3A_43 = arith.constant 0 : i32
        %dma_start3A_44 = tpu.memref_slice %arg7[%dma_start3A_42, %dma_start3A_43] : memref<50176x16xf32, #tpu.memory_space<vmem_shared>> -> memref<50176x16xf32, #tpu.memory_space<vmem_shared>>
        tpu.enqueue_indirect_dma source(%arg5 : memref<128x16xf32, #tpu.memory_space<vmem>>) target(%dma_start3A_44 : memref<50176x16xf32, #tpu.memory_space<vmem_shared>>) offsets(%dma_start3A_41 : memref<128xi32, #tpu.memory_space<vmem>>) semaphore(%run_scoped3A_39 : memref<!tpu.dma_semaphore, #tpu.memory_space<semaphore_mem>>) {add = true}
        %dma_wait3A = arith.constant 0 : i32
        %dma_wait3A_45 = tpu.memref_slice %arg6[%run_scoped3A_38, %dma_wait3A] : memref<4x128xi32, #tpu.memory_space<vmem>> -> memref<1x128xi32, #tpu.memory_space<vmem>>
        %dma_wait3A_46 = tpu.memref_squeeze %dma_wait3A_45 : memref<1x128xi32, #tpu.memory_space<vmem>> -> memref<128xi32, #tpu.memory_space<vmem>>
        %dma_wait3A_47 = arith.constant 0 : i32
        %dma_wait3A_48 = arith.constant 0 : i32
        %dma_wait3A_49 = tpu.memref_slice %arg7[%dma_wait3A_47, %dma_wait3A_48] : memref<50176x16xf32, #tpu.memory_space<vmem_shared>> -> memref<50176x16xf32, #tpu.memory_space<vmem_shared>>
        tpu.wait_indirect_dma semaphore(%run_scoped3A_39 : memref<!tpu.dma_semaphore, #tpu.memory_space<semaphore_mem>>) src(%arg5 : memref<128x16xf32, #tpu.memory_space<vmem>>) dst(%dma_wait3A_49 : memref<50176x16xf32, #tpu.memory_space<vmem_shared>>)
        tpu.yield
      }) : () -> ()
    }
    %scan3A_18 = arith.constant 49 : i32
    %barrier3A_19 = arith.constant 0 : index
    tpu.barrier barrier_id(%barrier3A_19)
    %mul3A = arith.constant 3136 : i32
    %mul3A_20 = arith.muli %arg1, %mul3A : i32
    %mul3A_21 = arith.constant 50176 : i32
    %mul3A_22 = arith.muli %arg0, %mul3A_21 : i32
    %mul3A_23 = arith.constant 3136 : i32
    %mul3A_24 = arith.muli %arg1, %mul3A_23 : i32
    %add3A = arith.addi %mul3A_22, %mul3A_24 : i32
    "tpu.region"() ({
      %run_scoped3A = tpu.sem_alloc : memref<!tpu.dma_semaphore, #tpu.memory_space<semaphore_mem>>
      %dma_start3A = arith.constant 0 : i32
      %dma_start3A_25 = tpu.memref_slice %arg3[%add3A, %dma_start3A] : memref<100352x16xf32, #tpu.memory_space<hbm>> -> memref<3136x16xf32, #tpu.memory_space<hbm>>
      %dma_start3A_26 = arith.constant 0 : i32
      %dma_start3A_27 = tpu.memref_slice %arg7[%mul3A_20, %dma_start3A_26] : memref<50176x16xf32, #tpu.memory_space<vmem_shared>> -> memref<3136x16xf32, #tpu.memory_space<vmem_shared>>
      tpu.enqueue_dma source(%dma_start3A_27 : memref<3136x16xf32, #tpu.memory_space<vmem_shared>>) target(%dma_start3A_25 : memref<3136x16xf32, #tpu.memory_space<hbm>>) target_semaphore(%run_scoped3A : memref<!tpu.dma_semaphore, #tpu.memory_space<semaphore_mem>>)
      %dma_wait3A = arith.constant 0 : i32
      %dma_wait3A_28 = tpu.memref_slice %arg3[%add3A, %dma_wait3A] : memref<100352x16xf32, #tpu.memory_space<hbm>> -> memref<3136x16xf32, #tpu.memory_space<hbm>>
      %dma_wait3A_29 = arith.constant 0 : i32
      %dma_wait3A_30 = tpu.memref_slice %arg7[%mul3A_20, %dma_wait3A_29] : memref<50176x16xf32, #tpu.memory_space<vmem_shared>> -> memref<3136x16xf32, #tpu.memory_space<vmem_shared>>
      tpu.wait_dma2 semaphore(%run_scoped3A : memref<!tpu.dma_semaphore, #tpu.memory_space<semaphore_mem>>) src(%dma_wait3A_30 : memref<3136x16xf32, #tpu.memory_space<vmem_shared>>) dst(%dma_wait3A_28 : memref<3136x16xf32, #tpu.memory_space<hbm>>)
      tpu.yield
    }) : () -> ()
    return
  }
}

#map = affine_map<(d0, d1) -> (0, 0)>
module attributes {stable_mosaic.version = 14 : i64} {
  func.func @k(%arg0: i32, %arg1: i32, %arg2: memref<100000x32xf32, #tpu.memory_space<hbm>>, %arg3: memref<12544x128xi32, #tpu.memory_space<hbm>>, %arg4: memref<6272x128xi32, #tpu.memory_space<hbm>>, %arg5: memref<100352x32xf32, #tpu.memory_space<hbm>>, %arg6: memref<64x32xf32, #tpu.memory_space<vmem>>, %arg7: memref<1x128xi32, #tpu.memory_space<vmem>>, %arg8: memref<1x128xi32, #tpu.memory_space<vmem>>, %arg9: memref<1x128xi32, #tpu.memory_space<vmem>>, %arg10: memref<1x128xi32, #tpu.memory_space<vmem>>, %arg11: memref<128x32xf32, #tpu.memory_space<vmem>>, %arg12: memref<128x32xf32, #tpu.memory_space<vmem>>, %arg13: memref<50176x32xf32, #tpu.memory_space<vmem_shared>>, %arg14: memref<!tpu.dma_semaphore, #tpu.memory_space<semaphore_mem>>, %arg15: memref<!tpu.dma_semaphore, #tpu.memory_space<semaphore_mem>>, %arg16: memref<!tpu.dma_semaphore, #tpu.memory_space<semaphore_mem>>, %arg17: memref<!tpu.dma_semaphore, #tpu.memory_space<semaphore_mem>>, %arg18: memref<!tpu.dma_semaphore, #tpu.memory_space<semaphore_mem>>, %arg19: memref<!tpu.dma_semaphore, #tpu.memory_space<semaphore_mem>>, %arg20: memref<!tpu.dma_semaphore, #tpu.memory_space<semaphore_mem>>, %arg21: memref<!tpu.dma_semaphore, #tpu.memory_space<semaphore_mem>>) attributes {dimension_semantics = [#tpu.dimension_semantics<core_parallel>, #tpu.dimension_semantics<subcore_parallel>], iteration_bounds = array<i64: 2, 16>, scalar_prefetch = 0 : i64, scratch_operands = 16 : i64, tpu.core_type = #tpu.core_type<sc_vector_subcore>, window_params = [{transform_indices = #map}, {transform_indices = #map}, {transform_indices = #map}, {transform_indices = #map}]} {
    %scan3A = arith.constant 0 : i32
    %scan3A_0 = arith.constant 64 : i32
    %scan3A_1 = arith.addi %scan3A, %scan3A_0 : i32
    %scan3A_2 = arith.constant 1 : i32
    scf.for %scan3A_56 = %scan3A to %scan3A_1 step %scan3A_2  : i32 {
      %mul3A_57 = arith.constant 1 : i32
      %mul3A_58 = arith.muli %scan3A_56, %mul3A_57 : i32
      %add3A_59 = arith.constant 0 : i32
      %add3A_60 = arith.addi %add3A_59, %mul3A_58 : i32
      %broadcast_in_dim3A = arith.constant 0.000000e+00 : f32
      %broadcast_in_dim3A_61 = vector.broadcast %broadcast_in_dim3A : f32 to vector<16xf32>
      %swap3A = arith.index_cast %add3A_60 : i32 to index
      %swap3A_62 = arith.constant 0 : index
      %swap3A_63 = tpu.vector_load %arg6[%swap3A, %swap3A_62] {strides = array<i32>} : memref<64x32xf32, #tpu.memory_space<vmem>>, vector<1x16xf32>,
      %swap3A_64 = vector.shape_cast %swap3A_63 : vector<1x16xf32> to vector<16xf32>
      %swap3A_65 = vector.shape_cast %broadcast_in_dim3A_61 : vector<16xf32> to vector<1x16xf32>
      tpu.vector_store %arg6[%swap3A, %swap3A_62], %swap3A_65 {strides = array<i32>} : memref<64x32xf32, #tpu.memory_space<vmem>>, vector<1x16xf32>,
      %broadcast_in_dim3A_66 = arith.constant 0.000000e+00 : f32
      %broadcast_in_dim3A_67 = vector.broadcast %broadcast_in_dim3A_66 : f32 to vector<16xf32>
      %swap3A_68 = arith.index_cast %add3A_60 : i32 to index
      %swap3A_69 = arith.constant 16 : index
      %swap3A_70 = tpu.vector_load %arg6[%swap3A_68, %swap3A_69] {strides = array<i32>} : memref<64x32xf32, #tpu.memory_space<vmem>>, vector<1x16xf32>,
      %swap3A_71 = vector.shape_cast %swap3A_70 : vector<1x16xf32> to vector<16xf32>
      %swap3A_72 = vector.shape_cast %broadcast_in_dim3A_67 : vector<16xf32> to vector<1x16xf32>
      tpu.vector_store %arg6[%swap3A_68, %swap3A_69], %swap3A_72 {strides = array<i32>} : memref<64x32xf32, #tpu.memory_space<vmem>>, vector<1x16xf32>,
    }
    %scan3A_3 = arith.constant 64 : i32
    %scan3A_4 = arith.constant 0 : i32
    %scan3A_5 = arith.constant 49 : i32
    %scan3A_6 = arith.addi %scan3A_4, %scan3A_5 : i32
    %scan3A_7 = arith.constant 1 : i32
    scf.for %scan3A_56 = %scan3A_4 to %scan3A_6 step %scan3A_7  : i32 {
      %mul3A_57 = arith.constant 64 : i32
      %mul3A_58 = arith.muli %scan3A_56, %mul3A_57 : i32
      %add3A_59 = arith.constant 0 : i32
      %add3A_60 = arith.addi %add3A_59, %mul3A_58 : i32
      %mul3A_61 = arith.constant 3136 : i32
      %mul3A_62 = arith.muli %arg1, %mul3A_61 : i32
      %add3A_63 = arith.addi %mul3A_62, %add3A_60 : i32
      "tpu.region"() ({
        %run_scoped3A = tpu.sem_alloc : memref<!tpu.dma_semaphore, #tpu.memory_space<semaphore_mem>>
        %dma_start3A_64 = arith.constant 0 : i32
        %dma_start3A_65 = tpu.memref_slice %arg13[%add3A_63, %dma_start3A_64] : memref<50176x32xf32, #tpu.memory_space<vmem_shared>> -> memref<64x32xf32, #tpu.memory_space<vmem_shared>>
        %dma_start3A_66 = arith.constant 0 : i32
        %dma_start3A_67 = tpu.memref_slice %arg13[%add3A_63, %dma_start3A_66] : memref<50176x32xf32, #tpu.memory_space<vmem_shared>> -> memref<64x32xf32, #tpu.memory_space<vmem_shared>>
        tpu.enqueue_dma source(%arg6 : memref<64x32xf32, #tpu.memory_space<vmem>>) target(%dma_start3A_67 : memref<64x32xf32, #tpu.memory_space<vmem_shared>>) target_semaphore(%run_scoped3A : memref<!tpu.dma_semaphore, #tpu.memory_space<semaphore_mem>>)
        %dma_wait3A_68 = arith.constant 0 : i32
        %dma_wait3A_69 = tpu.memref_slice %arg13[%add3A_63, %dma_wait3A_68] : memref<50176x32xf32, #tpu.memory_space<vmem_shared>> -> memref<64x32xf32, #tpu.memory_space<vmem_shared>>
        %dma_wait3A_70 = arith.constant 0 : i32
        %dma_wait3A_71 = tpu.memref_slice %arg13[%add3A_63, %dma_wait3A_70] : memref<50176x32xf32, #tpu.memory_space<vmem_shared>> -> memref<64x32xf32, #tpu.memory_space<vmem_shared>>
        tpu.wait_dma2 semaphore(%run_scoped3A : memref<!tpu.dma_semaphore, #tpu.memory_space<semaphore_mem>>) src(%arg6 : memref<64x32xf32, #tpu.memory_space<vmem>>) dst(%dma_wait3A_71 : memref<64x32xf32, #tpu.memory_space<vmem_shared>>)
        tpu.yield
      }) : () -> ()
    }
    %scan3A_8 = arith.constant 49 : i32
    %barrier3A = arith.constant 0 : index
    tpu.barrier barrier_id(%barrier3A)
    %mul3A = arith.constant 6272 : i32
    %mul3A_9 = arith.muli %arg0, %mul3A : i32
    %mul3A_10 = arith.constant 392 : i32
    %mul3A_11 = arith.muli %arg1, %mul3A_10 : i32
    %add3A = arith.addi %mul3A_9, %mul3A_11 : i32
    %mul3A_12 = arith.constant 392 : i32
    %mul3A_13 = arith.muli %arg1, %mul3A_12 : i32
    "tpu.region"() ({
      %run_scoped3A = tpu.sem_alloc : memref<!tpu.dma_semaphore, #tpu.memory_space<semaphore_mem>>
      %dma_start3A_56 = arith.constant 0 : i32
      %dma_start3A_57 = tpu.memref_slice %arg3[%add3A, %dma_start3A_56] : memref<12544x128xi32, #tpu.memory_space<hbm>> -> memref<1x128xi32, #tpu.memory_space<hbm>>
      %dma_start3A_58 = arith.constant 0 : i32
      %dma_start3A_59 = tpu.memref_slice %arg3[%add3A, %dma_start3A_58] : memref<12544x128xi32, #tpu.memory_space<hbm>> -> memref<1x128xi32, #tpu.memory_space<hbm>>
      tpu.enqueue_dma source(%dma_start3A_59 : memref<1x128xi32, #tpu.memory_space<hbm>>) target(%arg7 : memref<1x128xi32, #tpu.memory_space<vmem>>) target_semaphore(%run_scoped3A : memref<!tpu.dma_semaphore, #tpu.memory_space<semaphore_mem>>)
      %dma_wait3A_60 = arith.constant 0 : i32
      %dma_wait3A_61 = tpu.memref_slice %arg3[%add3A, %dma_wait3A_60] : memref<12544x128xi32, #tpu.memory_space<hbm>> -> memref<1x128xi32, #tpu.memory_space<hbm>>
      %dma_wait3A_62 = arith.constant 0 : i32
      %dma_wait3A_63 = tpu.memref_slice %arg3[%add3A, %dma_wait3A_62] : memref<12544x128xi32, #tpu.memory_space<hbm>> -> memref<1x128xi32, #tpu.memory_space<hbm>>
      tpu.wait_dma2 semaphore(%run_scoped3A : memref<!tpu.dma_semaphore, #tpu.memory_space<semaphore_mem>>) src(%dma_wait3A_63 : memref<1x128xi32, #tpu.memory_space<hbm>>) dst(%arg7 : memref<1x128xi32, #tpu.memory_space<vmem>>)
      tpu.yield
    }) : () -> ()
    %add3A_14 = arith.constant 1 : i32
    %add3A_15 = arith.addi %add3A, %add3A_14 : i32
    %dma_start3A = arith.constant 0 : i32
    %dma_start3A_16 = tpu.memref_slice %arg3[%add3A_15, %dma_start3A] : memref<12544x128xi32, #tpu.memory_space<hbm>> -> memref<1x128xi32, #tpu.memory_space<hbm>>
    %dma_start3A_17 = arith.constant 0 : i32
    %dma_start3A_18 = tpu.memref_slice %arg3[%add3A_15, %dma_start3A_17] : memref<12544x128xi32, #tpu.memory_space<hbm>> -> memref<1x128xi32, #tpu.memory_space<hbm>>
    tpu.enqueue_dma source(%dma_start3A_18 : memref<1x128xi32, #tpu.memory_space<hbm>>) target(%arg9 : memref<1x128xi32, #tpu.memory_space<vmem>>) target_semaphore(%arg19 : memref<!tpu.dma_semaphore, #tpu.memory_space<semaphore_mem>>)
    %dma_start3A_19 = arith.constant 0 : i32
    %dma_start3A_20 = arith.constant 0 : i32
    %dma_start3A_21 = tpu.memref_slice %arg7[%dma_start3A_19, %dma_start3A_20] : memref<1x128xi32, #tpu.memory_space<vmem>> -> memref<1x128xi32, #tpu.memory_space<vmem>>
    %dma_start3A_22 = tpu.memref_squeeze %dma_start3A_21 : memref<1x128xi32, #tpu.memory_space<vmem>> -> memref<128xi32, #tpu.memory_space<vmem>>
    %dma_start3A_23 = arith.constant 0 : i32
    %dma_start3A_24 = arith.constant 0 : i32
    %dma_start3A_25 = tpu.memref_slice %arg2[%dma_start3A_23, %dma_start3A_24] : memref<100000x32xf32, #tpu.memory_space<hbm>> -> memref<100000x32xf32, #tpu.memory_space<hbm>>
    tpu.enqueue_indirect_dma source(%dma_start3A_25 : memref<100000x32xf32, #tpu.memory_space<hbm>>) target(%arg11 : memref<128x32xf32, #tpu.memory_space<vmem>>) offsets(%dma_start3A_22 : memref<128xi32, #tpu.memory_space<vmem>>) semaphore(%arg14 : memref<!tpu.dma_semaphore, #tpu.memory_space<semaphore_mem>>)
    %dma_start3A_26 = arith.constant 0 : i32
    %dma_start3A_27 = tpu.memref_slice %arg4[%mul3A_13, %dma_start3A_26] : memref<6272x128xi32, #tpu.memory_space<hbm>> -> memref<1x128xi32, #tpu.memory_space<hbm>>
    %dma_start3A_28 = arith.constant 0 : i32
    %dma_start3A_29 = tpu.memref_slice %arg4[%mul3A_13, %dma_start3A_28] : memref<6272x128xi32, #tpu.memory_space<hbm>> -> memref<1x128xi32, #tpu.memory_space<hbm>>
    tpu.enqueue_dma source(%dma_start3A_29 : memref<1x128xi32, #tpu.memory_space<hbm>>) target(%arg8 : memref<1x128xi32, #tpu.memory_space<vmem>>) target_semaphore(%arg20 : memref<!tpu.dma_semaphore, #tpu.memory_space<semaphore_mem>>)
    %scan3A_30 = arith.constant 0 : i32
    %scan3A_31 = arith.constant 196 : i32
    %scan3A_32 = arith.addi %scan3A_30, %scan3A_31 : i32
    %scan3A_33 = arith.constant 1 : i32
    scf.for %scan3A_56 = %scan3A_30 to %scan3A_32 step %scan3A_33  : i32 {
      %mul3A_57 = arith.constant 2 : i32
      %mul3A_58 = arith.muli %scan3A_56, %mul3A_57 : i32
      %add3A_59 = arith.constant 0 : i32
      %add3A_60 = arith.addi %add3A_59, %mul3A_58 : i32
      %dma_wait3A_61 = arith.constant 0 : i32
      %dma_wait3A_62 = arith.constant 0 : i32
      %dma_wait3A_63 = tpu.memref_slice %arg7[%dma_wait3A_61, %dma_wait3A_62] : memref<1x128xi32, #tpu.memory_space<vmem>> -> memref<1x128xi32, #tpu.memory_space<vmem>>
      %dma_wait3A_64 = tpu.memref_squeeze %dma_wait3A_63 : memref<1x128xi32, #tpu.memory_space<vmem>> -> memref<128xi32, #tpu.memory_space<vmem>>
      %dma_wait3A_65 = arith.constant 0 : i32
      %dma_wait3A_66 = arith.constant 0 : i32
      %dma_wait3A_67 = tpu.memref_slice %arg2[%dma_wait3A_65, %dma_wait3A_66] : memref<100000x32xf32, #tpu.memory_space<hbm>> -> memref<100000x32xf32, #tpu.memory_space<hbm>>
      tpu.wait_indirect_dma semaphore(%arg14 : memref<!tpu.dma_semaphore, #tpu.memory_space<semaphore_mem>>) src(%dma_wait3A_67 : memref<100000x32xf32, #tpu.memory_space<hbm>>) dst(%arg11 : memref<128x32xf32, #tpu.memory_space<vmem>>)
      %add3A_68 = arith.constant 2 : i32
      %add3A_69 = arith.addi %add3A_60, %add3A_68 : i32
      %lt3A = arith.constant 392 : i32
      %lt3A_70 = arith.cmpi slt, %add3A_69, %lt3A : i32
      %convert_element_type3A = arith.extui %lt3A_70 : i1 to i32
      %cond3A = arith.constant 0 : i32
      %cond3A_71 = arith.cmpi ne, %convert_element_type3A, %cond3A : i32
      scf.if %cond3A_71 {
        %add3A_126 = arith.addi %add3A, %add3A_60 : i32
        %add3A_127 = arith.constant 2 : i32
        %add3A_128 = arith.addi %add3A_126, %add3A_127 : i32
        %dma_start3A_129 = arith.constant 0 : i32
        %dma_start3A_130 = tpu.memref_slice %arg3[%add3A_128, %dma_start3A_129] : memref<12544x128xi32, #tpu.memory_space<hbm>> -> memref<1x128xi32, #tpu.memory_space<hbm>>
        %dma_start3A_131 = arith.constant 0 : i32
        %dma_start3A_132 = tpu.memref_slice %arg3[%add3A_128, %dma_start3A_131] : memref<12544x128xi32, #tpu.memory_space<hbm>> -> memref<1x128xi32, #tpu.memory_space<hbm>>
        tpu.enqueue_dma source(%dma_start3A_132 : memref<1x128xi32, #tpu.memory_space<hbm>>) target(%arg7 : memref<1x128xi32, #tpu.memory_space<vmem>>) target_semaphore(%arg18 : memref<!tpu.dma_semaphore, #tpu.memory_space<semaphore_mem>>)
      } else {
      }
      %add3A_72 = arith.addi %mul3A_13, %add3A_60 : i32
      %dma_wait3A_73 = arith.constant 0 : i32
      %dma_wait3A_74 = tpu.memref_slice %arg4[%add3A_72, %dma_wait3A_73] : memref<6272x128xi32, #tpu.memory_space<hbm>> -> memref<1x128xi32, #tpu.memory_space<hbm>>
      %dma_wait3A_75 = arith.constant 0 : i32
      %dma_wait3A_76 = tpu.memref_slice %arg4[%add3A_72, %dma_wait3A_75] : memref<6272x128xi32, #tpu.memory_space<hbm>> -> memref<1x128xi32, #tpu.memory_space<hbm>>
      tpu.wait_dma2 semaphore(%arg20 : memref<!tpu.dma_semaphore, #tpu.memory_space<semaphore_mem>>) src(%dma_wait3A_76 : memref<1x128xi32, #tpu.memory_space<hbm>>) dst(%arg8 : memref<1x128xi32, #tpu.memory_space<vmem>>)
      %dma_start3A_77 = arith.constant 0 : i32
      %dma_start3A_78 = arith.constant 0 : i32
      %dma_start3A_79 = tpu.memref_slice %arg8[%dma_start3A_77, %dma_start3A_78] : memref<1x128xi32, #tpu.memory_space<vmem>> -> memref<1x128xi32, #tpu.memory_space<vmem>>
      %dma_start3A_80 = tpu.memref_squeeze %dma_start3A_79 : memref<1x128xi32, #tpu.memory_space<vmem>> -> memref<128xi32, #tpu.memory_space<vmem>>
      %dma_start3A_81 = arith.constant 0 : i32
      %dma_start3A_82 = arith.constant 0 : i32
      %dma_start3A_83 = tpu.memref_slice %arg13[%dma_start3A_81, %dma_start3A_82] : memref<50176x32xf32, #tpu.memory_space<vmem_shared>> -> memref<50176x32xf32, #tpu.memory_space<vmem_shared>>
      tpu.enqueue_indirect_dma source(%arg11 : memref<128x32xf32, #tpu.memory_space<vmem>>) target(%dma_start3A_83 : memref<50176x32xf32, #tpu.memory_space<vmem_shared>>) offsets(%dma_start3A_80 : memref<128xi32, #tpu.memory_space<vmem>>) semaphore(%arg16 : memref<!tpu.dma_semaphore, #tpu.memory_space<semaphore_mem>>) {add = true}
      %add3A_84 = arith.constant 1 : i32
      %add3A_85 = arith.addi %add3A_60, %add3A_84 : i32
      %lt3A_86 = arith.constant 392 : i32
      %lt3A_87 = arith.cmpi slt, %add3A_85, %lt3A_86 : i32
      %convert_element_type3A_88 = arith.extui %lt3A_87 : i1 to i32
      %cond3A_89 = arith.constant 0 : i32
      %cond3A_90 = arith.cmpi ne, %convert_element_type3A_88, %cond3A_89 : i32
      scf.if %cond3A_90 {
        %gt3A = arith.constant 0 : i32
        %gt3A_126 = arith.cmpi sgt, %add3A_60, %gt3A : i32
        %convert_element_type3A_127 = arith.extui %gt3A_126 : i1 to i32
        %cond3A_128 = arith.constant 0 : i32
        %cond3A_129 = arith.cmpi ne, %convert_element_type3A_127, %cond3A_128 : i32
        scf.if %cond3A_129 {
          %dma_wait3A_148 = arith.constant 0 : i32
          %dma_wait3A_149 = arith.constant 0 : i32
          %dma_wait3A_150 = tpu.memref_slice %arg10[%dma_wait3A_148, %dma_wait3A_149] : memref<1x128xi32, #tpu.memory_space<vmem>> -> memref<1x128xi32, #tpu.memory_space<vmem>>
          %dma_wait3A_151 = tpu.memref_squeeze %dma_wait3A_150 : memref<1x128xi32, #tpu.memory_space<vmem>> -> memref<128xi32, #tpu.memory_space<vmem>>
          %dma_wait3A_152 = arith.constant 0 : i32
          %dma_wait3A_153 = arith.constant 0 : i32
          %dma_wait3A_154 = tpu.memref_slice %arg13[%dma_wait3A_152, %dma_wait3A_153] : memref<50176x32xf32, #tpu.memory_space<vmem_shared>> -> memref<50176x32xf32, #tpu.memory_space<vmem_shared>>
          tpu.wait_indirect_dma semaphore(%arg17 : memref<!tpu.dma_semaphore, #tpu.memory_space<semaphore_mem>>) src(%arg12 : memref<128x32xf32, #tpu.memory_space<vmem>>) dst(%dma_wait3A_154 : memref<50176x32xf32, #tpu.memory_space<vmem_shared>>)
        } else {
        }
        %dma_wait3A_130 = arith.constant 0 : i32
        %dma_wait3A_131 = tpu.memref_slice %arg3[%add3A, %dma_wait3A_130] : memref<12544x128xi32, #tpu.memory_space<hbm>> -> memref<1x128xi32, #tpu.memory_space<hbm>>
        %dma_wait3A_132 = arith.constant 0 : i32
        %dma_wait3A_133 = tpu.memref_slice %arg3[%add3A, %dma_wait3A_132] : memref<12544x128xi32, #tpu.memory_space<hbm>> -> memref<1x128xi32, #tpu.memory_space<hbm>>
        tpu.wait_dma2 semaphore(%arg19 : memref<!tpu.dma_semaphore, #tpu.memory_space<semaphore_mem>>) src(%dma_wait3A_133 : memref<1x128xi32, #tpu.memory_space<hbm>>) dst(%arg9 : memref<1x128xi32, #tpu.memory_space<vmem>>)
        %dma_start3A_134 = arith.constant 0 : i32
        %dma_start3A_135 = arith.constant 0 : i32
        %dma_start3A_136 = tpu.memref_slice %arg9[%dma_start3A_134, %dma_start3A_135] : memref<1x128xi32, #tpu.memory_space<vmem>> -> memref<1x128xi32, #tpu.memory_space<vmem>>
        %dma_start3A_137 = tpu.memref_squeeze %dma_start3A_136 : memref<1x128xi32, #tpu.memory_space<vmem>> -> memref<128xi32, #tpu.memory_space<vmem>>
        %dma_start3A_138 = arith.constant 0 : i32
        %dma_start3A_139 = arith.constant 0 : i32
        %dma_start3A_140 = tpu.memref_slice %arg2[%dma_start3A_138, %dma_start3A_139] : memref<100000x32xf32, #tpu.memory_space<hbm>> -> memref<100000x32xf32, #tpu.memory_space<hbm>>
        tpu.enqueue_indirect_dma source(%dma_start3A_140 : memref<100000x32xf32, #tpu.memory_space<hbm>>) target(%arg12 : memref<128x32xf32, #tpu.memory_space<vmem>>) offsets(%dma_start3A_137 : memref<128xi32, #tpu.memory_space<vmem>>) semaphore(%arg15 : memref<!tpu.dma_semaphore, #tpu.memory_space<semaphore_mem>>)
        %add3A_141 = arith.addi %mul3A_13, %add3A_60 : i32
        %add3A_142 = arith.constant 1 : i32
        %add3A_143 = arith.addi %add3A_141, %add3A_142 : i32
        %dma_start3A_144 = arith.constant 0 : i32
        %dma_start3A_145 = tpu.memref_slice %arg4[%add3A_143, %dma_start3A_144] : memref<6272x128xi32, #tpu.memory_space<hbm>> -> memref<1x128xi32, #tpu.memory_space<hbm>>
        %dma_start3A_146 = arith.constant 0 : i32
        %dma_start3A_147 = tpu.memref_slice %arg4[%add3A_143, %dma_start3A_146] : memref<6272x128xi32, #tpu.memory_space<hbm>> -> memref<1x128xi32, #tpu.memory_space<hbm>>
        tpu.enqueue_dma source(%dma_start3A_147 : memref<1x128xi32, #tpu.memory_space<hbm>>) target(%arg10 : memref<1x128xi32, #tpu.memory_space<vmem>>) target_semaphore(%arg21 : memref<!tpu.dma_semaphore, #tpu.memory_space<semaphore_mem>>)
      } else {
      }
      %add3A_91 = arith.constant 1 : i32
      %add3A_92 = arith.addi %add3A_60, %add3A_91 : i32
      %dma_wait3A_93 = arith.constant 0 : i32
      %dma_wait3A_94 = arith.constant 0 : i32
      %dma_wait3A_95 = tpu.memref_slice %arg9[%dma_wait3A_93, %dma_wait3A_94] : memref<1x128xi32, #tpu.memory_space<vmem>> -> memref<1x128xi32, #tpu.memory_space<vmem>>
      %dma_wait3A_96 = tpu.memref_squeeze %dma_wait3A_95 : memref<1x128xi32, #tpu.memory_space<vmem>> -> memref<128xi32, #tpu.memory_space<vmem>>
      %dma_wait3A_97 = arith.constant 0 : i32
      %dma_wait3A_98 = arith.constant 0 : i32
      %dma_wait3A_99 = tpu.memref_slice %arg2[%dma_wait3A_97, %dma_wait3A_98] : memref<100000x32xf32, #tpu.memory_space<hbm>> -> memref<100000x32xf32, #tpu.memory_space<hbm>>
      tpu.wait_indirect_dma semaphore(%arg15 : memref<!tpu.dma_semaphore, #tpu.memory_space<semaphore_mem>>) src(%dma_wait3A_99 : memref<100000x32xf32, #tpu.memory_space<hbm>>) dst(%arg12 : memref<128x32xf32, #tpu.memory_space<vmem>>)
      %add3A_100 = arith.constant 2 : i32
      %add3A_101 = arith.addi %add3A_92, %add3A_100 : i32
      %lt3A_102 = arith.constant 392 : i32
      %lt3A_103 = arith.cmpi slt, %add3A_101, %lt3A_102 : i32
      %convert_element_type3A_104 = arith.extui %lt3A_103 : i1 to i32
      %cond3A_105 = arith.constant 0 : i32
      %cond3A_106 = arith.cmpi ne, %convert_element_type3A_104, %cond3A_105 : i32
      scf.if %cond3A_106 {
        %add3A_126 = arith.addi %add3A, %add3A_92 : i32
        %add3A_127 = arith.constant 2 : i32
        %add3A_128 = arith.addi %add3A_126, %add3A_127 : i32
        %dma_start3A_129 = arith.constant 0 : i32
        %dma_start3A_130 = tpu.memref_slice %arg3[%add3A_128, %dma_start3A_129] : memref<12544x128xi32, #tpu.memory_space<hbm>> -> memref<1x128xi32, #tpu.memory_space<hbm>>
        %dma_start3A_131 = arith.constant 0 : i32
        %dma_start3A_132 = tpu.memref_slice %arg3[%add3A_128, %dma_start3A_131] : memref<12544x128xi32, #tpu.memory_space<hbm>> -> memref<1x128xi32, #tpu.memory_space<hbm>>
        tpu.enqueue_dma source(%dma_start3A_132 : memref<1x128xi32, #tpu.memory_space<hbm>>) target(%arg9 : memref<1x128xi32, #tpu.memory_space<vmem>>) target_semaphore(%arg19 : memref<!tpu.dma_semaphore, #tpu.memory_space<semaphore_mem>>)
      } else {
      }
      %add3A_107 = arith.addi %mul3A_13, %add3A_92 : i32
      %dma_wait3A_108 = arith.constant 0 : i32
      %dma_wait3A_109 = tpu.memref_slice %arg4[%add3A_107, %dma_wait3A_108] : memref<6272x128xi32, #tpu.memory_space<hbm>> -> memref<1x128xi32, #tpu.memory_space<hbm>>
      %dma_wait3A_110 = arith.constant 0 : i32
      %dma_wait3A_111 = tpu.memref_slice %arg4[%add3A_107, %dma_wait3A_110] : memref<6272x128xi32, #tpu.memory_space<hbm>> -> memref<1x128xi32, #tpu.memory_space<hbm>>
      tpu.wait_dma2 semaphore(%arg21 : memref<!tpu.dma_semaphore, #tpu.memory_space<semaphore_mem>>) src(%dma_wait3A_111 : memref<1x128xi32, #tpu.memory_space<hbm>>) dst(%arg10 : memref<1x128xi32, #tpu.memory_space<vmem>>)
      %dma_start3A_112 = arith.constant 0 : i32
      %dma_start3A_113 = arith.constant 0 : i32
      %dma_start3A_114 = tpu.memref_slice %arg10[%dma_start3A_112, %dma_start3A_113] : memref<1x128xi32, #tpu.memory_space<vmem>> -> memref<1x128xi32, #tpu.memory_space<vmem>>
      %dma_start3A_115 = tpu.memref_squeeze %dma_start3A_114 : memref<1x128xi32, #tpu.memory_space<vmem>> -> memref<128xi32, #tpu.memory_space<vmem>>
      %dma_start3A_116 = arith.constant 0 : i32
      %dma_start3A_117 = arith.constant 0 : i32
      %dma_start3A_118 = tpu.memref_slice %arg13[%dma_start3A_116, %dma_start3A_117] : memref<50176x32xf32, #tpu.memory_space<vmem_shared>> -> memref<50176x32xf32, #tpu.memory_space<vmem_shared>>
      tpu.enqueue_indirect_dma source(%arg12 : memref<128x32xf32, #tpu.memory_space<vmem>>) target(%dma_start3A_118 : memref<50176x32xf32, #tpu.memory_space<vmem_shared>>) offsets(%dma_start3A_115 : memref<128xi32, #tpu.memory_space<vmem>>) semaphore(%arg17 : memref<!tpu.dma_semaphore, #tpu.memory_space<semaphore_mem>>) {add = true}
      %add3A_119 = arith.constant 1 : i32
      %add3A_120 = arith.addi %add3A_92, %add3A_119 : i32
      %lt3A_121 = arith.constant 392 : i32
      %lt3A_122 = arith.cmpi slt, %add3A_120, %lt3A_121 : i32
      %convert_element_type3A_123 = arith.extui %lt3A_122 : i1 to i32
      %cond3A_124 = arith.constant 0 : i32
      %cond3A_125 = arith.cmpi ne, %convert_element_type3A_123, %cond3A_124 : i32
      scf.if %cond3A_125 {
        %gt3A = arith.constant 0 : i32
        %gt3A_126 = arith.cmpi sgt, %add3A_92, %gt3A : i32
        %convert_element_type3A_127 = arith.extui %gt3A_126 : i1 to i32
        %cond3A_128 = arith.constant 0 : i32
        %cond3A_129 = arith.cmpi ne, %convert_element_type3A_127, %cond3A_128 : i32
        scf.if %cond3A_129 {
          %dma_wait3A_148 = arith.constant 0 : i32
          %dma_wait3A_149 = arith.constant 0 : i32
          %dma_wait3A_150 = tpu.memref_slice %arg8[%dma_wait3A_148, %dma_wait3A_149] : memref<1x128xi32, #tpu.memory_space<vmem>> -> memref<1x128xi32, #tpu.memory_space<vmem>>
          %dma_wait3A_151 = tpu.memref_squeeze %dma_wait3A_150 : memref<1x128xi32, #tpu.memory_space<vmem>> -> memref<128xi32, #tpu.memory_space<vmem>>
          %dma_wait3A_152 = arith.constant 0 : i32
          %dma_wait3A_153 = arith.constant 0 : i32
          %dma_wait3A_154 = tpu.memref_slice %arg13[%dma_wait3A_152, %dma_wait3A_153] : memref<50176x32xf32, #tpu.memory_space<vmem_shared>> -> memref<50176x32xf32, #tpu.memory_space<vmem_shared>>
          tpu.wait_indirect_dma semaphore(%arg16 : memref<!tpu.dma_semaphore, #tpu.memory_space<semaphore_mem>>) src(%arg11 : memref<128x32xf32, #tpu.memory_space<vmem>>) dst(%dma_wait3A_154 : memref<50176x32xf32, #tpu.memory_space<vmem_shared>>)
        } else {
        }
        %dma_wait3A_130 = arith.constant 0 : i32
        %dma_wait3A_131 = tpu.memref_slice %arg3[%add3A, %dma_wait3A_130] : memref<12544x128xi32, #tpu.memory_space<hbm>> -> memref<1x128xi32, #tpu.memory_space<hbm>>
        %dma_wait3A_132 = arith.constant 0 : i32
        %dma_wait3A_133 = tpu.memref_slice %arg3[%add3A, %dma_wait3A_132] : memref<12544x128xi32, #tpu.memory_space<hbm>> -> memref<1x128xi32, #tpu.memory_space<hbm>>
        tpu.wait_dma2 semaphore(%arg18 : memref<!tpu.dma_semaphore, #tpu.memory_space<semaphore_mem>>) src(%dma_wait3A_133 : memref<1x128xi32, #tpu.memory_space<hbm>>) dst(%arg7 : memref<1x128xi32, #tpu.memory_space<vmem>>)
        %dma_start3A_134 = arith.constant 0 : i32
        %dma_start3A_135 = arith.constant 0 : i32
        %dma_start3A_136 = tpu.memref_slice %arg7[%dma_start3A_134, %dma_start3A_135] : memref<1x128xi32, #tpu.memory_space<vmem>> -> memref<1x128xi32, #tpu.memory_space<vmem>>
        %dma_start3A_137 = tpu.memref_squeeze %dma_start3A_136 : memref<1x128xi32, #tpu.memory_space<vmem>> -> memref<128xi32, #tpu.memory_space<vmem>>
        %dma_start3A_138 = arith.constant 0 : i32
        %dma_start3A_139 = arith.constant 0 : i32
        %dma_start3A_140 = tpu.memref_slice %arg2[%dma_start3A_138, %dma_start3A_139] : memref<100000x32xf32, #tpu.memory_space<hbm>> -> memref<100000x32xf32, #tpu.memory_space<hbm>>
        tpu.enqueue_indirect_dma source(%dma_start3A_140 : memref<100000x32xf32, #tpu.memory_space<hbm>>) target(%arg11 : memref<128x32xf32, #tpu.memory_space<vmem>>) offsets(%dma_start3A_137 : memref<128xi32, #tpu.memory_space<vmem>>) semaphore(%arg14 : memref<!tpu.dma_semaphore, #tpu.memory_space<semaphore_mem>>)
        %add3A_141 = arith.addi %mul3A_13, %add3A_92 : i32
        %add3A_142 = arith.constant 1 : i32
        %add3A_143 = arith.addi %add3A_141, %add3A_142 : i32
        %dma_start3A_144 = arith.constant 0 : i32
        %dma_start3A_145 = tpu.memref_slice %arg4[%add3A_143, %dma_start3A_144] : memref<6272x128xi32, #tpu.memory_space<hbm>> -> memref<1x128xi32, #tpu.memory_space<hbm>>
        %dma_start3A_146 = arith.constant 0 : i32
        %dma_start3A_147 = tpu.memref_slice %arg4[%add3A_143, %dma_start3A_146] : memref<6272x128xi32, #tpu.memory_space<hbm>> -> memref<1x128xi32, #tpu.memory_space<hbm>>
        tpu.enqueue_dma source(%dma_start3A_147 : memref<1x128xi32, #tpu.memory_space<hbm>>) target(%arg8 : memref<1x128xi32, #tpu.memory_space<vmem>>) target_semaphore(%arg20 : memref<!tpu.dma_semaphore, #tpu.memory_space<semaphore_mem>>)
      } else {
      }
    }
    %scan3A_34 = arith.constant 196 : i32
    %dma_wait3A = arith.constant 0 : i32
    %dma_wait3A_35 = arith.constant 0 : i32
    %dma_wait3A_36 = tpu.memref_slice %arg8[%dma_wait3A, %dma_wait3A_35] : memref<1x128xi32, #tpu.memory_space<vmem>> -> memref<1x128xi32, #tpu.memory_space<vmem>>
    %dma_wait3A_37 = tpu.memref_squeeze %dma_wait3A_36 : memref<1x128xi32, #tpu.memory_space<vmem>> -> memref<128xi32, #tpu.memory_space<vmem>>
    %dma_wait3A_38 = arith.constant 0 : i32
    %dma_wait3A_39 = arith.constant 0 : i32
    %dma_wait3A_40 = tpu.memref_slice %arg13[%dma_wait3A_38, %dma_wait3A_39] : memref<50176x32xf32, #tpu.memory_space<vmem_shared>> -> memref<50176x32xf32, #tpu.memory_space<vmem_shared>>
    tpu.wait_indirect_dma semaphore(%arg16 : memref<!tpu.dma_semaphore, #tpu.memory_space<semaphore_mem>>) src(%arg11 : memref<128x32xf32, #tpu.memory_space<vmem>>) dst(%dma_wait3A_40 : memref<50176x32xf32, #tpu.memory_space<vmem_shared>>)
    %dma_wait3A_41 = arith.constant 0 : i32
    %dma_wait3A_42 = arith.constant 0 : i32
    %dma_wait3A_43 = tpu.memref_slice %arg10[%dma_wait3A_41, %dma_wait3A_42] : memref<1x128xi32, #tpu.memory_space<vmem>> -> memref<1x128xi32, #tpu.memory_space<vmem>>
    %dma_wait3A_44 = tpu.memref_squeeze %dma_wait3A_43 : memref<1x128xi32, #tpu.memory_space<vmem>> -> memref<128xi32, #tpu.memory_space<vmem>>
    %dma_wait3A_45 = arith.constant 0 : i32
    %dma_wait3A_46 = arith.constant 0 : i32
    %dma_wait3A_47 = tpu.memref_slice %arg13[%dma_wait3A_45, %dma_wait3A_46] : memref<50176x32xf32, #tpu.memory_space<vmem_shared>> -> memref<50176x32xf32, #tpu.memory_space<vmem_shared>>
    tpu.wait_indirect_dma semaphore(%arg17 : memref<!tpu.dma_semaphore, #tpu.memory_space<semaphore_mem>>) src(%arg12 : memref<128x32xf32, #tpu.memory_space<vmem>>) dst(%dma_wait3A_47 : memref<50176x32xf32, #tpu.memory_space<vmem_shared>>)
    %barrier3A_48 = arith.constant 0 : index
    tpu.barrier barrier_id(%barrier3A_48)
    %mul3A_49 = arith.constant 3136 : i32
    %mul3A_50 = arith.muli %arg1, %mul3A_49 : i32
    %mul3A_51 = arith.constant 50176 : i32
    %mul3A_52 = arith.muli %arg0, %mul3A_51 : i32
    %mul3A_53 = arith.constant 3136 : i32
    %mul3A_54 = arith.muli %arg1, %mul3A_53 : i32
    %add3A_55 = arith.addi %mul3A_52, %mul3A_54 : i32
    "tpu.region"() ({
      %run_scoped3A = tpu.sem_alloc : memref<!tpu.dma_semaphore, #tpu.memory_space<semaphore_mem>>
      %dma_start3A_56 = arith.constant 0 : i32
      %dma_start3A_57 = tpu.memref_slice %arg5[%add3A_55, %dma_start3A_56] : memref<100352x32xf32, #tpu.memory_space<hbm>> -> memref<3136x32xf32, #tpu.memory_space<hbm>>
      %dma_start3A_58 = arith.constant 0 : i32
      %dma_start3A_59 = tpu.memref_slice %arg13[%mul3A_50, %dma_start3A_58] : memref<50176x32xf32, #tpu.memory_space<vmem_shared>> -> memref<3136x32xf32, #tpu.memory_space<vmem_shared>>
      tpu.enqueue_dma source(%dma_start3A_59 : memref<3136x32xf32, #tpu.memory_space<vmem_shared>>) target(%dma_start3A_57 : memref<3136x32xf32, #tpu.memory_space<hbm>>) target_semaphore(%run_scoped3A : memref<!tpu.dma_semaphore, #tpu.memory_space<semaphore_mem>>)
      %dma_wait3A_60 = arith.constant 0 : i32
      %dma_wait3A_61 = tpu.memref_slice %arg5[%add3A_55, %dma_wait3A_60] : memref<100352x32xf32, #tpu.memory_space<hbm>> -> memref<3136x32xf32, #tpu.memory_space<hbm>>
      %dma_wait3A_62 = arith.constant 0 : i32
      %dma_wait3A_63 = tpu.memref_slice %arg13[%mul3A_50, %dma_wait3A_62] : memref<50176x32xf32, #tpu.memory_space<vmem_shared>> -> memref<3136x32xf32, #tpu.memory_space<vmem_shared>>
      tpu.wait_dma2 semaphore(%run_scoped3A : memref<!tpu.dma_semaphore, #tpu.memory_space<semaphore_mem>>) src(%dma_wait3A_63 : memref<3136x32xf32, #tpu.memory_space<vmem_shared>>) dst(%dma_wait3A_61 : memref<3136x32xf32, #tpu.memory_space<hbm>>)
      tpu.yield
    }) : () -> ()
    return
  }
}

#map = affine_map<(d0, d1) -> (0, 0)>
module attributes {stable_mosaic.version = 14 : i64} {
  func.func @k(%arg0: i32, %arg1: i32, %arg2: memref<100000x32xf32, #tpu.memory_space<hbm>>, %arg3: memref<12544x128xi32, #tpu.memory_space<hbm>>, %arg4: memref<6272x128xi32, #tpu.memory_space<hbm>>, %arg5: memref<100352x32xf32, #tpu.memory_space<hbm>>, %arg6: memref<64x32xf32, #tpu.memory_space<vmem>>, %arg7: memref<1x128xi32, #tpu.memory_space<vmem>>, %arg8: memref<1x128xi32, #tpu.memory_space<vmem>>, %arg9: memref<1x128xi32, #tpu.memory_space<vmem>>, %arg10: memref<1x128xi32, #tpu.memory_space<vmem>>, %arg11: memref<128x32xf32, #tpu.memory_space<vmem>>, %arg12: memref<128x32xf32, #tpu.memory_space<vmem>>, %arg13: memref<50176x32xf32, #tpu.memory_space<vmem_shared>>, %arg14: memref<!tpu.dma_semaphore, #tpu.memory_space<semaphore_mem>>, %arg15: memref<!tpu.dma_semaphore, #tpu.memory_space<semaphore_mem>>, %arg16: memref<!tpu.dma_semaphore, #tpu.memory_space<semaphore_mem>>, %arg17: memref<!tpu.dma_semaphore, #tpu.memory_space<semaphore_mem>>, %arg18: memref<!tpu.dma_semaphore, #tpu.memory_space<semaphore_mem>>, %arg19: memref<!tpu.dma_semaphore, #tpu.memory_space<semaphore_mem>>, %arg20: memref<!tpu.dma_semaphore, #tpu.memory_space<semaphore_mem>>, %arg21: memref<!tpu.dma_semaphore, #tpu.memory_space<semaphore_mem>>) attributes {dimension_semantics = [#tpu.dimension_semantics<core_parallel>, #tpu.dimension_semantics<subcore_parallel>], iteration_bounds = array<i64: 2, 16>, scalar_prefetch = 0 : i64, scratch_operands = 16 : i64, tpu.core_type = #tpu.core_type<sc_vector_subcore>, window_params = [{transform_indices = #map}, {transform_indices = #map}, {transform_indices = #map}, {transform_indices = #map}]} {
    %scan3A = arith.constant 0 : i32
    %scan3A_0 = arith.constant 64 : i32
    %scan3A_1 = arith.addi %scan3A, %scan3A_0 : i32
    %scan3A_2 = arith.constant 1 : i32
    scf.for %scan3A_56 = %scan3A to %scan3A_1 step %scan3A_2  : i32 {
      %mul3A_57 = arith.constant 1 : i32
      %mul3A_58 = arith.muli %scan3A_56, %mul3A_57 : i32
      %add3A_59 = arith.constant 0 : i32
      %add3A_60 = arith.addi %add3A_59, %mul3A_58 : i32
      %broadcast_in_dim3A = arith.constant 0.000000e+00 : f32
      %broadcast_in_dim3A_61 = vector.broadcast %broadcast_in_dim3A : f32 to vector<16xf32>
      %swap3A = arith.index_cast %add3A_60 : i32 to index
      %swap3A_62 = arith.constant 0 : index
      %swap3A_63 = tpu.vector_load %arg6[%swap3A, %swap3A_62] {strides = array<i32>} : memref<64x32xf32, #tpu.memory_space<vmem>>, vector<1x16xf32>,
      %swap3A_64 = vector.shape_cast %swap3A_63 : vector<1x16xf32> to vector<16xf32>
      %swap3A_65 = vector.shape_cast %broadcast_in_dim3A_61 : vector<16xf32> to vector<1x16xf32>
      tpu.vector_store %arg6[%swap3A, %swap3A_62], %swap3A_65 {strides = array<i32>} : memref<64x32xf32, #tpu.memory_space<vmem>>, vector<1x16xf32>,
      %broadcast_in_dim3A_66 = arith.constant 0.000000e+00 : f32
      %broadcast_in_dim3A_67 = vector.broadcast %broadcast_in_dim3A_66 : f32 to vector<16xf32>
      %swap3A_68 = arith.index_cast %add3A_60 : i32 to index
      %swap3A_69 = arith.constant 16 : index
      %swap3A_70 = tpu.vector_load %arg6[%swap3A_68, %swap3A_69] {strides = array<i32>} : memref<64x32xf32, #tpu.memory_space<vmem>>, vector<1x16xf32>,
      %swap3A_71 = vector.shape_cast %swap3A_70 : vector<1x16xf32> to vector<16xf32>
      %swap3A_72 = vector.shape_cast %broadcast_in_dim3A_67 : vector<16xf32> to vector<1x16xf32>
      tpu.vector_store %arg6[%swap3A_68, %swap3A_69], %swap3A_72 {strides = array<i32>} : memref<64x32xf32, #tpu.memory_space<vmem>>, vector<1x16xf32>,
    }
    %scan3A_3 = arith.constant 64 : i32
    %scan3A_4 = arith.constant 0 : i32
    %scan3A_5 = arith.constant 49 : i32
    %scan3A_6 = arith.addi %scan3A_4, %scan3A_5 : i32
    %scan3A_7 = arith.constant 1 : i32
    scf.for %scan3A_56 = %scan3A_4 to %scan3A_6 step %scan3A_7  : i32 {
      %mul3A_57 = arith.constant 64 : i32
      %mul3A_58 = arith.muli %scan3A_56, %mul3A_57 : i32
      %add3A_59 = arith.constant 0 : i32
      %add3A_60 = arith.addi %add3A_59, %mul3A_58 : i32
      %mul3A_61 = arith.constant 3136 : i32
      %mul3A_62 = arith.muli %arg1, %mul3A_61 : i32
      %add3A_63 = arith.addi %mul3A_62, %add3A_60 : i32
      "tpu.region"() ({
        %run_scoped3A = tpu.sem_alloc : memref<!tpu.dma_semaphore, #tpu.memory_space<semaphore_mem>>
        %dma_start3A_64 = arith.constant 0 : i32
        %dma_start3A_65 = tpu.memref_slice %arg13[%add3A_63, %dma_start3A_64] : memref<50176x32xf32, #tpu.memory_space<vmem_shared>> -> memref<64x32xf32, #tpu.memory_space<vmem_shared>>
        %dma_start3A_66 = arith.constant 0 : i32
        %dma_start3A_67 = tpu.memref_slice %arg13[%add3A_63, %dma_start3A_66] : memref<50176x32xf32, #tpu.memory_space<vmem_shared>> -> memref<64x32xf32, #tpu.memory_space<vmem_shared>>
        tpu.enqueue_dma source(%arg6 : memref<64x32xf32, #tpu.memory_space<vmem>>) target(%dma_start3A_67 : memref<64x32xf32, #tpu.memory_space<vmem_shared>>) target_semaphore(%run_scoped3A : memref<!tpu.dma_semaphore, #tpu.memory_space<semaphore_mem>>)
        %dma_wait3A_68 = arith.constant 0 : i32
        %dma_wait3A_69 = tpu.memref_slice %arg13[%add3A_63, %dma_wait3A_68] : memref<50176x32xf32, #tpu.memory_space<vmem_shared>> -> memref<64x32xf32, #tpu.memory_space<vmem_shared>>
        %dma_wait3A_70 = arith.constant 0 : i32
        %dma_wait3A_71 = tpu.memref_slice %arg13[%add3A_63, %dma_wait3A_70] : memref<50176x32xf32, #tpu.memory_space<vmem_shared>> -> memref<64x32xf32, #tpu.memory_space<vmem_shared>>
        tpu.wait_dma2 semaphore(%run_scoped3A : memref<!tpu.dma_semaphore, #tpu.memory_space<semaphore_mem>>) src(%arg6 : memref<64x32xf32, #tpu.memory_space<vmem>>) dst(%dma_wait3A_71 : memref<64x32xf32, #tpu.memory_space<vmem_shared>>)
        tpu.yield
      }) : () -> ()
    }
    %scan3A_8 = arith.constant 49 : i32
    %barrier3A = arith.constant 0 : index
    tpu.barrier barrier_id(%barrier3A)
    %mul3A = arith.constant 6272 : i32
    %mul3A_9 = arith.muli %arg0, %mul3A : i32
    %mul3A_10 = arith.constant 392 : i32
    %mul3A_11 = arith.muli %arg1, %mul3A_10 : i32
    %add3A = arith.addi %mul3A_9, %mul3A_11 : i32
    %mul3A_12 = arith.constant 392 : i32
    %mul3A_13 = arith.muli %arg1, %mul3A_12 : i32
    "tpu.region"() ({
      %run_scoped3A = tpu.sem_alloc : memref<!tpu.dma_semaphore, #tpu.memory_space<semaphore_mem>>
      %dma_start3A_56 = arith.constant 0 : i32
      %dma_start3A_57 = tpu.memref_slice %arg3[%add3A, %dma_start3A_56] : memref<12544x128xi32, #tpu.memory_space<hbm>> -> memref<1x128xi32, #tpu.memory_space<hbm>>
      %dma_start3A_58 = arith.constant 0 : i32
      %dma_start3A_59 = tpu.memref_slice %arg3[%add3A, %dma_start3A_58] : memref<12544x128xi32, #tpu.memory_space<hbm>> -> memref<1x128xi32, #tpu.memory_space<hbm>>
      tpu.enqueue_dma source(%dma_start3A_59 : memref<1x128xi32, #tpu.memory_space<hbm>>) target(%arg7 : memref<1x128xi32, #tpu.memory_space<vmem>>) target_semaphore(%run_scoped3A : memref<!tpu.dma_semaphore, #tpu.memory_space<semaphore_mem>>)
      %dma_wait3A_60 = arith.constant 0 : i32
      %dma_wait3A_61 = tpu.memref_slice %arg3[%add3A, %dma_wait3A_60] : memref<12544x128xi32, #tpu.memory_space<hbm>> -> memref<1x128xi32, #tpu.memory_space<hbm>>
      %dma_wait3A_62 = arith.constant 0 : i32
      %dma_wait3A_63 = tpu.memref_slice %arg3[%add3A, %dma_wait3A_62] : memref<12544x128xi32, #tpu.memory_space<hbm>> -> memref<1x128xi32, #tpu.memory_space<hbm>>
      tpu.wait_dma2 semaphore(%run_scoped3A : memref<!tpu.dma_semaphore, #tpu.memory_space<semaphore_mem>>) src(%dma_wait3A_63 : memref<1x128xi32, #tpu.memory_space<hbm>>) dst(%arg7 : memref<1x128xi32, #tpu.memory_space<vmem>>)
      tpu.yield
    }) : () -> ()
    %add3A_14 = arith.constant 1 : i32
    %add3A_15 = arith.addi %add3A, %add3A_14 : i32
    %dma_start3A = arith.constant 0 : i32
    %dma_start3A_16 = tpu.memref_slice %arg3[%add3A_15, %dma_start3A] : memref<12544x128xi32, #tpu.memory_space<hbm>> -> memref<1x128xi32, #tpu.memory_space<hbm>>
    %dma_start3A_17 = arith.constant 0 : i32
    %dma_start3A_18 = tpu.memref_slice %arg3[%add3A_15, %dma_start3A_17] : memref<12544x128xi32, #tpu.memory_space<hbm>> -> memref<1x128xi32, #tpu.memory_space<hbm>>
    tpu.enqueue_dma source(%dma_start3A_18 : memref<1x128xi32, #tpu.memory_space<hbm>>) target(%arg9 : memref<1x128xi32, #tpu.memory_space<vmem>>) target_semaphore(%arg19 : memref<!tpu.dma_semaphore, #tpu.memory_space<semaphore_mem>>)
    %dma_start3A_19 = arith.constant 0 : i32
    %dma_start3A_20 = arith.constant 0 : i32
    %dma_start3A_21 = tpu.memref_slice %arg7[%dma_start3A_19, %dma_start3A_20] : memref<1x128xi32, #tpu.memory_space<vmem>> -> memref<1x128xi32, #tpu.memory_space<vmem>>
    %dma_start3A_22 = tpu.memref_squeeze %dma_start3A_21 : memref<1x128xi32, #tpu.memory_space<vmem>> -> memref<128xi32, #tpu.memory_space<vmem>>
    %dma_start3A_23 = arith.constant 0 : i32
    %dma_start3A_24 = arith.constant 0 : i32
    %dma_start3A_25 = tpu.memref_slice %arg2[%dma_start3A_23, %dma_start3A_24] : memref<100000x32xf32, #tpu.memory_space<hbm>> -> memref<100000x32xf32, #tpu.memory_space<hbm>>
    tpu.enqueue_indirect_dma source(%dma_start3A_25 : memref<100000x32xf32, #tpu.memory_space<hbm>>) target(%arg11 : memref<128x32xf32, #tpu.memory_space<vmem>>) offsets(%dma_start3A_22 : memref<128xi32, #tpu.memory_space<vmem>>) semaphore(%arg14 : memref<!tpu.dma_semaphore, #tpu.memory_space<semaphore_mem>>)
    %dma_start3A_26 = arith.constant 0 : i32
    %dma_start3A_27 = tpu.memref_slice %arg4[%mul3A_13, %dma_start3A_26] : memref<6272x128xi32, #tpu.memory_space<hbm>> -> memref<1x128xi32, #tpu.memory_space<hbm>>
    %dma_start3A_28 = arith.constant 0 : i32
    %dma_start3A_29 = tpu.memref_slice %arg4[%mul3A_13, %dma_start3A_28] : memref<6272x128xi32, #tpu.memory_space<hbm>> -> memref<1x128xi32, #tpu.memory_space<hbm>>
    tpu.enqueue_dma source(%dma_start3A_29 : memref<1x128xi32, #tpu.memory_space<hbm>>) target(%arg8 : memref<1x128xi32, #tpu.memory_space<vmem>>) target_semaphore(%arg20 : memref<!tpu.dma_semaphore, #tpu.memory_space<semaphore_mem>>)
    %scan3A_30 = arith.constant 0 : i32
    %scan3A_31 = arith.constant 196 : i32
    %scan3A_32 = arith.addi %scan3A_30, %scan3A_31 : i32
    %scan3A_33 = arith.constant 1 : i32
    scf.for %scan3A_56 = %scan3A_30 to %scan3A_32 step %scan3A_33  : i32 {
      %mul3A_57 = arith.constant 2 : i32
      %mul3A_58 = arith.muli %scan3A_56, %mul3A_57 : i32
      %add3A_59 = arith.constant 0 : i32
      %add3A_60 = arith.addi %add3A_59, %mul3A_58 : i32
      %dma_wait3A_61 = arith.constant 0 : i32
      %dma_wait3A_62 = arith.constant 0 : i32
      %dma_wait3A_63 = tpu.memref_slice %arg7[%dma_wait3A_61, %dma_wait3A_62] : memref<1x128xi32, #tpu.memory_space<vmem>> -> memref<1x128xi32, #tpu.memory_space<vmem>>
      %dma_wait3A_64 = tpu.memref_squeeze %dma_wait3A_63 : memref<1x128xi32, #tpu.memory_space<vmem>> -> memref<128xi32, #tpu.memory_space<vmem>>
      %dma_wait3A_65 = arith.constant 0 : i32
      %dma_wait3A_66 = arith.constant 0 : i32
      %dma_wait3A_67 = tpu.memref_slice %arg2[%dma_wait3A_65, %dma_wait3A_66] : memref<100000x32xf32, #tpu.memory_space<hbm>> -> memref<100000x32xf32, #tpu.memory_space<hbm>>
      tpu.wait_indirect_dma semaphore(%arg14 : memref<!tpu.dma_semaphore, #tpu.memory_space<semaphore_mem>>) src(%dma_wait3A_67 : memref<100000x32xf32, #tpu.memory_space<hbm>>) dst(%arg11 : memref<128x32xf32, #tpu.memory_space<vmem>>)
      %add3A_68 = arith.constant 2 : i32
      %add3A_69 = arith.addi %add3A_60, %add3A_68 : i32
      %lt3A = arith.constant 392 : i32
      %lt3A_70 = arith.cmpi slt, %add3A_69, %lt3A : i32
      %convert_element_type3A = arith.extui %lt3A_70 : i1 to i32
      %cond3A = arith.constant 0 : i32
      %cond3A_71 = arith.cmpi ne, %convert_element_type3A, %cond3A : i32
      scf.if %cond3A_71 {
        %add3A_126 = arith.addi %add3A, %add3A_60 : i32
        %add3A_127 = arith.constant 2 : i32
        %add3A_128 = arith.addi %add3A_126, %add3A_127 : i32
        %dma_start3A_129 = arith.constant 0 : i32
        %dma_start3A_130 = tpu.memref_slice %arg3[%add3A_128, %dma_start3A_129] : memref<12544x128xi32, #tpu.memory_space<hbm>> -> memref<1x128xi32, #tpu.memory_space<hbm>>
        %dma_start3A_131 = arith.constant 0 : i32
        %dma_start3A_132 = tpu.memref_slice %arg3[%add3A_128, %dma_start3A_131] : memref<12544x128xi32, #tpu.memory_space<hbm>> -> memref<1x128xi32, #tpu.memory_space<hbm>>
        tpu.enqueue_dma source(%dma_start3A_132 : memref<1x128xi32, #tpu.memory_space<hbm>>) target(%arg7 : memref<1x128xi32, #tpu.memory_space<vmem>>) target_semaphore(%arg18 : memref<!tpu.dma_semaphore, #tpu.memory_space<semaphore_mem>>)
      } else {
      }
      %add3A_72 = arith.addi %mul3A_13, %add3A_60 : i32
      %dma_wait3A_73 = arith.constant 0 : i32
      %dma_wait3A_74 = tpu.memref_slice %arg4[%add3A_72, %dma_wait3A_73] : memref<6272x128xi32, #tpu.memory_space<hbm>> -> memref<1x128xi32, #tpu.memory_space<hbm>>
      %dma_wait3A_75 = arith.constant 0 : i32
      %dma_wait3A_76 = tpu.memref_slice %arg4[%add3A_72, %dma_wait3A_75] : memref<6272x128xi32, #tpu.memory_space<hbm>> -> memref<1x128xi32, #tpu.memory_space<hbm>>
      tpu.wait_dma2 semaphore(%arg20 : memref<!tpu.dma_semaphore, #tpu.memory_space<semaphore_mem>>) src(%dma_wait3A_76 : memref<1x128xi32, #tpu.memory_space<hbm>>) dst(%arg8 : memref<1x128xi32, #tpu.memory_space<vmem>>)
      %dma_start3A_77 = arith.constant 0 : i32
      %dma_start3A_78 = arith.constant 0 : i32
      %dma_start3A_79 = tpu.memref_slice %arg8[%dma_start3A_77, %dma_start3A_78] : memref<1x128xi32, #tpu.memory_space<vmem>> -> memref<1x128xi32, #tpu.memory_space<vmem>>
      %dma_start3A_80 = tpu.memref_squeeze %dma_start3A_79 : memref<1x128xi32, #tpu.memory_space<vmem>> -> memref<128xi32, #tpu.memory_space<vmem>>
      %dma_start3A_81 = arith.constant 0 : i32
      %dma_start3A_82 = arith.constant 0 : i32
      %dma_start3A_83 = tpu.memref_slice %arg13[%dma_start3A_81, %dma_start3A_82] : memref<50176x32xf32, #tpu.memory_space<vmem_shared>> -> memref<50176x32xf32, #tpu.memory_space<vmem_shared>>
      tpu.enqueue_indirect_dma source(%arg11 : memref<128x32xf32, #tpu.memory_space<vmem>>) target(%dma_start3A_83 : memref<50176x32xf32, #tpu.memory_space<vmem_shared>>) offsets(%dma_start3A_80 : memref<128xi32, #tpu.memory_space<vmem>>) semaphore(%arg16 : memref<!tpu.dma_semaphore, #tpu.memory_space<semaphore_mem>>) {add = true}
      %add3A_84 = arith.constant 1 : i32
      %add3A_85 = arith.addi %add3A_60, %add3A_84 : i32
      %lt3A_86 = arith.constant 392 : i32
      %lt3A_87 = arith.cmpi slt, %add3A_85, %lt3A_86 : i32
      %convert_element_type3A_88 = arith.extui %lt3A_87 : i1 to i32
      %cond3A_89 = arith.constant 0 : i32
      %cond3A_90 = arith.cmpi ne, %convert_element_type3A_88, %cond3A_89 : i32
      scf.if %cond3A_90 {
        %gt3A = arith.constant 0 : i32
        %gt3A_126 = arith.cmpi sgt, %add3A_60, %gt3A : i32
        %convert_element_type3A_127 = arith.extui %gt3A_126 : i1 to i32
        %cond3A_128 = arith.constant 0 : i32
        %cond3A_129 = arith.cmpi ne, %convert_element_type3A_127, %cond3A_128 : i32
        scf.if %cond3A_129 {
          %dma_wait3A_148 = arith.constant 0 : i32
          %dma_wait3A_149 = arith.constant 0 : i32
          %dma_wait3A_150 = tpu.memref_slice %arg10[%dma_wait3A_148, %dma_wait3A_149] : memref<1x128xi32, #tpu.memory_space<vmem>> -> memref<1x128xi32, #tpu.memory_space<vmem>>
          %dma_wait3A_151 = tpu.memref_squeeze %dma_wait3A_150 : memref<1x128xi32, #tpu.memory_space<vmem>> -> memref<128xi32, #tpu.memory_space<vmem>>
          %dma_wait3A_152 = arith.constant 0 : i32
          %dma_wait3A_153 = arith.constant 0 : i32
          %dma_wait3A_154 = tpu.memref_slice %arg13[%dma_wait3A_152, %dma_wait3A_153] : memref<50176x32xf32, #tpu.memory_space<vmem_shared>> -> memref<50176x32xf32, #tpu.memory_space<vmem_shared>>
          tpu.wait_indirect_dma semaphore(%arg17 : memref<!tpu.dma_semaphore, #tpu.memory_space<semaphore_mem>>) src(%arg12 : memref<128x32xf32, #tpu.memory_space<vmem>>) dst(%dma_wait3A_154 : memref<50176x32xf32, #tpu.memory_space<vmem_shared>>)
        } else {
        }
        %dma_wait3A_130 = arith.constant 0 : i32
        %dma_wait3A_131 = tpu.memref_slice %arg3[%add3A, %dma_wait3A_130] : memref<12544x128xi32, #tpu.memory_space<hbm>> -> memref<1x128xi32, #tpu.memory_space<hbm>>
        %dma_wait3A_132 = arith.constant 0 : i32
        %dma_wait3A_133 = tpu.memref_slice %arg3[%add3A, %dma_wait3A_132] : memref<12544x128xi32, #tpu.memory_space<hbm>> -> memref<1x128xi32, #tpu.memory_space<hbm>>
        tpu.wait_dma2 semaphore(%arg19 : memref<!tpu.dma_semaphore, #tpu.memory_space<semaphore_mem>>) src(%dma_wait3A_133 : memref<1x128xi32, #tpu.memory_space<hbm>>) dst(%arg9 : memref<1x128xi32, #tpu.memory_space<vmem>>)
        %dma_start3A_134 = arith.constant 0 : i32
        %dma_start3A_135 = arith.constant 0 : i32
        %dma_start3A_136 = tpu.memref_slice %arg9[%dma_start3A_134, %dma_start3A_135] : memref<1x128xi32, #tpu.memory_space<vmem>> -> memref<1x128xi32, #tpu.memory_space<vmem>>
        %dma_start3A_137 = tpu.memref_squeeze %dma_start3A_136 : memref<1x128xi32, #tpu.memory_space<vmem>> -> memref<128xi32, #tpu.memory_space<vmem>>
        %dma_start3A_138 = arith.constant 0 : i32
        %dma_start3A_139 = arith.constant 0 : i32
        %dma_start3A_140 = tpu.memref_slice %arg2[%dma_start3A_138, %dma_start3A_139] : memref<100000x32xf32, #tpu.memory_space<hbm>> -> memref<100000x32xf32, #tpu.memory_space<hbm>>
        tpu.enqueue_indirect_dma source(%dma_start3A_140 : memref<100000x32xf32, #tpu.memory_space<hbm>>) target(%arg12 : memref<128x32xf32, #tpu.memory_space<vmem>>) offsets(%dma_start3A_137 : memref<128xi32, #tpu.memory_space<vmem>>) semaphore(%arg15 : memref<!tpu.dma_semaphore, #tpu.memory_space<semaphore_mem>>)
        %add3A_141 = arith.addi %mul3A_13, %add3A_60 : i32
        %add3A_142 = arith.constant 1 : i32
        %add3A_143 = arith.addi %add3A_141, %add3A_142 : i32
        %dma_start3A_144 = arith.constant 0 : i32
        %dma_start3A_145 = tpu.memref_slice %arg4[%add3A_143, %dma_start3A_144] : memref<6272x128xi32, #tpu.memory_space<hbm>> -> memref<1x128xi32, #tpu.memory_space<hbm>>
        %dma_start3A_146 = arith.constant 0 : i32
        %dma_start3A_147 = tpu.memref_slice %arg4[%add3A_143, %dma_start3A_146] : memref<6272x128xi32, #tpu.memory_space<hbm>> -> memref<1x128xi32, #tpu.memory_space<hbm>>
        tpu.enqueue_dma source(%dma_start3A_147 : memref<1x128xi32, #tpu.memory_space<hbm>>) target(%arg10 : memref<1x128xi32, #tpu.memory_space<vmem>>) target_semaphore(%arg21 : memref<!tpu.dma_semaphore, #tpu.memory_space<semaphore_mem>>)
      } else {
      }
      %add3A_91 = arith.constant 1 : i32
      %add3A_92 = arith.addi %add3A_60, %add3A_91 : i32
      %dma_wait3A_93 = arith.constant 0 : i32
      %dma_wait3A_94 = arith.constant 0 : i32
      %dma_wait3A_95 = tpu.memref_slice %arg9[%dma_wait3A_93, %dma_wait3A_94] : memref<1x128xi32, #tpu.memory_space<vmem>> -> memref<1x128xi32, #tpu.memory_space<vmem>>
      %dma_wait3A_96 = tpu.memref_squeeze %dma_wait3A_95 : memref<1x128xi32, #tpu.memory_space<vmem>> -> memref<128xi32, #tpu.memory_space<vmem>>
      %dma_wait3A_97 = arith.constant 0 : i32
      %dma_wait3A_98 = arith.constant 0 : i32
      %dma_wait3A_99 = tpu.memref_slice %arg2[%dma_wait3A_97, %dma_wait3A_98] : memref<100000x32xf32, #tpu.memory_space<hbm>> -> memref<100000x32xf32, #tpu.memory_space<hbm>>
      tpu.wait_indirect_dma semaphore(%arg15 : memref<!tpu.dma_semaphore, #tpu.memory_space<semaphore_mem>>) src(%dma_wait3A_99 : memref<100000x32xf32, #tpu.memory_space<hbm>>) dst(%arg12 : memref<128x32xf32, #tpu.memory_space<vmem>>)
      %add3A_100 = arith.constant 2 : i32
      %add3A_101 = arith.addi %add3A_92, %add3A_100 : i32
      %lt3A_102 = arith.constant 392 : i32
      %lt3A_103 = arith.cmpi slt, %add3A_101, %lt3A_102 : i32
      %convert_element_type3A_104 = arith.extui %lt3A_103 : i1 to i32
      %cond3A_105 = arith.constant 0 : i32
      %cond3A_106 = arith.cmpi ne, %convert_element_type3A_104, %cond3A_105 : i32
      scf.if %cond3A_106 {
        %add3A_126 = arith.addi %add3A, %add3A_92 : i32
        %add3A_127 = arith.constant 2 : i32
        %add3A_128 = arith.addi %add3A_126, %add3A_127 : i32
        %dma_start3A_129 = arith.constant 0 : i32
        %dma_start3A_130 = tpu.memref_slice %arg3[%add3A_128, %dma_start3A_129] : memref<12544x128xi32, #tpu.memory_space<hbm>> -> memref<1x128xi32, #tpu.memory_space<hbm>>
        %dma_start3A_131 = arith.constant 0 : i32
        %dma_start3A_132 = tpu.memref_slice %arg3[%add3A_128, %dma_start3A_131] : memref<12544x128xi32, #tpu.memory_space<hbm>> -> memref<1x128xi32, #tpu.memory_space<hbm>>
        tpu.enqueue_dma source(%dma_start3A_132 : memref<1x128xi32, #tpu.memory_space<hbm>>) target(%arg9 : memref<1x128xi32, #tpu.memory_space<vmem>>) target_semaphore(%arg19 : memref<!tpu.dma_semaphore, #tpu.memory_space<semaphore_mem>>)
      } else {
      }
      %add3A_107 = arith.addi %mul3A_13, %add3A_92 : i32
      %dma_wait3A_108 = arith.constant 0 : i32
      %dma_wait3A_109 = tpu.memref_slice %arg4[%add3A_107, %dma_wait3A_108] : memref<6272x128xi32, #tpu.memory_space<hbm>> -> memref<1x128xi32, #tpu.memory_space<hbm>>
      %dma_wait3A_110 = arith.constant 0 : i32
      %dma_wait3A_111 = tpu.memref_slice %arg4[%add3A_107, %dma_wait3A_110] : memref<6272x128xi32, #tpu.memory_space<hbm>> -> memref<1x128xi32, #tpu.memory_space<hbm>>
      tpu.wait_dma2 semaphore(%arg21 : memref<!tpu.dma_semaphore, #tpu.memory_space<semaphore_mem>>) src(%dma_wait3A_111 : memref<1x128xi32, #tpu.memory_space<hbm>>) dst(%arg10 : memref<1x128xi32, #tpu.memory_space<vmem>>)
      %dma_start3A_112 = arith.constant 0 : i32
      %dma_start3A_113 = arith.constant 0 : i32
      %dma_start3A_114 = tpu.memref_slice %arg10[%dma_start3A_112, %dma_start3A_113] : memref<1x128xi32, #tpu.memory_space<vmem>> -> memref<1x128xi32, #tpu.memory_space<vmem>>
      %dma_start3A_115 = tpu.memref_squeeze %dma_start3A_114 : memref<1x128xi32, #tpu.memory_space<vmem>> -> memref<128xi32, #tpu.memory_space<vmem>>
      %dma_start3A_116 = arith.constant 0 : i32
      %dma_start3A_117 = arith.constant 0 : i32
      %dma_start3A_118 = tpu.memref_slice %arg13[%dma_start3A_116, %dma_start3A_117] : memref<50176x32xf32, #tpu.memory_space<vmem_shared>> -> memref<50176x32xf32, #tpu.memory_space<vmem_shared>>
      tpu.enqueue_indirect_dma source(%arg12 : memref<128x32xf32, #tpu.memory_space<vmem>>) target(%dma_start3A_118 : memref<50176x32xf32, #tpu.memory_space<vmem_shared>>) offsets(%dma_start3A_115 : memref<128xi32, #tpu.memory_space<vmem>>) semaphore(%arg17 : memref<!tpu.dma_semaphore, #tpu.memory_space<semaphore_mem>>) {add = true}
      %add3A_119 = arith.constant 1 : i32
      %add3A_120 = arith.addi %add3A_92, %add3A_119 : i32
      %lt3A_121 = arith.constant 392 : i32
      %lt3A_122 = arith.cmpi slt, %add3A_120, %lt3A_121 : i32
      %convert_element_type3A_123 = arith.extui %lt3A_122 : i1 to i32
      %cond3A_124 = arith.constant 0 : i32
      %cond3A_125 = arith.cmpi ne, %convert_element_type3A_123, %cond3A_124 : i32
      scf.if %cond3A_125 {
        %gt3A = arith.constant 0 : i32
        %gt3A_126 = arith.cmpi sgt, %add3A_92, %gt3A : i32
        %convert_element_type3A_127 = arith.extui %gt3A_126 : i1 to i32
        %cond3A_128 = arith.constant 0 : i32
        %cond3A_129 = arith.cmpi ne, %convert_element_type3A_127, %cond3A_128 : i32
        scf.if %cond3A_129 {
          %dma_wait3A_148 = arith.constant 0 : i32
          %dma_wait3A_149 = arith.constant 0 : i32
          %dma_wait3A_150 = tpu.memref_slice %arg8[%dma_wait3A_148, %dma_wait3A_149] : memref<1x128xi32, #tpu.memory_space<vmem>> -> memref<1x128xi32, #tpu.memory_space<vmem>>
          %dma_wait3A_151 = tpu.memref_squeeze %dma_wait3A_150 : memref<1x128xi32, #tpu.memory_space<vmem>> -> memref<128xi32, #tpu.memory_space<vmem>>
          %dma_wait3A_152 = arith.constant 0 : i32
          %dma_wait3A_153 = arith.constant 0 : i32
          %dma_wait3A_154 = tpu.memref_slice %arg13[%dma_wait3A_152, %dma_wait3A_153] : memref<50176x32xf32, #tpu.memory_space<vmem_shared>> -> memref<50176x32xf32, #tpu.memory_space<vmem_shared>>
          tpu.wait_indirect_dma semaphore(%arg16 : memref<!tpu.dma_semaphore, #tpu.memory_space<semaphore_mem>>) src(%arg11 : memref<128x32xf32, #tpu.memory_space<vmem>>) dst(%dma_wait3A_154 : memref<50176x32xf32, #tpu.memory_space<vmem_shared>>)
        } else {
        }
        %dma_wait3A_130 = arith.constant 0 : i32
        %dma_wait3A_131 = tpu.memref_slice %arg3[%add3A, %dma_wait3A_130] : memref<12544x128xi32, #tpu.memory_space<hbm>> -> memref<1x128xi32, #tpu.memory_space<hbm>>
        %dma_wait3A_132 = arith.constant 0 : i32
        %dma_wait3A_133 = tpu.memref_slice %arg3[%add3A, %dma_wait3A_132] : memref<12544x128xi32, #tpu.memory_space<hbm>> -> memref<1x128xi32, #tpu.memory_space<hbm>>
        tpu.wait_dma2 semaphore(%arg18 : memref<!tpu.dma_semaphore, #tpu.memory_space<semaphore_mem>>) src(%dma_wait3A_133 : memref<1x128xi32, #tpu.memory_space<hbm>>) dst(%arg7 : memref<1x128xi32, #tpu.memory_space<vmem>>)
        %dma_start3A_134 = arith.constant 0 : i32
        %dma_start3A_135 = arith.constant 0 : i32
        %dma_start3A_136 = tpu.memref_slice %arg7[%dma_start3A_134, %dma_start3A_135] : memref<1x128xi32, #tpu.memory_space<vmem>> -> memref<1x128xi32, #tpu.memory_space<vmem>>
        %dma_start3A_137 = tpu.memref_squeeze %dma_start3A_136 : memref<1x128xi32, #tpu.memory_space<vmem>> -> memref<128xi32, #tpu.memory_space<vmem>>
        %dma_start3A_138 = arith.constant 0 : i32
        %dma_start3A_139 = arith.constant 0 : i32
        %dma_start3A_140 = tpu.memref_slice %arg2[%dma_start3A_138, %dma_start3A_139] : memref<100000x32xf32, #tpu.memory_space<hbm>> -> memref<100000x32xf32, #tpu.memory_space<hbm>>
        tpu.enqueue_indirect_dma source(%dma_start3A_140 : memref<100000x32xf32, #tpu.memory_space<hbm>>) target(%arg11 : memref<128x32xf32, #tpu.memory_space<vmem>>) offsets(%dma_start3A_137 : memref<128xi32, #tpu.memory_space<vmem>>) semaphore(%arg14 : memref<!tpu.dma_semaphore, #tpu.memory_space<semaphore_mem>>)
        %add3A_141 = arith.addi %mul3A_13, %add3A_92 : i32
        %add3A_142 = arith.constant 1 : i32
        %add3A_143 = arith.addi %add3A_141, %add3A_142 : i32
        %dma_start3A_144 = arith.constant 0 : i32
        %dma_start3A_145 = tpu.memref_slice %arg4[%add3A_143, %dma_start3A_144] : memref<6272x128xi32, #tpu.memory_space<hbm>> -> memref<1x128xi32, #tpu.memory_space<hbm>>
        %dma_start3A_146 = arith.constant 0 : i32
        %dma_start3A_147 = tpu.memref_slice %arg4[%add3A_143, %dma_start3A_146] : memref<6272x128xi32, #tpu.memory_space<hbm>> -> memref<1x128xi32, #tpu.memory_space<hbm>>
        tpu.enqueue_dma source(%dma_start3A_147 : memref<1x128xi32, #tpu.memory_space<hbm>>) target(%arg8 : memref<1x128xi32, #tpu.memory_space<vmem>>) target_semaphore(%arg20 : memref<!tpu.dma_semaphore, #tpu.memory_space<semaphore_mem>>)
      } else {
      }
    }
    %scan3A_34 = arith.constant 196 : i32
    %dma_wait3A = arith.constant 0 : i32
    %dma_wait3A_35 = arith.constant 0 : i32
    %dma_wait3A_36 = tpu.memref_slice %arg8[%dma_wait3A, %dma_wait3A_35] : memref<1x128xi32, #tpu.memory_space<vmem>> -> memref<1x128xi32, #tpu.memory_space<vmem>>
    %dma_wait3A_37 = tpu.memref_squeeze %dma_wait3A_36 : memref<1x128xi32, #tpu.memory_space<vmem>> -> memref<128xi32, #tpu.memory_space<vmem>>
    %dma_wait3A_38 = arith.constant 0 : i32
    %dma_wait3A_39 = arith.constant 0 : i32
    %dma_wait3A_40 = tpu.memref_slice %arg13[%dma_wait3A_38, %dma_wait3A_39] : memref<50176x32xf32, #tpu.memory_space<vmem_shared>> -> memref<50176x32xf32, #tpu.memory_space<vmem_shared>>
    tpu.wait_indirect_dma semaphore(%arg16 : memref<!tpu.dma_semaphore, #tpu.memory_space<semaphore_mem>>) src(%arg11 : memref<128x32xf32, #tpu.memory_space<vmem>>) dst(%dma_wait3A_40 : memref<50176x32xf32, #tpu.memory_space<vmem_shared>>)
    %dma_wait3A_41 = arith.constant 0 : i32
    %dma_wait3A_42 = arith.constant 0 : i32
    %dma_wait3A_43 = tpu.memref_slice %arg10[%dma_wait3A_41, %dma_wait3A_42] : memref<1x128xi32, #tpu.memory_space<vmem>> -> memref<1x128xi32, #tpu.memory_space<vmem>>
    %dma_wait3A_44 = tpu.memref_squeeze %dma_wait3A_43 : memref<1x128xi32, #tpu.memory_space<vmem>> -> memref<128xi32, #tpu.memory_space<vmem>>
    %dma_wait3A_45 = arith.constant 0 : i32
    %dma_wait3A_46 = arith.constant 0 : i32
    %dma_wait3A_47 = tpu.memref_slice %arg13[%dma_wait3A_45, %dma_wait3A_46] : memref<50176x32xf32, #tpu.memory_space<vmem_shared>> -> memref<50176x32xf32, #tpu.memory_space<vmem_shared>>
    tpu.wait_indirect_dma semaphore(%arg17 : memref<!tpu.dma_semaphore, #tpu.memory_space<semaphore_mem>>) src(%arg12 : memref<128x32xf32, #tpu.memory_space<vmem>>) dst(%dma_wait3A_47 : memref<50176x32xf32, #tpu.memory_space<vmem_shared>>)
    %barrier3A_48 = arith.constant 0 : index
    tpu.barrier barrier_id(%barrier3A_48)
    %mul3A_49 = arith.constant 3136 : i32
    %mul3A_50 = arith.muli %arg1, %mul3A_49 : i32
    %mul3A_51 = arith.constant 50176 : i32
    %mul3A_52 = arith.muli %arg0, %mul3A_51 : i32
    %mul3A_53 = arith.constant 3136 : i32
    %mul3A_54 = arith.muli %arg1, %mul3A_53 : i32
    %add3A_55 = arith.addi %mul3A_52, %mul3A_54 : i32
    "tpu.region"() ({
      %run_scoped3A = tpu.sem_alloc : memref<!tpu.dma_semaphore, #tpu.memory_space<semaphore_mem>>
      %dma_start3A_56 = arith.constant 0 : i32
      %dma_start3A_57 = tpu.memref_slice %arg5[%add3A_55, %dma_start3A_56] : memref<100352x32xf32, #tpu.memory_space<hbm>> -> memref<3136x32xf32, #tpu.memory_space<hbm>>
      %dma_start3A_58 = arith.constant 0 : i32
      %dma_start3A_59 = tpu.memref_slice %arg13[%mul3A_50, %dma_start3A_58] : memref<50176x32xf32, #tpu.memory_space<vmem_shared>> -> memref<3136x32xf32, #tpu.memory_space<vmem_shared>>
      tpu.enqueue_dma source(%dma_start3A_59 : memref<3136x32xf32, #tpu.memory_space<vmem_shared>>) target(%dma_start3A_57 : memref<3136x32xf32, #tpu.memory_space<hbm>>) target_semaphore(%run_scoped3A : memref<!tpu.dma_semaphore, #tpu.memory_space<semaphore_mem>>)
      %dma_wait3A_60 = arith.constant 0 : i32
      %dma_wait3A_61 = tpu.memref_slice %arg5[%add3A_55, %dma_wait3A_60] : memref<100352x32xf32, #tpu.memory_space<hbm>> -> memref<3136x32xf32, #tpu.memory_space<hbm>>
      %dma_wait3A_62 = arith.constant 0 : i32
      %dma_wait3A_63 = tpu.memref_slice %arg13[%mul3A_50, %dma_wait3A_62] : memref<50176x32xf32, #tpu.memory_space<vmem_shared>> -> memref<3136x32xf32, #tpu.memory_space<vmem_shared>>
      tpu.wait_dma2 semaphore(%run_scoped3A : memref<!tpu.dma_semaphore, #tpu.memory_space<semaphore_mem>>) src(%dma_wait3A_63 : memref<3136x32xf32, #tpu.memory_space<vmem_shared>>) dst(%dma_wait3A_61 : memref<3136x32xf32, #tpu.memory_space<hbm>>)
      tpu.yield
    }) : () -> ()
    return
  }
}

module attributes {stable_mosaic.version = 14 : i64} {
  func.func @_enc_body(%arg0: i32, %arg1: memref<1000x128xf32, #tpu.memory_space<vmem>>, %arg2: memref<64x128xf32, #tpu.memory_space<vmem>>, %arg3: memref<1x64xf32, #tpu.memory_space<vmem>>, %arg4: memref<64x64xf32, #tpu.memory_space<vmem>>, %arg5: memref<1000x64xf32, #tpu.memory_space<vmem>>) attributes {dimension_semantics = [#tpu.dimension_semantics<arbitrary>], iteration_bounds = array<i64: 50>, scalar_prefetch = 0 : i64, scratch_operands = 0 : i64, tpu.core_type = #tpu.core_type<tc>, window_params = [{transform_indices = @transform_0, window_bounds = array<i64: 1000, 128>}, {pipeline_mode = #tpu.pipeline_mode<synchronous>, transform_indices = @transform_1, window_bounds = array<i64: 64, 128>}, {pipeline_mode = #tpu.pipeline_mode<synchronous>, transform_indices = @transform_2, window_bounds = array<i64: 1, 64>}, {pipeline_mode = #tpu.pipeline_mode<synchronous>, transform_indices = @transform_3, window_bounds = array<i64: 64, 64>}, {transform_indices = @transform_4, window_bounds = array<i64: 1000, 64>}]} {
    %get3A = arith.constant 0 : index
    %get3A_0 = arith.constant 0 : index
    %get3A_1 = vector.load %arg1[%get3A, %get3A_0] : memref<1000x128xf32, #tpu.memory_space<vmem>>, vector<1000x128xf32>
    %get3A_2 = arith.constant 0 : index
    %get3A_3 = arith.constant 0 : index
    %get3A_4 = vector.load %arg2[%get3A_2, %get3A_3] : memref<64x128xf32, #tpu.memory_space<vmem>>, vector<64x128xf32>
    %dot_general3A = arith.constant dense<0.000000e+00> : vector<1000x64xf32>
    %dot_general3A_5 = tpu.matmul %get3A_1, %get3A_4, %dot_general3A {dimension_numbers = #tpu.dot_dimension_numbers<[1], [1], [0], [0], [0, 0, 1, 0], [], []>, precision = #tpu.contract_precision<fp32>, transpose_lhs_hint = false} : vector<1000x128xf32>, vector<64x128xf32>, vector<1000x64xf32> -> vector<1000x64xf32>
    %get3A_6 = arith.constant 0 : index
    %get3A_7 = arith.constant 0 : index
    %get3A_8 = vector.load %arg3[%get3A_6, %get3A_7] : memref<1x64xf32, #tpu.memory_space<vmem>>, vector<1x64xf32>
    %add3A = vector.broadcast %get3A_8 : vector<1x64xf32> to vector<1000x64xf32>
    %add3A_9 = arith.addf %dot_general3A_5, %add3A : vector<1000x64xf32>
    %max3A = arith.constant 0.000000e+00 : f32
    %max3A_10 = vector.broadcast %max3A : f32 to vector<1000x64xf32>
    %max3A_11 = arith.maximumf %add3A_9, %max3A_10 : vector<1000x64xf32>
    %get3A_12 = arith.constant 0 : index
    %get3A_13 = arith.constant 0 : index
    %get3A_14 = vector.load %arg4[%get3A_12, %get3A_13] : memref<64x64xf32, #tpu.memory_space<vmem>>, vector<64x64xf32>
    %dot_general3A_15 = arith.constant dense<0.000000e+00> : vector<1000x64xf32>
    %dot_general3A_16 = tpu.matmul %max3A_11, %get3A_14, %dot_general3A_15 {dimension_numbers = #tpu.dot_dimension_numbers<[1], [1], [0], [0], [0, 0, 1, 0], [], []>, precision = #tpu.contract_precision<fp32>, transpose_lhs_hint = false} : vector<1000x64xf32>, vector<64x64xf32>, vector<1000x64xf32> -> vector<1000x64xf32>
    %swap3A = arith.constant 0 : index
    %swap3A_17 = arith.constant 0 : index
    %swap3A_18 = vector.load %arg5[%swap3A, %swap3A_17] : memref<1000x64xf32, #tpu.memory_space<vmem>>, vector<1000x64xf32>
    tpu.vector_store %arg5[%swap3A, %swap3A_17], %dot_general3A_16 {strides = array<i32>} : memref<1000x64xf32, #tpu.memory_space<vmem>>, vector<1000x64xf32>,
    return
  }
  func.func @transform_0(%arg0: i32) -> (i32, i32) {
    %c0_i32 = arith.constant 0 : i32
    %c0_i32_0 = arith.constant 0 : i32
    return %arg0, %c0_i32 : i32, i32
  }
  func.func @transform_1(%arg0: i32) -> (i32, i32) {
    %c0_i32 = arith.constant 0 : i32
    %c0_i32_0 = arith.constant 0 : i32
    %c0_i32_1 = arith.constant 0 : i32
    return %c0_i32, %c0_i32_0 : i32, i32
  }
  func.func @transform_2(%arg0: i32) -> (i32, i32) {
    %c0_i32 = arith.constant 0 : i32
    %c0_i32_0 = arith.constant 0 : i32
    %c0_i32_1 = arith.constant 0 : i32
    return %c0_i32, %c0_i32_0 : i32, i32
  }
  func.func @transform_3(%arg0: i32) -> (i32, i32) {
    %c0_i32 = arith.constant 0 : i32
    %c0_i32_0 = arith.constant 0 : i32
    %c0_i32_1 = arith.constant 0 : i32
    return %c0_i32, %c0_i32_0 : i32, i32
  }
  func.func @transform_4(%arg0: i32) -> (i32, i32) {
    %c0_i32 = arith.constant 0 : i32
    %c0_i32_0 = arith.constant 0 : i32
    return %arg0, %c0_i32 : i32, i32
  }
}

module attributes {stable_mosaic.version = 14 : i64} {
  func.func @_prep_body(%arg0: i32, %arg1: memref<2x1000x16xf32, #tpu.memory_space<vmem>>, %arg2: memref<1000x64xf32, #tpu.memory_space<vmem>>, %arg3: memref<2x1000x32xf32, #tpu.memory_space<vmem>>) attributes {dimension_semantics = [#tpu.dimension_semantics<arbitrary>], iteration_bounds = array<i64: 50>, scalar_prefetch = 0 : i64, scratch_operands = 0 : i64, tpu.core_type = #tpu.core_type<tc>, window_params = [{transform_indices = @transform_0, window_bounds = array<i64: 2, 1000, 16>}, {transform_indices = @transform_1, window_bounds = array<i64: 1000, 64>}, {transform_indices = @transform_2, window_bounds = array<i64: 2, 1000, 32>}]} {
    %get3A = arith.constant 0 : index
    %get3A_0 = arith.constant 0 : index
    %get3A_1 = arith.constant 0 : index
    %get3A_2 = vector.load %arg1[%get3A, %get3A_0, %get3A_1] : memref<2x1000x16xf32, #tpu.memory_space<vmem>>, vector<2x1000x16xf32>
    %slice3A = vector.extract_strided_slice %get3A_2 {offsets = [0, 0, 0], sizes = [1, 1000, 16], strides = [1, 1, 1]} : vector<2x1000x16xf32> to vector<1x1000x16xf32>
    %squeeze3A = vector.shape_cast %slice3A : vector<1x1000x16xf32> to vector<1000x16xf32>
    %slice3A_3 = vector.extract_strided_slice %get3A_2 {offsets = [1, 0, 0], sizes = [1, 1000, 16], strides = [1, 1, 1]} : vector<2x1000x16xf32> to vector<1x1000x16xf32>
    %squeeze3A_4 = vector.shape_cast %slice3A_3 : vector<1x1000x16xf32> to vector<1000x16xf32>
    %add3A = arith.addf %squeeze3A, %squeeze3A_4 : vector<1000x16xf32>
    %add3A_5 = arith.constant 1.000000e+00 : f32
    %add3A_6 = vector.broadcast %add3A_5 : f32 to vector<1000x16xf32>
    %add3A_7 = arith.addf %add3A, %add3A_6 : vector<1000x16xf32>
    %rsqrt3A = math.rsqrt %add3A_7 : vector<1000x16xf32>
    %concatenate3A = tpu.concatenate %rsqrt3A, %rsqrt3A, %rsqrt3A, %rsqrt3A in 1 : vector<1000x16xf32>, vector<1000x16xf32>, vector<1000x16xf32>, vector<1000x16xf32> -> vector<1000x64xf32>
    %get3A_8 = arith.constant 0 : index
    %get3A_9 = arith.constant 0 : index
    %get3A_10 = vector.load %arg2[%get3A_8, %get3A_9] : memref<1000x64xf32, #tpu.memory_space<vmem>>, vector<1000x64xf32>
    %mul3A = arith.mulf %get3A_10, %concatenate3A : vector<1000x64xf32>
    %slice3A_11 = vector.extract_strided_slice %mul3A {offsets = [0, 0], sizes = [1000, 32], strides = [1, 1]} : vector<1000x64xf32> to vector<1000x32xf32>
    %swap3A = arith.constant 0 : index
    %swap3A_12 = arith.constant 0 : index
    %swap3A_13 = arith.constant 0 : index
    %swap3A_14 = vector.load %arg3[%swap3A, %swap3A_12, %swap3A_13] : memref<2x1000x32xf32, #tpu.memory_space<vmem>>, vector<1x1000x32xf32>
    %swap3A_15 = vector.shape_cast %swap3A_14 : vector<1x1000x32xf32> to vector<1000x32xf32>
    %swap3A_16 = vector.shape_cast %slice3A_11 : vector<1000x32xf32> to vector<1x1000x32xf32>
    tpu.vector_store %arg3[%swap3A, %swap3A_12, %swap3A_13], %swap3A_16 {strides = array<i32>} : memref<2x1000x32xf32, #tpu.memory_space<vmem>>, vector<1x1000x32xf32>,
    %slice3A_17 = vector.extract_strided_slice %mul3A {offsets = [0, 32], sizes = [1000, 32], strides = [1, 1]} : vector<1000x64xf32> to vector<1000x32xf32>
    %swap3A_18 = arith.constant 1 : index
    %swap3A_19 = arith.constant 0 : index
    %swap3A_20 = arith.constant 0 : index
    %swap3A_21 = vector.load %arg3[%swap3A_18, %swap3A_19, %swap3A_20] : memref<2x1000x32xf32, #tpu.memory_space<vmem>>, vector<1x1000x32xf32>
    %swap3A_22 = vector.shape_cast %swap3A_21 : vector<1x1000x32xf32> to vector<1000x32xf32>
    %swap3A_23 = vector.shape_cast %slice3A_17 : vector<1000x32xf32> to vector<1x1000x32xf32>
    tpu.vector_store %arg3[%swap3A_18, %swap3A_19, %swap3A_20], %swap3A_23 {strides = array<i32>} : memref<2x1000x32xf32, #tpu.memory_space<vmem>>, vector<1x1000x32xf32>,
    return
  }
  func.func @transform_0(%arg0: i32) -> (i32, i32, i32) {
    %c0_i32 = arith.constant 0 : i32
    %c0_i32_0 = arith.constant 0 : i32
    %c0_i32_1 = arith.constant 0 : i32
    return %c0_i32, %arg0, %c0_i32_0 : i32, i32, i32
  }
  func.func @transform_1(%arg0: i32) -> (i32, i32) {
    %c0_i32 = arith.constant 0 : i32
    %c0_i32_0 = arith.constant 0 : i32
    return %arg0, %c0_i32 : i32, i32
  }
  func.func @transform_2(%arg0: i32) -> (i32, i32, i32) {
    %c0_i32 = arith.constant 0 : i32
    %c0_i32_0 = arith.constant 0 : i32
    %c0_i32_1 = arith.constant 0 : i32
    return %c0_i32, %arg0, %c0_i32_0 : i32, i32, i32
  }
}

module attributes {stable_mosaic.version = 14 : i64} {
  func.func @_mid_body(%arg0: i32, %arg1: memref<2x1000x32xf32, #tpu.memory_space<vmem>>, %arg2: memref<2x1000x32xf32, #tpu.memory_space<vmem>>, %arg3: memref<2x1000x16xf32, #tpu.memory_space<vmem>>, %arg4: memref<1x64xf32, #tpu.memory_space<vmem>>, %arg5: memref<64x64xf32, #tpu.memory_space<vmem>>, %arg6: memref<2x1000x32xf32, #tpu.memory_space<vmem>>) attributes {dimension_semantics = [#tpu.dimension_semantics<arbitrary>], iteration_bounds = array<i64: 50>, scalar_prefetch = 0 : i64, scratch_operands = 0 : i64, tpu.core_type = #tpu.core_type<tc>, window_params = [{transform_indices = @transform_0, window_bounds = array<i64: 2, 1000, 32>}, {transform_indices = @transform_1, window_bounds = array<i64: 2, 1000, 32>}, {transform_indices = @transform_2, window_bounds = array<i64: 2, 1000, 16>}, {pipeline_mode = #tpu.pipeline_mode<synchronous>, transform_indices = @transform_3, window_bounds = array<i64: 1, 64>}, {pipeline_mode = #tpu.pipeline_mode<synchronous>, transform_indices = @transform_4, window_bounds = array<i64: 64, 64>}, {transform_indices = @transform_5, window_bounds = array<i64: 2, 1000, 32>}]} {
    %get3A = arith.constant 0 : index
    %get3A_0 = arith.constant 0 : index
    %get3A_1 = arith.constant 0 : index
    %get3A_2 = vector.load %arg3[%get3A, %get3A_0, %get3A_1] : memref<2x1000x16xf32, #tpu.memory_space<vmem>>, vector<2x1000x16xf32>
    %slice3A = vector.extract_strided_slice %get3A_2 {offsets = [0, 0, 0], sizes = [1, 1000, 16], strides = [1, 1, 1]} : vector<2x1000x16xf32> to vector<1x1000x16xf32>
    %squeeze3A = vector.shape_cast %slice3A : vector<1x1000x16xf32> to vector<1000x16xf32>
    %slice3A_3 = vector.extract_strided_slice %get3A_2 {offsets = [1, 0, 0], sizes = [1, 1000, 16], strides = [1, 1, 1]} : vector<2x1000x16xf32> to vector<1x1000x16xf32>
    %squeeze3A_4 = vector.shape_cast %slice3A_3 : vector<1x1000x16xf32> to vector<1000x16xf32>
    %add3A = arith.addf %squeeze3A, %squeeze3A_4 : vector<1000x16xf32>
    %add3A_5 = arith.constant 1.000000e+00 : f32
    %add3A_6 = vector.broadcast %add3A_5 : f32 to vector<1000x16xf32>
    %add3A_7 = arith.addf %add3A, %add3A_6 : vector<1000x16xf32>
    %rsqrt3A = math.rsqrt %add3A_7 : vector<1000x16xf32>
    %concatenate3A = tpu.concatenate %rsqrt3A, %rsqrt3A, %rsqrt3A, %rsqrt3A in 1 : vector<1000x16xf32>, vector<1000x16xf32>, vector<1000x16xf32>, vector<1000x16xf32> -> vector<1000x64xf32>
    %get3A_8 = arith.constant 0 : index
    %get3A_9 = arith.constant 0 : index
    %get3A_10 = arith.constant 0 : index
    %get3A_11 = vector.load %arg1[%get3A_8, %get3A_9, %get3A_10] : memref<2x1000x32xf32, #tpu.memory_space<vmem>>, vector<1x1000x32xf32>
    %get3A_12 = vector.shape_cast %get3A_11 : vector<1x1000x32xf32> to vector<1000x32xf32>
    %get3A_13 = arith.constant 0 : index
    %get3A_14 = arith.constant 0 : index
    %get3A_15 = arith.constant 0 : index
    %get3A_16 = vector.load %arg2[%get3A_13, %get3A_14, %get3A_15] : memref<2x1000x32xf32, #tpu.memory_space<vmem>>, vector<1x1000x32xf32>
    %get3A_17 = vector.shape_cast %get3A_16 : vector<1x1000x32xf32> to vector<1000x32xf32>
    %add3A_18 = arith.addf %get3A_12, %get3A_17 : vector<1000x32xf32>
    %get3A_19 = arith.constant 1 : index
    %get3A_20 = arith.constant 0 : index
    %get3A_21 = arith.constant 0 : index
    %get3A_22 = vector.load %arg1[%get3A_19, %get3A_20, %get3A_21] : memref<2x1000x32xf32, #tpu.memory_space<vmem>>, vector<1x1000x32xf32>
    %get3A_23 = vector.shape_cast %get3A_22 : vector<1x1000x32xf32> to vector<1000x32xf32>
    %get3A_24 = arith.constant 1 : index
    %get3A_25 = arith.constant 0 : index
    %get3A_26 = arith.constant 0 : index
    %get3A_27 = vector.load %arg2[%get3A_24, %get3A_25, %get3A_26] : memref<2x1000x32xf32, #tpu.memory_space<vmem>>, vector<1x1000x32xf32>
    %get3A_28 = vector.shape_cast %get3A_27 : vector<1x1000x32xf32> to vector<1000x32xf32>
    %add3A_29 = arith.addf %get3A_23, %get3A_28 : vector<1000x32xf32>
    %concatenate3A_30 = tpu.concatenate %add3A_18, %add3A_29 in 1 : vector<1000x32xf32>, vector<1000x32xf32> -> vector<1000x64xf32>
    %mul3A = arith.mulf %concatenate3A_30, %concatenate3A : vector<1000x64xf32>
    %get3A_31 = arith.constant 0 : index
    %get3A_32 = arith.constant 0 : index
    %get3A_33 = vector.load %arg4[%get3A_31, %get3A_32] : memref<1x64xf32, #tpu.memory_space<vmem>>, vector<1x64xf32>
    %add3A_34 = vector.broadcast %get3A_33 : vector<1x64xf32> to vector<1000x64xf32>
    %add3A_35 = arith.addf %mul3A, %add3A_34 : vector<1000x64xf32>
    %max3A = arith.constant 0.000000e+00 : f32
    %max3A_36 = vector.broadcast %max3A : f32 to vector<1000x64xf32>
    %max3A_37 = arith.maximumf %add3A_35, %max3A_36 : vector<1000x64xf32>
    %get3A_38 = arith.constant 0 : index
    %get3A_39 = arith.constant 0 : index
    %get3A_40 = vector.load %arg5[%get3A_38, %get3A_39] : memref<64x64xf32, #tpu.memory_space<vmem>>, vector<64x64xf32>
    %dot_general3A = arith.constant dense<0.000000e+00> : vector<1000x64xf32>
    %dot_general3A_41 = tpu.matmul %max3A_37, %get3A_40, %dot_general3A {dimension_numbers = #tpu.dot_dimension_numbers<[1], [1], [0], [0], [0, 0, 1, 0], [], []>, precision = #tpu.contract_precision<fp32>, transpose_lhs_hint = false} : vector<1000x64xf32>, vector<64x64xf32>, vector<1000x64xf32> -> vector<1000x64xf32>
    %mul3A_42 = arith.mulf %dot_general3A_41, %concatenate3A : vector<1000x64xf32>
    %slice3A_43 = vector.extract_strided_slice %mul3A_42 {offsets = [0, 0], sizes = [1000, 32], strides = [1, 1]} : vector<1000x64xf32> to vector<1000x32xf32>
    %swap3A = arith.constant 0 : index
    %swap3A_44 = arith.constant 0 : index
    %swap3A_45 = arith.constant 0 : index
    %swap3A_46 = vector.load %arg6[%swap3A, %swap3A_44, %swap3A_45] : memref<2x1000x32xf32, #tpu.memory_space<vmem>>, vector<1x1000x32xf32>
    %swap3A_47 = vector.shape_cast %swap3A_46 : vector<1x1000x32xf32> to vector<1000x32xf32>
    %swap3A_48 = vector.shape_cast %slice3A_43 : vector<1000x32xf32> to vector<1x1000x32xf32>
    tpu.vector_store %arg6[%swap3A, %swap3A_44, %swap3A_45], %swap3A_48 {strides = array<i32>} : memref<2x1000x32xf32, #tpu.memory_space<vmem>>, vector<1x1000x32xf32>,
    %slice3A_49 = vector.extract_strided_slice %mul3A_42 {offsets = [0, 32], sizes = [1000, 32], strides = [1, 1]} : vector<1000x64xf32> to vector<1000x32xf32>
    %swap3A_50 = arith.constant 1 : index
    %swap3A_51 = arith.constant 0 : index
    %swap3A_52 = arith.constant 0 : index
    %swap3A_53 = vector.load %arg6[%swap3A_50, %swap3A_51, %swap3A_52] : memref<2x1000x32xf32, #tpu.memory_space<vmem>>, vector<1x1000x32xf32>
    %swap3A_54 = vector.shape_cast %swap3A_53 : vector<1x1000x32xf32> to vector<1000x32xf32>
    %swap3A_55 = vector.shape_cast %slice3A_49 : vector<1000x32xf32> to vector<1x1000x32xf32>
    tpu.vector_store %arg6[%swap3A_50, %swap3A_51, %swap3A_52], %swap3A_55 {strides = array<i32>} : memref<2x1000x32xf32, #tpu.memory_space<vmem>>, vector<1x1000x32xf32>,
    return
  }
  func.func @transform_0(%arg0: i32) -> (i32, i32, i32) {
    %c0_i32 = arith.constant 0 : i32
    %c0_i32_0 = arith.constant 0 : i32
    %c0_i32_1 = arith.constant 0 : i32
    return %c0_i32, %arg0, %c0_i32_0 : i32, i32, i32
  }
  func.func @transform_1(%arg0: i32) -> (i32, i32, i32) {
    %c0_i32 = arith.constant 0 : i32
    %c0_i32_0 = arith.constant 0 : i32
    %c0_i32_1 = arith.constant 0 : i32
    return %c0_i32, %arg0, %c0_i32_0 : i32, i32, i32
  }
  func.func @transform_2(%arg0: i32) -> (i32, i32, i32) {
    %c0_i32 = arith.constant 0 : i32
    %c0_i32_0 = arith.constant 0 : i32
    %c0_i32_1 = arith.constant 0 : i32
    return %c0_i32, %arg0, %c0_i32_0 : i32, i32, i32
  }
  func.func @transform_3(%arg0: i32) -> (i32, i32) {
    %c0_i32 = arith.constant 0 : i32
    %c0_i32_0 = arith.constant 0 : i32
    %c0_i32_1 = arith.constant 0 : i32
    return %c0_i32, %c0_i32_0 : i32, i32
  }
  func.func @transform_4(%arg0: i32) -> (i32, i32) {
    %c0_i32 = arith.constant 0 : i32
    %c0_i32_0 = arith.constant 0 : i32
    %c0_i32_1 = arith.constant 0 : i32
    return %c0_i32, %c0_i32_0 : i32, i32
  }
  func.func @transform_5(%arg0: i32) -> (i32, i32, i32) {
    %c0_i32 = arith.constant 0 : i32
    %c0_i32_0 = arith.constant 0 : i32
    %c0_i32_1 = arith.constant 0 : i32
    return %c0_i32, %arg0, %c0_i32_0 : i32, i32, i32
  }
}

module attributes {stable_mosaic.version = 14 : i64} {
  func.func @_heads_body(%arg0: i32, %arg1: memref<2x1000x32xf32, #tpu.memory_space<vmem>>, %arg2: memref<2x1000x32xf32, #tpu.memory_space<vmem>>, %arg3: memref<2x1000x16xf32, #tpu.memory_space<vmem>>, %arg4: memref<1x64xf32, #tpu.memory_space<vmem>>, %arg5: memref<32x64xf32, #tpu.memory_space<vmem>>, %arg6: memref<1x32xf32, #tpu.memory_space<vmem>>, %arg7: memref<128x32xf32, #tpu.memory_space<vmem>>, %arg8: memref<1x128xf32, #tpu.memory_space<vmem>>, %arg9: memref<32x64xf32, #tpu.memory_space<vmem>>, %arg10: memref<1x32xf32, #tpu.memory_space<vmem>>, %arg11: memref<128x32xf32, #tpu.memory_space<vmem>>, %arg12: memref<1x128xf32, #tpu.memory_space<vmem>>, %arg13: memref<1000x128xf32, #tpu.memory_space<vmem>>, %arg14: memref<1000x128xf32, #tpu.memory_space<vmem>>) attributes {dimension_semantics = [#tpu.dimension_semantics<arbitrary>], iteration_bounds = array<i64: 50>, scalar_prefetch = 0 : i64, scratch_operands = 0 : i64, tpu.core_type = #tpu.core_type<tc>, window_params = [{transform_indices = @transform_0, window_bounds = array<i64: 2, 1000, 32>}, {transform_indices = @transform_1, window_bounds = array<i64: 2, 1000, 32>}, {transform_indices = @transform_2, window_bounds = array<i64: 2, 1000, 16>}, {pipeline_mode = #tpu.pipeline_mode<synchronous>, transform_indices = @transform_3, window_bounds = array<i64: 1, 64>}, {pipeline_mode = #tpu.pipeline_mode<synchronous>, transform_indices = @transform_4, window_bounds = array<i64: 32, 64>}, {pipeline_mode = #tpu.pipeline_mode<synchronous>, transform_indices = @transform_5, window_bounds = array<i64: 1, 32>}, {pipeline_mode = #tpu.pipeline_mode<synchronous>, transform_indices = @transform_6, window_bounds = array<i64: 128, 32>}, {pipeline_mode = #tpu.pipeline_mode<synchronous>, transform_indices = @transform_7, window_bounds = array<i64: 1, 128>}, {pipeline_mode = #tpu.pipeline_mode<synchronous>, transform_indices = @transform_8, window_bounds = array<i64: 32, 64>}, {pipeline_mode = #tpu.pipeline_mode<synchronous>, transform_indices = @transform_9, window_bounds = array<i64: 1, 32>}, {pipeline_mode = #tpu.pipeline_mode<synchronous>, transform_indices = @transform_10, window_bounds = array<i64: 128, 32>}, {pipeline_mode = #tpu.pipeline_mode<synchronous>, transform_indices = @transform_11, window_bounds = array<i64: 1, 128>}, {transform_indices = @transform_12, window_bounds = array<i64: 1000, 128>}, {transform_indices = @transform_13, window_bounds = array<i64: 1000, 128>}]} {
    %get3A = arith.constant 0 : index
    %get3A_0 = arith.constant 0 : index
    %get3A_1 = arith.constant 0 : index
    %get3A_2 = vector.load %arg3[%get3A, %get3A_0, %get3A_1] : memref<2x1000x16xf32, #tpu.memory_space<vmem>>, vector<2x1000x16xf32>
    %slice3A = vector.extract_strided_slice %get3A_2 {offsets = [0, 0, 0], sizes = [1, 1000, 16], strides = [1, 1, 1]} : vector<2x1000x16xf32> to vector<1x1000x16xf32>
    %squeeze3A = vector.shape_cast %slice3A : vector<1x1000x16xf32> to vector<1000x16xf32>
    %slice3A_3 = vector.extract_strided_slice %get3A_2 {offsets = [1, 0, 0], sizes = [1, 1000, 16], strides = [1, 1, 1]} : vector<2x1000x16xf32> to vector<1x1000x16xf32>
    %squeeze3A_4 = vector.shape_cast %slice3A_3 : vector<1x1000x16xf32> to vector<1000x16xf32>
    %add3A = arith.addf %squeeze3A, %squeeze3A_4 : vector<1000x16xf32>
    %add3A_5 = arith.constant 1.000000e+00 : f32
    %add3A_6 = vector.broadcast %add3A_5 : f32 to vector<1000x16xf32>
    %add3A_7 = arith.addf %add3A, %add3A_6 : vector<1000x16xf32>
    %rsqrt3A = math.rsqrt %add3A_7 : vector<1000x16xf32>
    %concatenate3A = tpu.concatenate %rsqrt3A, %rsqrt3A, %rsqrt3A, %rsqrt3A in 1 : vector<1000x16xf32>, vector<1000x16xf32>, vector<1000x16xf32>, vector<1000x16xf32> -> vector<1000x64xf32>
    %get3A_8 = arith.constant 0 : index
    %get3A_9 = arith.constant 0 : index
    %get3A_10 = arith.constant 0 : index
    %get3A_11 = vector.load %arg1[%get3A_8, %get3A_9, %get3A_10] : memref<2x1000x32xf32, #tpu.memory_space<vmem>>, vector<1x1000x32xf32>
    %get3A_12 = vector.shape_cast %get3A_11 : vector<1x1000x32xf32> to vector<1000x32xf32>
    %get3A_13 = arith.constant 0 : index
    %get3A_14 = arith.constant 0 : index
    %get3A_15 = arith.constant 0 : index
    %get3A_16 = vector.load %arg2[%get3A_13, %get3A_14, %get3A_15] : memref<2x1000x32xf32, #tpu.memory_space<vmem>>, vector<1x1000x32xf32>
    %get3A_17 = vector.shape_cast %get3A_16 : vector<1x1000x32xf32> to vector<1000x32xf32>
    %add3A_18 = arith.addf %get3A_12, %get3A_17 : vector<1000x32xf32>
    %get3A_19 = arith.constant 1 : index
    %get3A_20 = arith.constant 0 : index
    %get3A_21 = arith.constant 0 : index
    %get3A_22 = vector.load %arg1[%get3A_19, %get3A_20, %get3A_21] : memref<2x1000x32xf32, #tpu.memory_space<vmem>>, vector<1x1000x32xf32>
    %get3A_23 = vector.shape_cast %get3A_22 : vector<1x1000x32xf32> to vector<1000x32xf32>
    %get3A_24 = arith.constant 1 : index
    %get3A_25 = arith.constant 0 : index
    %get3A_26 = arith.constant 0 : index
    %get3A_27 = vector.load %arg2[%get3A_24, %get3A_25, %get3A_26] : memref<2x1000x32xf32, #tpu.memory_space<vmem>>, vector<1x1000x32xf32>
    %get3A_28 = vector.shape_cast %get3A_27 : vector<1x1000x32xf32> to vector<1000x32xf32>
    %add3A_29 = arith.addf %get3A_23, %get3A_28 : vector<1000x32xf32>
    %concatenate3A_30 = tpu.concatenate %add3A_18, %add3A_29 in 1 : vector<1000x32xf32>, vector<1000x32xf32> -> vector<1000x64xf32>
    %mul3A = arith.mulf %concatenate3A_30, %concatenate3A : vector<1000x64xf32>
    %get3A_31 = arith.constant 0 : index
    %get3A_32 = arith.constant 0 : index
    %get3A_33 = vector.load %arg4[%get3A_31, %get3A_32] : memref<1x64xf32, #tpu.memory_space<vmem>>, vector<1x64xf32>
    %add3A_34 = vector.broadcast %get3A_33 : vector<1x64xf32> to vector<1000x64xf32>
    %add3A_35 = arith.addf %mul3A, %add3A_34 : vector<1000x64xf32>
    %max3A = arith.constant 0.000000e+00 : f32
    %max3A_36 = vector.broadcast %max3A : f32 to vector<1000x64xf32>
    %max3A_37 = arith.maximumf %add3A_35, %max3A_36 : vector<1000x64xf32>
    %get3A_38 = arith.constant 0 : index
    %get3A_39 = arith.constant 0 : index
    %get3A_40 = vector.load %arg5[%get3A_38, %get3A_39] : memref<32x64xf32, #tpu.memory_space<vmem>>, vector<32x64xf32>
    %dot_general3A = arith.constant dense<0.000000e+00> : vector<1000x32xf32>
    %dot_general3A_41 = tpu.matmul %max3A_37, %get3A_40, %dot_general3A {dimension_numbers = #tpu.dot_dimension_numbers<[1], [1], [0], [0], [0, 0, 1, 0], [], []>, precision = #tpu.contract_precision<fp32>, transpose_lhs_hint = false} : vector<1000x64xf32>, vector<32x64xf32>, vector<1000x32xf32> -> vector<1000x32xf32>
    %get3A_42 = arith.constant 0 : index
    %get3A_43 = arith.constant 0 : index
    %get3A_44 = vector.load %arg6[%get3A_42, %get3A_43] : memref<1x32xf32, #tpu.memory_space<vmem>>, vector<1x32xf32>
    %add3A_45 = vector.broadcast %get3A_44 : vector<1x32xf32> to vector<1000x32xf32>
    %add3A_46 = arith.addf %dot_general3A_41, %add3A_45 : vector<1000x32xf32>
    %max3A_47 = arith.constant 0.000000e+00 : f32
    %max3A_48 = vector.broadcast %max3A_47 : f32 to vector<1000x32xf32>
    %max3A_49 = arith.maximumf %add3A_46, %max3A_48 : vector<1000x32xf32>
    %get3A_50 = arith.constant 0 : index
    %get3A_51 = arith.constant 0 : index
    %get3A_52 = vector.load %arg7[%get3A_50, %get3A_51] : memref<128x32xf32, #tpu.memory_space<vmem>>, vector<128x32xf32>
    %dot_general3A_53 = arith.constant dense<0.000000e+00> : vector<1000x128xf32>
    %dot_general3A_54 = tpu.matmul %max3A_49, %get3A_52, %dot_general3A_53 {dimension_numbers = #tpu.dot_dimension_numbers<[1], [1], [0], [0], [0, 0, 1, 0], [], []>, precision = #tpu.contract_precision<fp32>, transpose_lhs_hint = false} : vector<1000x32xf32>, vector<128x32xf32>, vector<1000x128xf32> -> vector<1000x128xf32>
    %get3A_55 = arith.constant 0 : index
    %get3A_56 = arith.constant 0 : index
    %get3A_57 = vector.load %arg8[%get3A_55, %get3A_56] : memref<1x128xf32, #tpu.memory_space<vmem>>, vector<1x128xf32>
    %add3A_58 = vector.broadcast %get3A_57 : vector<1x128xf32> to vector<1000x128xf32>
    %add3A_59 = arith.addf %dot_general3A_54, %add3A_58 : vector<1000x128xf32>
    %swap3A = arith.constant 0 : index
    %swap3A_60 = arith.constant 0 : index
    %swap3A_61 = vector.load %arg13[%swap3A, %swap3A_60] : memref<1000x128xf32, #tpu.memory_space<vmem>>, vector<1000x128xf32>
    tpu.vector_store %arg13[%swap3A, %swap3A_60], %add3A_59 {strides = array<i32>} : memref<1000x128xf32, #tpu.memory_space<vmem>>, vector<1000x128xf32>,
    %get3A_62 = arith.constant 0 : index
    %get3A_63 = arith.constant 0 : index
    %get3A_64 = vector.load %arg9[%get3A_62, %get3A_63] : memref<32x64xf32, #tpu.memory_space<vmem>>, vector<32x64xf32>
    %dot_general3A_65 = arith.constant dense<0.000000e+00> : vector<1000x32xf32>
    %dot_general3A_66 = tpu.matmul %max3A_37, %get3A_64, %dot_general3A_65 {dimension_numbers = #tpu.dot_dimension_numbers<[1], [1], [0], [0], [0, 0, 1, 0], [], []>, precision = #tpu.contract_precision<fp32>, transpose_lhs_hint = false} : vector<1000x64xf32>, vector<32x64xf32>, vector<1000x32xf32> -> vector<1000x32xf32>
    %get3A_67 = arith.constant 0 : index
    %get3A_68 = arith.constant 0 : index
    %get3A_69 = vector.load %arg10[%get3A_67, %get3A_68] : memref<1x32xf32, #tpu.memory_space<vmem>>, vector<1x32xf32>
    %add3A_70 = vector.broadcast %get3A_69 : vector<1x32xf32> to vector<1000x32xf32>
    %add3A_71 = arith.addf %dot_general3A_66, %add3A_70 : vector<1000x32xf32>
    %max3A_72 = arith.constant 0.000000e+00 : f32
    %max3A_73 = vector.broadcast %max3A_72 : f32 to vector<1000x32xf32>
    %max3A_74 = arith.maximumf %add3A_71, %max3A_73 : vector<1000x32xf32>
    %get3A_75 = arith.constant 0 : index
    %get3A_76 = arith.constant 0 : index
    %get3A_77 = vector.load %arg11[%get3A_75, %get3A_76] : memref<128x32xf32, #tpu.memory_space<vmem>>, vector<128x32xf32>
    %dot_general3A_78 = arith.constant dense<0.000000e+00> : vector<1000x128xf32>
    %dot_general3A_79 = tpu.matmul %max3A_74, %get3A_77, %dot_general3A_78 {dimension_numbers = #tpu.dot_dimension_numbers<[1], [1], [0], [0], [0, 0, 1, 0], [], []>, precision = #tpu.contract_precision<fp32>, transpose_lhs_hint = false} : vector<1000x32xf32>, vector<128x32xf32>, vector<1000x128xf32> -> vector<1000x128xf32>
    %get3A_80 = arith.constant 0 : index
    %get3A_81 = arith.constant 0 : index
    %get3A_82 = vector.load %arg12[%get3A_80, %get3A_81] : memref<1x128xf32, #tpu.memory_space<vmem>>, vector<1x128xf32>
    %add3A_83 = vector.broadcast %get3A_82 : vector<1x128xf32> to vector<1000x128xf32>
    %add3A_84 = arith.addf %dot_general3A_79, %add3A_83 : vector<1000x128xf32>
    %swap3A_85 = arith.constant 0 : index
    %swap3A_86 = arith.constant 0 : index
    %swap3A_87 = vector.load %arg14[%swap3A_85, %swap3A_86] : memref<1000x128xf32, #tpu.memory_space<vmem>>, vector<1000x128xf32>
    tpu.vector_store %arg14[%swap3A_85, %swap3A_86], %add3A_84 {strides = array<i32>} : memref<1000x128xf32, #tpu.memory_space<vmem>>, vector<1000x128xf32>,
    return
  }
  func.func @transform_0(%arg0: i32) -> (i32, i32, i32) {
    %c0_i32 = arith.constant 0 : i32
    %c0_i32_0 = arith.constant 0 : i32
    %c0_i32_1 = arith.constant 0 : i32
    return %c0_i32, %arg0, %c0_i32_0 : i32, i32, i32
  }
  func.func @transform_1(%arg0: i32) -> (i32, i32, i32) {
    %c0_i32 = arith.constant 0 : i32
    %c0_i32_0 = arith.constant 0 : i32
    %c0_i32_1 = arith.constant 0 : i32
    return %c0_i32, %arg0, %c0_i32_0 : i32, i32, i32
  }
  func.func @transform_2(%arg0: i32) -> (i32, i32, i32) {
    %c0_i32 = arith.constant 0 : i32
    %c0_i32_0 = arith.constant 0 : i32
    %c0_i32_1 = arith.constant 0 : i32
    return %c0_i32, %arg0, %c0_i32_0 : i32, i32, i32
  }
  func.func @transform_3(%arg0: i32) -> (i32, i32) {
    %c0_i32 = arith.constant 0 : i32
    %c0_i32_0 = arith.constant 0 : i32
    %c0_i32_1 = arith.constant 0 : i32
    return %c0_i32, %c0_i32_0 : i32, i32
  }
  func.func @transform_4(%arg0: i32) -> (i32, i32) {
    %c0_i32 = arith.constant 0 : i32
    %c0_i32_0 = arith.constant 0 : i32
    %c0_i32_1 = arith.constant 0 : i32
    return %c0_i32, %c0_i32_0 : i32, i32
  }
  func.func @transform_5(%arg0: i32) -> (i32, i32) {
    %c0_i32 = arith.constant 0 : i32
    %c0_i32_0 = arith.constant 0 : i32
    %c0_i32_1 = arith.constant 0 : i32
    return %c0_i32, %c0_i32_0 : i32, i32
  }
  func.func @transform_6(%arg0: i32) -> (i32, i32) {
    %c0_i32 = arith.constant 0 : i32
    %c0_i32_0 = arith.constant 0 : i32
    %c0_i32_1 = arith.constant 0 : i32
    return %c0_i32, %c0_i32_0 : i32, i32
  }
  func.func @transform_7(%arg0: i32) -> (i32, i32) {
    %c0_i32 = arith.constant 0 : i32
    %c0_i32_0 = arith.constant 0 : i32
    %c0_i32_1 = arith.constant 0 : i32
    return %c0_i32, %c0_i32_0 : i32, i32
  }
  func.func @transform_8(%arg0: i32) -> (i32, i32) {
    %c0_i32 = arith.constant 0 : i32
    %c0_i32_0 = arith.constant 0 : i32
    %c0_i32_1 = arith.constant 0 : i32
    return %c0_i32, %c0_i32_0 : i32, i32
  }
  func.func @transform_9(%arg0: i32) -> (i32, i32) {
    %c0_i32 = arith.constant 0 : i32
    %c0_i32_0 = arith.constant 0 : i32
    %c0_i32_1 = arith.constant 0 : i32
    return %c0_i32, %c0_i32_0 : i32, i32
  }
  func.func @transform_10(%arg0: i32) -> (i32, i32) {
    %c0_i32 = arith.constant 0 : i32
    %c0_i32_0 = arith.constant 0 : i32
    %c0_i32_1 = arith.constant 0 : i32
    return %c0_i32, %c0_i32_0 : i32, i32
  }
  func.func @transform_11(%arg0: i32) -> (i32, i32) {
    %c0_i32 = arith.constant 0 : i32
    %c0_i32_0 = arith.constant 0 : i32
    %c0_i32_1 = arith.constant 0 : i32
    return %c0_i32, %c0_i32_0 : i32, i32
  }
  func.func @transform_12(%arg0: i32) -> (i32, i32) {
    %c0_i32 = arith.constant 0 : i32
    %c0_i32_0 = arith.constant 0 : i32
    return %arg0, %c0_i32 : i32, i32
  }
  func.func @transform_13(%arg0: i32) -> (i32, i32) {
    %c0_i32 = arith.constant 0 : i32
    %c0_i32_0 = arith.constant 0 : i32
    return %arg0, %c0_i32 : i32, i32
  }
}

</mosaic_0001>

<sc_bundles>
// kernel: kernel.11.cloned.1.call-start
scs
__scs_entry_jumppad:
0x0: {  	(pc) =	sbr.rel $0x88, $3  }
0x1: {  	(tag) =	ssettag $0x0;
	lr =	simm.s32 $0x1  }
0x2: {  	[smem:$0x3F8F] =	sst lr;
	_ =	strace $0xD0000000  }
0x3: {  	_ = 	snop  }
0x4: {  	_ = 	snop  }
0x5: {  	_ = 	snop  }
0x6: {  	_ = 	snop  }
0x7: {  	_ = 	snop  }
__scs_overlays_trampoline_lowered:
0x8: {  	[smem:$0x3F9E] =	sst s0  }
0x9: {  	[smem:$0x3F9F] =	sst s1  }
0xa: {  	[smem:$0x3FA0] =	sst s2  }
0xb: {  	[smem:$0x3FA1] =	sst s3  }
0xc: {  	[smem:$0x3FA2] =	sst s4  }
0xd: {  	[smem:$0x3FA3] =	sst s5  }
0xe: {  	[smem:$0x3FA4] =	sst s6  }
0xf: {  	[smem:$0x3FA5] =	sst s7  }
0x10: {  	[smem:$0x3FA6] =	sst s8  }
0x11: {  	[smem:$0x3FA7] =	sst s9;
	s0 =	simm.s32 @!p0 $0x0  }
0x12: {  	s1 =	sld [smem:$0x3F8D];
	s0 =	simm.s32 @p0 $0x1  }
0x13: {  	[smem:$0x3FA8] =	sst s0;
	s0 =	simm.s32 @!p1 $0x0  }
0x14: {  	s2 =	sld [smem:$0x3F8C];
	s0 =	simm.s32 @p1 $0x1  }
0x15: {  	[smem:$0x3FA9] =	sst s0;
	s0 =	simm.s32 @!p2 $0x0  }
0x16: {  	s3 =	sld [smem:$0x3FDB];
	s0 =	simm.s32 @p2 $0x1  }
0x17: {  	s4 =	simm.s32 $0x1BF5;
	[smem:$0x3FAB] =	sst s0  }
0x18: {  	s0 =	sld [smem:$0x3F8E];
	_ =	swait.ge [sflag:s4], $0x0  }
0x19: {  	s7 =	sld [smem:$0x3F8F]  }
0x1a: {  	s8 =	sadd.s32 $0xFFFFE003, lr  }
0x1b: {  	s9 =	sadd.s32 $0xFFFFFEF7, lr;
	s5 =	simm.s32 $0xFFFFFFFF;
	p2 =	slt.u32 s8, $0xFFFFF086  }
0x1c: {  	p1 =	slt.u32 s9, $0xF7A;
	s5 =	simm.s32 @!p2 $0x0  }
0x1d: {  	s5 =	simm.s32 @p1 $0x1;
	p0 =	seq.s32 s7, s2  }
0x1e: {  	s7 =	smul.u32 @!p0 $0xF7A, s2;
	p2 =	seq.s32 @!p0 s5, $0x0  }
0x1f: {  	s9 =	smul.u32 $0xF7A, s1;
	s8 =	simm.s32 @!p0 $0x1BF5;
	p2 =	por !p2, p0  }
0x20: {  	[sflag:s8] =	ssyncset.s32 @!p0 $0xFFFFF086;
	s6 =	sadd.s32 @!p0 s3, s7;
	s7 =	simm.s32 @!p0 $0x108  }
0x21: {  	s3 =	sadd.s32 s3, s9;
	s6 =	sadd.s32 @!p0 $0x88, s6;
	s7 =	simm.s32 @p2 $0x1082  }
0x22: {  	[simem:s7], [sflag:s8] =	dma.local @!p0 [hbm:s6], $0xF7A  }
0x23: {  	s9 =	sor.u32 $0xD0000000, s2;
	s6 =	simm.s32 $0x108;
	_ =	swait.ge @!p0 [sflag:s8], $0x0  }
0x24: {  	s3 =	sadd.s32 $0x88, s3;
	s6 =	simm.s32 @!p1 $0x1082;
	[sflag:s4] =	ssyncset.s32 $0xFFFFF086  }
0x25: {  	[simem:s6], [sflag:s4] =	dma.local [hbm:s3], $0xF7A  }
0x26: {  	[smem:$0x3F8F] =	sst s1;
	(tag) =	ssettag s2;
	_ =	strace s9  }
0x27: {  	s1 =	sld [smem:$0x3F9F]  }
0x28: {  	s2 =	sld [smem:$0x3FA0]  }
0x29: {  	s4 =	sld [smem:$0x3FA2]  }
0x2a: {  	p0 =	seq.s32 s5, $0x0;
	s5 =	sld [smem:$0x3FA3]  }
0x2b: {  	s6 =	sld [smem:$0x3FA4]  }
0x2c: {  	s7 =	sld [smem:$0x3FA5]  }
0x2d: {  	s3 =	simm.s32 $0x108;
	s8 =	sld [smem:$0x3FA6]  }
0x2e: {  	s3 =	simm.s32 @!p0 $0x1082;
	s9 =	sld [smem:$0x3FA7]  }
0x2f: {  	lr =	sadd.s32 s0, s3;
	s0 =	sld [smem:$0x3F9E]  }
0x30: {  	s3 =	sld [smem:$0x3FA1]  }
0x31: {  	[smem:$0x3FAA] =	sst s10  }
0x32: {  	s10 =	sld [smem:$0x3FA8];
	_ =	sdelay $0x3  }
0x33: {  	p0 =	seq.s32 s10, $0x1;
	s10 =	sld [smem:$0x3FAA];
	_ =	sdelay $0x3  }
0x34: {  	[smem:$0x3FAA] =	sst s10  }
0x35: {  	s10 =	sld [smem:$0x3FA9];
	_ =	sdelay $0x3  }
0x36: {  	p1 =	seq.s32 s10, $0x1;
	s10 =	sld [smem:$0x3FAA];
	_ =	sdelay $0x3  }
0x37: {  	[smem:$0x3FAA] =	sst s10  }
0x38: {  	s10 =	sld [smem:$0x3FAB]  }
0x39: {  	_ = 	snop;
	(pc) =	sbr.ind lr, $3  }
0x3a: {  	_ = 	snop  }
0x3b: {  	_ = 	snop  }
0x3c: {  	p2 =	seq.s32 s10, $0x1;
	s10 =	sld [smem:$0x3FAA]  }
0x3d: {  	_ =	shalt  }
0x3e: {  	_ =	shalt  }
0x3f: {  	_ =	shalt  }
0x40: {  	_ =	shalt  }
0x41: {  	_ =	shalt  }
0x42: {  	_ =	shalt  }
0x43: {  	_ =	shalt  }
0x44: {  	_ =	shalt  }
0x45: {  	_ =	shalt  }
0x46: {  	_ =	shalt  }
0x47: {  	_ =	shalt  }
0x48: {  	_ =	shalt  }
0x49: {  	_ =	shalt  }
0x4a: {  	_ =	shalt  }
0x4b: {  	_ =	shalt  }
0x4c: {  	_ =	shalt  }
0x4d: {  	_ =	shalt  }
0x4e: {  	_ =	shalt  }
0x4f: {  	_ =	shalt  }
0x50: {  	_ =	shalt  }
0x51: {  	_ =	shalt  }
0x52: {  	_ =	shalt  }
0x53: {  	_ =	shalt  }
0x54: {  	_ =	shalt  }
0x55: {  	_ =	shalt  }
0x56: {  	_ =	shalt  }
0x57: {  	_ =	shalt  }
0x58: {  	_ =	shalt  }
0x59: {  	_ =	shalt  }
0x5a: {  	_ =	shalt  }
0x5b: {  	_ =	shalt  }
0x5c: {  	_ =	shalt  }
0x5d: {  	_ =	shalt  }
0x5e: {  	_ =	shalt  }
0x5f: {  	_ =	shalt  }
0x60: {  	_ =	shalt  }
0x61: {  	_ =	shalt  }
0x62: {  	_ =	shalt  }
0x63: {  	_ =	shalt  }
0x64: {  	_ =	shalt  }
0x65: {  	_ =	shalt  }
0x66: {  	_ =	shalt  }
0x67: {  	_ =	shalt  }
0x68: {  	_ =	shalt  }
0x69: {  	_ =	shalt  }
0x6a: {  	_ =	shalt  }
0x6b: {  	_ =	shalt  }
0x6c: {  	_ =	shalt  }
0x6d: {  	_ =	shalt  }
0x6e: {  	_ =	shalt  }
0x6f: {  	_ =	shalt  }
0x70: {  	_ =	shalt  }
0x71: {  	_ =	shalt  }
0x72: {  	_ =	shalt  }
0x73: {  	_ =	shalt  }
0x74: {  	_ =	shalt  }
0x75: {  	_ =	shalt  }
0x76: {  	_ =	shalt  }
0x77: {  	_ =	shalt  }
0x78: {  	_ =	shalt  }
0x79: {  	_ =	shalt  }
0x7a: {  	_ =	shalt  }
0x7b: {  	_ =	shalt  }
0x7c: {  	_ =	shalt  }
0x7d: {  	_ =	shalt  }
0x7e: {  	_ =	shalt  }
0x7f: {  	_ =	shalt  }
0x80: {  	_ =	shalt  }
0x81: {  	_ =	shalt  }
0x82: {  	_ =	shalt  }
0x83: {  	_ =	shalt  }
0x84: {  	_ =	shalt  }
0x85: {  	_ =	shalt  }
0x86: {  	_ =	shalt  }
0x87: {  	_ =	shalt  }
.Lfunc_end0:
.L_simem_size_0:
called_computation_lowered:
.L_overlay_start_0:
0x88: {  	s2 =	sld [smem:$0x3FD9]  }
0x89: {  	s3 =	sld [smem:$0x3FFE];
	_ =	sdelay $0x1  }
0x8a: {  	s1 =	srdreg.scid  }
0x8b: {  	s0 =	sand.u32 $0x1, s1  }
0x8c: {  	s16 =	sshll.u32 s0, $0xA;
	s2 =	sadd.s32 s3, s2  }
0x8d: {  	s2 =	sadd.s32 s2, s16  }
0x8e: {  	[smem:$0x3FB6] =	sst s2  }
0x8f: {  	_ = 	snop  }
0x90: {  	(tm) =	ssettm $0x1  }
0x91: {  	s17 =	sld [smem:$0x3FFB];
	_ =	sdelay $0x3  }
0x92: {  	_ =	strace s17  }
0x93: {  	s2 =	sld [smem:$0x3FFC];
	_ =	sdelay $0x3  }
0x94: {  	_ =	strace s2  }
0x95: {  	s2 =	sld [smem:$0x3FFD];
	_ =	sdelay $0x3  }
0x96: {  	_ =	strace s2  }
0x97: {  	_ =	strace $0x8FFFFFFF  }
0x98: {  	s18 =	sld [smem:$0x3FDB];
	_ =	sdelay $0x1  }
0x99: {  	s19 =	simm.s32 $_scs_section_size  }
0x9a: {  	s4 =	simm.s32 $_size__tile_overlayer_lowered;
	s5 =	simm.s32 $_tile_overlayer_lowered  }
0x9b: {  	s22 =	simm.s32 $0x1BFF;
	s21 =	sshll.u32 s5, $0x1;
	s2 =	sadd.s32 s19, s18  }
0x9c: {  	s6 =	simm.s32 $0x0;
	s20 =	sshll.u32 s4, $0x1;
	s4 =	sadd.s32 s21, s2  }
0x9d: {  	[timem:s6], [sflag:s22] =	dma.local [hbm:s4], s20  }
0x9e: {  	_ =	swait.ge [sflag:s22], s20  }
0x9f: {  	s3 =	ssub.s32 $0x0, s20;
	[sflag:s22] =	ssyncset.done $0x0  }
0xa0: {  	[sflag:s22] =	ssyncadd.s32 s3;
	_ =	sdelay $0x1  }
0xa1: {  	s23 =	simm.s32 $0x1B8B  }
0xa2: {  	_ =	swait.ge [sflag:s23], $0x1  }
0xa3: {  	[sflag:s23] =	ssyncset.done $0x0  }
0xa4: {  	s25 =	simm.s32 $0x1B8E;
	s24 =	sld [smem:$0x3FFE];
	[sflag:s23] =	ssyncadd.s32 $0xFFFFFFFF  }
0xa5: {  	s26 =	simm.s32 $execute0_lowered;
	[smem:$0x3FD2] =	sst s25  }
0xa6: {  	s4 =	sshll.u32 s26, $0x1;
	_ =	strace $0x80000046;
	[dreg:$0x1] =	wrdreg $0xFFFFFFFF  }
0xa7: {  	s28 =	simm.s32 $_size_execute0_lowered;
	s2 =	sadd.s32 s2, s4;
	[dreg:$0x0] =	wrdreg $0x0  }
0xa8: {  	s4 =	sshll.u32 s28, $0x1;
	[dreg:$0x2] =	wrdreg s2  }
0xa9: {  	[dreg:$0x3] =	wrdreg s4  }
0xaa: {  	[dreg:$0x4] =	wrdreg $0xC0  }
0xab: {  	_ =	task [dreg:s6], $0x5FFFF  }
0xac: {  	[dreg:$0x1] =	wrdreg $0xFFFFFFFF  }
0xad: {  	[dreg:$0x0] =	wrdreg $0x60  }
0xae: {  	[dreg:$0x2] =	wrdreg s24  }
0xaf: {  	[dreg:$0x3] =	wrdreg $0xE000  }
0xb0: {  	[dreg:$0x4] =	wrdreg $0x9  }
0xb1: {  	_ =	task.clear_ibuf [dreg:s6], $0x5FFFF;
	_ =	strace $0x90000046  }
0xb2: {  	s29 =	simm.s32 $0x9;
	_ =	strace $0x80000048  }
0xb3: {  	_ =	swait.ge [sflag:s29], $0x1  }
0xb4: {  	[sflag:s29] =	ssyncadd.s32 $0xFFFFFFFF  }
0xb5: {  	_ =	strace $0x90000048  }
0xb6: {  	_ =	sfence  }
0xb7: {  	s30 =	sld [smem:$0x0];
	_ =	sdelay $0x2  }
0xb8: {  	s31 =	sshll.u32 s1, $0xD;
	s1 =	sshrl.u32 s1, $0x2  }
0xb9: {  	s3 =	sand.u32 $0x4000, s31;
	s1 =	sadd.s32 s1, s30  }
0xba: {  	s0 =	sor.u32 s3, s0;
	s1 =	sshll.u32 s1, $0x11  }
0xbb: {  	s0 =	sor.u32 s1, s0  }
0xbc: {  	s0 =	sadd.s32 $0x8F2B, s0  }
0xbd: {  	[sflag:s0] =	ssyncadd.remote.s32 $0x1  }
0xbe: {  	_ =	sfence.sel $0xFFFF  }
0xbf: {  	[dreg:$0x0] =	wrdreg $0xFFFFFFFF;
	(pc) =	sbr.abs _section_cstart, $3  }
0xc0: {  	[dreg:$0x1] =	wrdreg $0xFFFFFFFF  }
0xc1: {  	_ =	task.clear_ibuf [dreg:s6], $0x2FFFF;
	_ =	strace $0x9FFFFFFF  }
0xc2: {  	(tm) =	ssettm $0x7FFFFFFF  }
0xc3: {  	_ =	shalt  }
tec
execute0_lowered:
.L_overlay_start_1:
0x0: {  	(tag) =	ssettag $0x1  }
0x1: {  	s4 =	rddreg [dreg:$0x0];
	s0 =	srdreg.scid  }
0x2: {  	s2 =	rddreg [dreg:$0x1];
	s1 =	stileid.u32;
	s3 =	simm.s32 $0x0  }
0x3: {  	s11 =	simm.s32 $0x400;
	s12 =	simm.s32 $0xC80;
	s7 =	smul.u32 $0x6200, s1  }
0x4: {  	s13 =	simm.s32 $0xD00;
	s14 =	simm.s32 $0xD80;
	s28 =	smul.u32 $0x1880, s1  }
0x5: {  	s5 =	sand.u32 $0x1, s0;
	s0 =	rddreg [dreg:$0x2];
	s9 =	smul.u32 $0x31000, s1  }
0x6: {  	s17 =	simm.s32 $0x0;
	[smem:$0x7FF] =	sst s3;
	s6 =	smul.u32 $0x62000, s5  }
0x7: {  	s15 =	sshll.u32 s1, $0x6;
	s8 =	smul.u32 $0x18800, s5;
	s5 =	ssub.s32 $0x2, s5  }
0x8: {  	_ =	strace $0x80000047;
	s15 =	sor.u32 $0x1C01, s15;
	s30 =	sshrl.u32 s5, $0x1  }
0x9: {  	s31 =	sshrl.u32 s9, $0x2;
	s9 =	simm.s32 $0xC00;
	s6 =	sadd.s32 s7, s6  }
0xa: {  	s29 =	sadd.s32 s28, s8;
	s7 =	ssub.s32 s5, s30;
	s6 =	sshrl.u32 s6, $0x3  }
0xb: {  	s8 =	simm.s32 $0x1;
	s10 =	sadd.s32 s6, s4;
	s6 =	sadd.s32 s29, s4  }
0xc: {  	s4 =	sadd.s32 s31, s2;
	s5 =	sadd.s32 $0x1B000, s6;
	s6 =	smax.u32 s7, $0x1  }
0xd: {  	v0 =	vimm.f32 $0.0e+00;
	v1 =	vimm.f32 $1.000000000e+00;
	s7 =	sadd.s32 $0x2800, s10;
	s10 =	simm.s32 $0x80;
	s16 =	sshrl.u32 s4, $0x3  }
.LBB2_1:
0xe: {  	s18 =	simm.s32 $0x40;
	s19 =	simm.s32 $0x0  }
.LBB2_2:
0xf: {  	p0 =	sne.s32 s18, $0xFC0;
	[tilespmem:s19+$0x0] =	vst v0;
	s19 =	smov.u32 s18;
	s18 =	sadd.s32 $0x40, s18  }
.Ltmp0:
0x10: {  	(pc) =	sbr.rel @p0 .LBB2_2-.Ltmp0, $2  }
0x11: {  	_ =	sdelay $0x2  }
0x12: {  	s19 =	sshra.s32 s19, $0x2  }
0x13: {  	[tilespmem:s19+$0x0] =	vst v0;
	s18 =	simm.s32 $0x40;
	s19 =	simm.s32 $0x0  }
.LBB2_4:
0x14: {  	p0 =	sne.s32 s18, $0x1FC0;
	[tilespmem:s19+$0x400] =	vst v1;
	s19 =	smov.u32 s18;
	s18 =	sadd.s32 $0x40, s18  }
.Ltmp1:
0x15: {  	(pc) =	sbr.rel @p0 .LBB2_4-.Ltmp1, $2  }
0x16: {  	_ =	sdelay $0x2  }
0x17: {  	s19 =	sshra.s32 s19, $0x2  }
0x18: {  	[tilespmem:s19+$0x400] =	vst v1;
	s18 =	sadd.s32 $0x0, s4  }
0x19: {  	[spmem:s18] =	stream.linear.scatter [tilespmem:s3], [sflag:$0x1], $0x400, $0x38;
	[tilespmem:$0xD200] =	vst v63  }
0x1a: {  	s18 =	simm.s32 $0x1000;
	_ =	swait.ge [sflag:s8], $0x400  }
.LBB2_6:
0x1b: {  	s19 =	sshra.s32 s18, $0x2;
	[sflag:s8] =	ssyncset.done $0x0;
	p0 =	sne.s32 s18, $0x30000  }
.Ltmp2:
0x1c: {  	s19 =	sadd.s32 s19, s4;
	[sflag:s8] =	ssyncadd.s32 $0xFFFFFC00;
	(pc) =	sbr.rel @p0 .LBB2_6-.Ltmp2, $3  }
0x1d: {  	[spmem:s19] =	stream.linear.scatter [tilespmem:s3], [sflag:$0x1], $0x400, $0x38;
	[tilespmem:$0xD200] =	vst v63  }
0x1e: {  	s18 =	sadd.s32 $0x1000, s18;
	_ =	sdelay $0x1  }
0x1f: {  	_ =	swait.ge [sflag:s8], $0x400  }
0x20: {  	[sflag:s8] =	ssyncset.done $0x0  }
0x21: {  	[sflag:s8] =	ssyncadd.s32 $0xFFFFFC00  }
0x22: {  	s18 =	sadd.s32 $0x0, s7;
	[bflag:$0x0] =	sbarrier.arrive $0xFFFF  }
0x23: {  	[tilespmem:s9], [sflag:$0x1] =	stream.linear.gather [hbm4b:s18+s3], $0x200, $0x38;
	[tilespmem:$0xD200] =	vst v63  }
0x24: {  	_ =	swait.ge [sflag:s8], $0x200  }
0x25: {  	[sflag:s8] =	ssyncset.done $0x0  }
0x26: {  	[sflag:s8] =	ssyncadd.s32 $0xFFFFFE00  }
0x27: {  	[spmem:s2] =	stream.indirect.scatter.add.f32 [tilespmem:s11], [sflag:$0x1], $0x10, s9, s10, $0xb8;
	[tilespmem:$0xD200] =	vst v63  }
0x28: {  	_ =	swait.ge [sflag:s8], $0x800  }
0x29: {  	[sflag:s8] =	ssyncset.done $0x0  }
0x2a: {  	[sflag:s8] =	ssyncadd.s32 $0xFFFFF800  }
0x2b: {  	[spmem:s2] =	stream.indirect.scatter.add.f32 [tilespmem:s11], [sflag:$0x1], $0x10, s12, s10, $0xb8;
	[tilespmem:$0xD200] =	vst v63  }
0x2c: {  	_ =	swait.ge [sflag:s8], $0x800  }
0x2d: {  	[sflag:s8] =	ssyncset.done $0x0  }
0x2e: {  	[sflag:s8] =	ssyncadd.s32 $0xFFFFF800  }
0x2f: {  	[spmem:s2] =	stream.indirect.scatter.add.f32 [tilespmem:s11], [sflag:$0x1], $0x10, s13, s10, $0xb8;
	[tilespmem:$0xD200] =	vst v63  }
0x30: {  	_ =	swait.ge [sflag:s8], $0x800  }
0x31: {  	[sflag:s8] =	ssyncset.done $0x0  }
0x32: {  	[sflag:s8] =	ssyncadd.s32 $0xFFFFF800  }
0x33: {  	[spmem:s2] =	stream.indirect.scatter.add.f32 [tilespmem:s11], [sflag:$0x1], $0x10, s14, s10, $0xb8;
	[tilespmem:$0xD200] =	vst v63  }
0x34: {  	_ =	swait.ge [sflag:s8], $0x800  }
0x35: {  	s19 =	simm.s32 $0x80;
	s18 =	simm.s32 $0x40;
	[sflag:s8] =	ssyncset.done $0x0  }
.LBB2_8:
0x36: {  	s20 =	sadd.s32 s18, s7  }
0x37: {  	[sflag:s8] =	ssyncadd.s32 $0xFFFFF800;
	s18 =	smov.u32 s19;
	s21 =	sadd.s32 $0x40, s19  }
0x38: {  	[tilespmem:s9], [sflag:$0x1] =	stream.linear.gather [hbm4b:s20+s3], $0x200, $0x38;
	[tilespmem:$0xD200] =	vst v63  }
0x39: {  	p0 =	sne.s32 s19, $0xC00;
	_ =	swait.ge [sflag:s8], $0x200  }
0x3a: {  	[sflag:s8] =	ssyncset.done $0x0  }
0x3b: {  	[sflag:s8] =	ssyncadd.s32 $0xFFFFFE00  }
0x3c: {  	[spmem:s2] =	stream.indirect.scatter.add.f32 [tilespmem:s11], [sflag:$0x1], $0x10, s9, s10, $0xb8;
	[tilespmem:$0xD200] =	vst v63  }
0x3d: {  	_ =	swait.ge [sflag:s8], $0x800  }
0x3e: {  	[sflag:s8] =	ssyncset.done $0x0  }
0x3f: {  	[sflag:s8] =	ssyncadd.s32 $0xFFFFF800  }
0x40: {  	[spmem:s2] =	stream.indirect.scatter.add.f32 [tilespmem:s11], [sflag:$0x1], $0x10, s12, s10, $0xb8;
	[tilespmem:$0xD200] =	vst v63  }
0x41: {  	_ =	swait.ge [sflag:s8], $0x800  }
0x42: {  	[sflag:s8] =	ssyncset.done $0x0  }
0x43: {  	[sflag:s8] =	ssyncadd.s32 $0xFFFFF800  }
0x44: {  	[spmem:s2] =	stream.indirect.scatter.add.f32 [tilespmem:s11], [sflag:$0x1], $0x10, s13, s10, $0xb8;
	[tilespmem:$0xD200] =	vst v63  }
0x45: {  	_ =	swait.ge [sflag:s8], $0x800  }
.Ltmp3:
0x46: {  	[sflag:s8] =	ssyncset.done $0x0;
	(pc) =	sbr.rel @p0 .LBB2_8-.Ltmp3, $4  }
0x47: {  	[sflag:s8] =	ssyncadd.s32 $0xFFFFF800  }
0x48: {  	[spmem:s2] =	stream.indirect.scatter.add.f32 [tilespmem:s11], [sflag:$0x1], $0x10, s14, s10, $0xb8;
	[tilespmem:$0xD200] =	vst v63  }
0x49: {  	_ =	swait.ge [sflag:s8], $0x800  }
0x4a: {  	s19 =	smov.u32 s21;
	[sflag:s8] =	ssyncset.done $0x0  }
0x4b: {  	s18 =	sadd.s32 s18, s7;
	[sflag:s8] =	ssyncadd.s32 $0xFFFFF800  }
0x4c: {  	[tilespmem:s9], [sflag:$0x1] =	stream.linear.gather [hbm4b:s18+s3], $0x200, $0x38;
	[tilespmem:$0xD200] =	vst v63  }
0x4d: {  	_ =	swait.ge [sflag:s8], $0x200  }
0x4e: {  	[sflag:s8] =	ssyncset.done $0x0  }
0x4f: {  	[sflag:s8] =	ssyncadd.s32 $0xFFFFFE00  }
0x50: {  	[spmem:s2] =	stream.indirect.scatter.add.f32 [tilespmem:s11], [sflag:$0x1], $0x10, s9, s10, $0xb8;
	[tilespmem:$0xD200] =	vst v63  }
0x51: {  	_ =	swait.ge [sflag:s8], $0x800  }
0x52: {  	[sflag:s8] =	ssyncset.done $0x0  }
0x53: {  	[sflag:s8] =	ssyncadd.s32 $0xFFFFF800  }
0x54: {  	[spmem:s2] =	stream.indirect.scatter.add.f32 [tilespmem:s11], [sflag:$0x1], $0x10, s12, s10, $0xb8;
	[tilespmem:$0xD200] =	vst v63  }
0x55: {  	_ =	swait.ge [sflag:s8], $0x800  }
0x56: {  	[sflag:s8] =	ssyncset.done $0x0  }
0x57: {  	[sflag:s8] =	ssyncadd.s32 $0xFFFFF800  }
0x58: {  	[spmem:s2] =	stream.indirect.scatter.add.f32 [tilespmem:s11], [sflag:$0x1], $0x10, s13, s10, $0xb8;
	[tilespmem:$0xD200] =	vst v63  }
0x59: {  	_ =	swait.ge [sflag:s8], $0x800  }
0x5a: {  	[sflag:s8] =	ssyncset.done $0x0  }
0x5b: {  	[sflag:s8] =	ssyncadd.s32 $0xFFFFF800  }
0x5c: {  	[spmem:s2] =	stream.indirect.scatter.add.f32 [tilespmem:s11], [sflag:$0x1], $0x10, s14, s10, $0xb8;
	[tilespmem:$0xD200] =	vst v63  }
0x5d: {  	_ =	swait.ge [sflag:s8], $0x800  }
0x5e: {  	s17 =	sadd.s32 $0x1, s17;
	[sflag:s8] =	ssyncset.done $0x0  }
0x5f: {  	p0 =	sne.s32 s17, s6;
	[sflag:s8] =	ssyncadd.s32 $0xFFFFF800  }
.Ltmp4:
0x60: {  	[bflag:$0x0] =	sbarrier.arrive $0xFFFF;
	(pc) =	sbr.rel @p0 .LBB2_1-.Ltmp4, $4  }
0x61: {  	[hbm:s5], [sflag:s15] =	dma.local [spmem:s16], $0x1880  }
0x62: {  	_ =	swait.ge [sflag:s8], $0x1880  }
0x63: {  	[sflag:s8] =	ssyncset.done $0x0  }
0x64: {  	[sflag:s8] =	ssyncadd.s32 $0xFFFFE780  }
0x65: {  	_ =	sfence.sel $0x180000  }
0x66: {  	[bflag:$0x0] =	sbarrier.arrive $0xFFFF  }
0x67: {  	p0 =	sne.s32 s1, $0x0;
	_ =	strace $0x90000047  }
0x68: {  	s0 =	sadd.s32 @!p0 $0x100000, s0;
	[bflag:$0x2] =	sbarrier.arrive $0xFFFF  }
0x69: {  	[sflag:s0] =	ssyncadd.tile.s32 @!p0 $0x1;
	_ =	shalt  }
.Lfunc_end2:
_tile_overlayer_lowered:
.L_overlay_start_2:
0x6a: {  	(tag) =	ssettag $0x2  }
0x6b: {  	s0 =	rddreg [dreg:$0x0];
	s2 =	stileid.u32  }
0x6c: {  	s1 =	rddreg [dreg:$0x1];
	p0 =	sne.s32 s2, $0x0  }
0x6d: {  	s3 =	rddreg [dreg:$0x2];
	[bflag:$0x3] =	sbarrier.arrive $0xFFFF;
	s2 =	simm.s32 @!p0 $0x1C01  }
0x6e: {  	[timem:s3], [sflag:s2] =	dma.local @!p0 [hbm:s0], s1  }
0x6f: {  	s0 =	simm.s32 @!p0 $0x1  }
0x70: {  	_ =	swait.ge @!p0 [sflag:s0], s1  }
0x71: {  	s1 =	ssub.s32 @!p0 $0x0, s1;
	[sflag:s0] =	ssyncset.done @!p0 $0x0  }
0x72: {  	[sflag:s0] =	ssyncadd.s32 @!p0 s1  }
0x73: {  	[bflag:$0x3] =	sbarrier.arrive $0xFFFF  }
0x74: {  	_ =	shalt  }

// kernel: kernel.14.cloned.1.call-start
scs
__scs_entry_jumppad:
0x0: {  	(pc) =	sbr.rel $0x88, $3  }
0x1: {  	(tag) =	ssettag $0x0;
	lr =	simm.s32 $0x1  }
0x2: {  	[smem:$0x3F8F] =	sst lr;
	_ =	strace $0xD0000000  }
0x3: {  	_ = 	snop  }
0x4: {  	_ = 	snop  }
0x5: {  	_ = 	snop  }
0x6: {  	_ = 	snop  }
0x7: {  	_ = 	snop  }
__scs_overlays_trampoline_lowered:
0x8: {  	[smem:$0x3F9E] =	sst s0  }
0x9: {  	[smem:$0x3F9F] =	sst s1  }
0xa: {  	[smem:$0x3FA0] =	sst s2  }
0xb: {  	[smem:$0x3FA1] =	sst s3  }
0xc: {  	[smem:$0x3FA2] =	sst s4  }
0xd: {  	[smem:$0x3FA3] =	sst s5  }
0xe: {  	[smem:$0x3FA4] =	sst s6  }
0xf: {  	[smem:$0x3FA5] =	sst s7  }
0x10: {  	[smem:$0x3FA6] =	sst s8  }
0x11: {  	[smem:$0x3FA7] =	sst s9;
	s0 =	simm.s32 @!p0 $0x0  }
0x12: {  	s1 =	sld [smem:$0x3F8D];
	s0 =	simm.s32 @p0 $0x1  }
0x13: {  	[smem:$0x3FA8] =	sst s0;
	s0 =	simm.s32 @!p1 $0x0  }
0x14: {  	s2 =	sld [smem:$0x3F8C];
	s0 =	simm.s32 @p1 $0x1  }
0x15: {  	[smem:$0x3FA9] =	sst s0;
	s0 =	simm.s32 @!p2 $0x0  }
0x16: {  	s3 =	sld [smem:$0x3FDB];
	s0 =	simm.s32 @p2 $0x1  }
0x17: {  	s4 =	simm.s32 $0x1BF5;
	[smem:$0x3FAB] =	sst s0  }
0x18: {  	s0 =	sld [smem:$0x3F8E];
	_ =	swait.ge [sflag:s4], $0x0  }
0x19: {  	s7 =	sld [smem:$0x3F8F]  }
0x1a: {  	s8 =	sadd.s32 $0xFFFFE003, lr  }
0x1b: {  	s9 =	sadd.s32 $0xFFFFFEF7, lr;
	s5 =	simm.s32 $0xFFFFFFFF;
	p2 =	slt.u32 s8, $0xFFFFF086  }
0x1c: {  	p1 =	slt.u32 s9, $0xF7A;
	s5 =	simm.s32 @!p2 $0x0  }
0x1d: {  	s5 =	simm.s32 @p1 $0x1;
	p0 =	seq.s32 s7, s2  }
0x1e: {  	s7 =	smul.u32 @!p0 $0xF7A, s2;
	p2 =	seq.s32 @!p0 s5, $0x0  }
0x1f: {  	s9 =	smul.u32 $0xF7A, s1;
	s8 =	simm.s32 @!p0 $0x1BF5;
	p2 =	por !p2, p0  }
0x20: {  	[sflag:s8] =	ssyncset.s32 @!p0 $0xFFFFF086;
	s6 =	sadd.s32 @!p0 s3, s7;
	s7 =	simm.s32 @!p0 $0x108  }
0x21: {  	s3 =	sadd.s32 s3, s9;
	s6 =	sadd.s32 @!p0 $0x88, s6;
	s7 =	simm.s32 @p2 $0x1082  }
0x22: {  	[simem:s7], [sflag:s8] =	dma.local @!p0 [hbm:s6], $0xF7A  }
0x23: {  	s9 =	sor.u32 $0xD0000000, s2;
	s6 =	simm.s32 $0x108;
	_ =	swait.ge @!p0 [sflag:s8], $0x0  }
0x24: {  	s3 =	sadd.s32 $0x88, s3;
	s6 =	simm.s32 @!p1 $0x1082;
	[sflag:s4] =	ssyncset.s32 $0xFFFFF086  }
0x25: {  	[simem:s6], [sflag:s4] =	dma.local [hbm:s3], $0xF7A  }
0x26: {  	[smem:$0x3F8F] =	sst s1;
	(tag) =	ssettag s2;
	_ =	strace s9  }
0x27: {  	s1 =	sld [smem:$0x3F9F]  }
0x28: {  	s2 =	sld [smem:$0x3FA0]  }
0x29: {  	s4 =	sld [smem:$0x3FA2]  }
0x2a: {  	p0 =	seq.s32 s5, $0x0;
	s5 =	sld [smem:$0x3FA3]  }
0x2b: {  	s6 =	sld [smem:$0x3FA4]  }
0x2c: {  	s7 =	sld [smem:$0x3FA5]  }
0x2d: {  	s3 =	simm.s32 $0x108;
	s8 =	sld [smem:$0x3FA6]  }
0x2e: {  	s3 =	simm.s32 @!p0 $0x1082;
	s9 =	sld [smem:$0x3FA7]  }
0x2f: {  	lr =	sadd.s32 s0, s3;
	s0 =	sld [smem:$0x3F9E]  }
0x30: {  	s3 =	sld [smem:$0x3FA1]  }
0x31: {  	[smem:$0x3FAA] =	sst s10  }
0x32: {  	s10 =	sld [smem:$0x3FA8];
	_ =	sdelay $0x3  }
0x33: {  	p0 =	seq.s32 s10, $0x1;
	s10 =	sld [smem:$0x3FAA];
	_ =	sdelay $0x3  }
0x34: {  	[smem:$0x3FAA] =	sst s10  }
0x35: {  	s10 =	sld [smem:$0x3FA9];
	_ =	sdelay $0x3  }
0x36: {  	p1 =	seq.s32 s10, $0x1;
	s10 =	sld [smem:$0x3FAA];
	_ =	sdelay $0x3  }
0x37: {  	[smem:$0x3FAA] =	sst s10  }
0x38: {  	s10 =	sld [smem:$0x3FAB]  }
0x39: {  	_ = 	snop;
	(pc) =	sbr.ind lr, $3  }
0x3a: {  	_ = 	snop  }
0x3b: {  	_ = 	snop  }
0x3c: {  	p2 =	seq.s32 s10, $0x1;
	s10 =	sld [smem:$0x3FAA]  }
0x3d: {  	_ =	shalt  }
0x3e: {  	_ =	shalt  }
0x3f: {  	_ =	shalt  }
0x40: {  	_ =	shalt  }
0x41: {  	_ =	shalt  }
0x42: {  	_ =	shalt  }
0x43: {  	_ =	shalt  }
0x44: {  	_ =	shalt  }
0x45: {  	_ =	shalt  }
0x46: {  	_ =	shalt  }
0x47: {  	_ =	shalt  }
0x48: {  	_ =	shalt  }
0x49: {  	_ =	shalt  }
0x4a: {  	_ =	shalt  }
0x4b: {  	_ =	shalt  }
0x4c: {  	_ =	shalt  }
0x4d: {  	_ =	shalt  }
0x4e: {  	_ =	shalt  }
0x4f: {  	_ =	shalt  }
0x50: {  	_ =	shalt  }
0x51: {  	_ =	shalt  }
0x52: {  	_ =	shalt  }
0x53: {  	_ =	shalt  }
0x54: {  	_ =	shalt  }
0x55: {  	_ =	shalt  }
0x56: {  	_ =	shalt  }
0x57: {  	_ =	shalt  }
0x58: {  	_ =	shalt  }
0x59: {  	_ =	shalt  }
0x5a: {  	_ =	shalt  }
0x5b: {  	_ =	shalt  }
0x5c: {  	_ =	shalt  }
0x5d: {  	_ =	shalt  }
0x5e: {  	_ =	shalt  }
0x5f: {  	_ =	shalt  }
0x60: {  	_ =	shalt  }
0x61: {  	_ =	shalt  }
0x62: {  	_ =	shalt  }
0x63: {  	_ =	shalt  }
0x64: {  	_ =	shalt  }
0x65: {  	_ =	shalt  }
0x66: {  	_ =	shalt  }
0x67: {  	_ =	shalt  }
0x68: {  	_ =	shalt  }
0x69: {  	_ =	shalt  }
0x6a: {  	_ =	shalt  }
0x6b: {  	_ =	shalt  }
0x6c: {  	_ =	shalt  }
0x6d: {  	_ =	shalt  }
0x6e: {  	_ =	shalt  }
0x6f: {  	_ =	shalt  }
0x70: {  	_ =	shalt  }
0x71: {  	_ =	shalt  }
0x72: {  	_ =	shalt  }
0x73: {  	_ =	shalt  }
0x74: {  	_ =	shalt  }
0x75: {  	_ =	shalt  }
0x76: {  	_ =	shalt  }
0x77: {  	_ =	shalt  }
0x78: {  	_ =	shalt  }
0x79: {  	_ =	shalt  }
0x7a: {  	_ =	shalt  }
0x7b: {  	_ =	shalt  }
0x7c: {  	_ =	shalt  }
0x7d: {  	_ =	shalt  }
0x7e: {  	_ =	shalt  }
0x7f: {  	_ =	shalt  }
0x80: {  	_ =	shalt  }
0x81: {  	_ =	shalt  }
0x82: {  	_ =	shalt  }
0x83: {  	_ =	shalt  }
0x84: {  	_ =	shalt  }
0x85: {  	_ =	shalt  }
0x86: {  	_ =	shalt  }
0x87: {  	_ =	shalt  }
.Lfunc_end0:
.L_simem_size_0:
called_computation.1_lowered:
.L_overlay_start_0:
0x88: {  	s2 =	sld [smem:$0x3FD9]  }
0x89: {  	s3 =	sld [smem:$0x3FFE];
	_ =	sdelay $0x1  }
0x8a: {  	s1 =	srdreg.scid  }
0x8b: {  	s0 =	sand.u32 $0x1, s1  }
0x8c: {  	s16 =	sshll.u32 s0, $0xA;
	s2 =	sadd.s32 s3, s2  }
0x8d: {  	s2 =	sadd.s32 s2, s16  }
0x8e: {  	[smem:$0x3FB6] =	sst s2  }
0x8f: {  	_ = 	snop  }
0x90: {  	(tm) =	ssettm $0x1  }
0x91: {  	s17 =	sld [smem:$0x3FFB];
	_ =	sdelay $0x3  }
0x92: {  	_ =	strace s17  }
0x93: {  	s2 =	sld [smem:$0x3FFC];
	_ =	sdelay $0x3  }
0x94: {  	_ =	strace s2  }
0x95: {  	s2 =	sld [smem:$0x3FFD];
	_ =	sdelay $0x3  }
0x96: {  	_ =	strace s2  }
0x97: {  	_ =	strace $0x8FFFFFFF  }
0x98: {  	s18 =	sld [smem:$0x3FDB];
	_ =	sdelay $0x1  }
0x99: {  	s19 =	simm.s32 $_scs_section_size  }
0x9a: {  	s4 =	simm.s32 $_size__tile_overlayer_lowered;
	s5 =	simm.s32 $_tile_overlayer_lowered  }
0x9b: {  	s22 =	simm.s32 $0x1BFF;
	s21 =	sshll.u32 s5, $0x1;
	s2 =	sadd.s32 s19, s18  }
0x9c: {  	s6 =	simm.s32 $0x0;
	s20 =	sshll.u32 s4, $0x1;
	s4 =	sadd.s32 s21, s2  }
0x9d: {  	[timem:s6], [sflag:s22] =	dma.local [hbm:s4], s20  }
0x9e: {  	_ =	swait.ge [sflag:s22], s20  }
0x9f: {  	s3 =	ssub.s32 $0x0, s20;
	[sflag:s22] =	ssyncset.done $0x0  }
0xa0: {  	[sflag:s22] =	ssyncadd.s32 s3;
	_ =	sdelay $0x1  }
0xa1: {  	s23 =	simm.s32 $0x1B8B  }
0xa2: {  	_ =	swait.ge [sflag:s23], $0x1  }
0xa3: {  	[sflag:s23] =	ssyncset.done $0x0  }
0xa4: {  	s25 =	simm.s32 $0x1B8E;
	s24 =	sld [smem:$0x3FFE];
	[sflag:s23] =	ssyncadd.s32 $0xFFFFFFFF  }
0xa5: {  	s26 =	simm.s32 $execute0_lowered;
	[smem:$0x3FD2] =	sst s25  }
0xa6: {  	s4 =	sshll.u32 s26, $0x1;
	_ =	strace $0x80000049;
	[dreg:$0x1] =	wrdreg $0xFFFFFFFF  }
0xa7: {  	s28 =	simm.s32 $_size_execute0_lowered;
	s2 =	sadd.s32 s2, s4;
	[dreg:$0x0] =	wrdreg $0x0  }
0xa8: {  	s4 =	sshll.u32 s28, $0x1;
	[dreg:$0x2] =	wrdreg s2  }
0xa9: {  	[dreg:$0x3] =	wrdreg s4  }
0xaa: {  	[dreg:$0x4] =	wrdreg $0xC0  }
0xab: {  	_ =	task [dreg:s6], $0x5FFFF  }
0xac: {  	[dreg:$0x1] =	wrdreg $0xFFFFFFFF  }
0xad: {  	[dreg:$0x0] =	wrdreg $0x60  }
0xae: {  	[dreg:$0x2] =	wrdreg s24  }
0xaf: {  	[dreg:$0x3] =	wrdreg $0x2A000  }
0xb0: {  	[dreg:$0x4] =	wrdreg $0x9  }
0xb1: {  	_ =	task.clear_ibuf [dreg:s6], $0x5FFFF;
	_ =	strace $0x90000049  }
0xb2: {  	s29 =	simm.s32 $0x9;
	_ =	strace $0x8000004B  }
0xb3: {  	_ =	swait.ge [sflag:s29], $0x1  }
0xb4: {  	[sflag:s29] =	ssyncadd.s32 $0xFFFFFFFF  }
0xb5: {  	_ =	strace $0x9000004B  }
0xb6: {  	_ =	sfence  }
0xb7: {  	s30 =	sld [smem:$0x0];
	_ =	sdelay $0x2  }
0xb8: {  	s31 =	sshll.u32 s1, $0xD;
	s1 =	sshrl.u32 s1, $0x2  }
0xb9: {  	s3 =	sand.u32 $0x4000, s31;
	s1 =	sadd.s32 s1, s30  }
0xba: {  	s0 =	sor.u32 s3, s0;
	s1 =	sshll.u32 s1, $0x11  }
0xbb: {  	s0 =	sor.u32 s1, s0  }
0xbc: {  	s0 =	sadd.s32 $0x8F2B, s0  }
0xbd: {  	[sflag:s0] =	ssyncadd.remote.s32 $0x1  }
0xbe: {  	_ =	sfence.sel $0xFFFF  }
0xbf: {  	[dreg:$0x0] =	wrdreg $0xFFFFFFFF;
	(pc) =	sbr.abs _section_cstart, $3  }
0xc0: {  	[dreg:$0x1] =	wrdreg $0xFFFFFFFF  }
0xc1: {  	_ =	task.clear_ibuf [dreg:s6], $0x2FFFF;
	_ =	strace $0x9FFFFFFF  }
0xc2: {  	(tm) =	ssettm $0x7FFFFFFF  }
0xc3: {  	_ =	shalt  }
tec
execute0_lowered:
.L_overlay_start_1:
0x0: {  	(tag) =	ssettag $0x1  }
0x1: {  	s10 =	stileid.u32  }
0x2: {  	s0 =	srdreg.scid;
	s1 =	rddreg [dreg:$0x0]  }
0x3: {  	s2 =	rddreg [dreg:$0x1];
	s3 =	simm.s32 $0x0;
	s16 =	simm.s32 $0x9  }
0x4: {  	s17 =	simm.s32 $0x800;
	s18 =	simm.s32 $0x900;
	s7 =	smul.u32 $0x1880, s10  }
0x5: {  	s19 =	simm.s32 $0x80;
	s28 =	simm.s32 $0x2;
	s6 =	smul.u32 $0x3100, s10  }
0x6: {  	s29 =	simm.s32 $0x8;
	s30 =	simm.s32 $0x3;
	s9 =	smul.u32 $0x188, s10  }
0x7: {  	s31 =	simm.s32 $0x5;
	s0 =	sand.u32 $0x1, s0;
	s20 =	smul.u32 $0x62000, s10  }
0x8: {  	[smem:$0x7FF] =	sst s3;
	s15 =	sadd.s32 $0x10F600, s1;
	s5 =	smul.u32 $0x31000, s0  }
0x9: {  	s4 =	sadd.s32 $0x1B000, s1;
	s8 =	smul.u32 $0x1880, s0;
	_ =	strace $0x8000004A  }
0xa: {  	s21 =	ssub.s32 $0x2, s0;
	s0 =	smul.u32 $0x18800, s0;
	s14 =	sadd.s32 s7, s1  }
0xb: {  	s23 =	sshrl.u32 s21, $0x1;
	s5 =	sadd.s32 s6, s5;
	s8 =	sadd.s32 s9, s8  }
0xc: {  	s6 =	sshrl.u32 s20, $0x2;
	s9 =	ssub.s32 s21, s23;
	s12 =	sadd.s32 $0x2810, s14  }
0xd: {  	s0 =	sadd.s32 s0, s15;
	s20 =	simm.s32 $0xA00;
	s21 =	simm.s32 $0x880  }
0xe: {  	s23 =	simm.s32 $0x7;
	s1 =	sadd.s32 s5, s1;
	s22 =	sshll.u32 s8, $0x4  }
0xf: {  	s6 =	sadd.s32 s6, s2;
	s8 =	sadd.s32 $0x2800, s14;
	s25 =	smax.u32 s9, $0x1  }
0x10: {  	s14 =	sadd.s32 $0x2820, s14;
	s5 =	sadd.s32 s15, s22;
	s1 =	sadd.s32 $0x7CC00, s1  }
.Ltmp0:
0x11: {  	[dreg:$0x5] =	wrdreg s25;
	s15 =	sadd.s32 s7, s0;
	(pc) =	sbr.rel .LBB2_1-.Ltmp0, $4  }
0x12: {  	s22 =	simm.s32 $0x1;
	s25 =	simm.s32 $0x1A00;
	s0 =	simm.s32 $0x0  }
0x13: {  	s24 =	sadd.s32 $0x10, s5;
	[dreg:$0x4] =	wrdreg s1;
	s26 =	sadd.s32 $0x20, s5  }
0x14: {  	s13 =	sadd.s32 $0x30, s5;
	s1 =	simm.s32 $0x4;
	[dreg:$0x3] =	wrdreg s24  }
0x15: {  	v0 =	vimm.f32 $0.0e+00;
	[dreg:$0x6] =	wrdreg s26;
	s24 =	simm.s32 $0x6;
	s26 =	simm.s32 $0x980  }
.LBB2_8:
0x16: {  	_ =	swait.ge [sflag:s29], $0x80  }
0x17: {  	[sflag:s29] =	ssyncset.done $0x0  }
0x18: {  	[sflag:s29] =	ssyncadd.s32 $0xFFFFFF80  }
0x19: {  	[spmem:s2] =	stream.indirect.scatter.add.f32 [tilespmem:s25], [sflag:$0x4], $0x20, s26, s19, $0xb8;
	[tilespmem:$0x1B200] =	vst v63  }
0x1a: {  	_ =	swait.ge [sflag:s30], $0x1000  }
0x1b: {  	[sflag:s30] =	ssyncset.done $0x0  }
0x1c: {  	[sflag:s30] =	ssyncadd.s32 $0xFFFFF000  }
0x1d: {  	_ =	swait.ge [sflag:s1], $0x1000  }
0x1e: {  	[sflag:s1] =	ssyncset.done $0x0  }
0x1f: {  	s7 =	stileid.u32;
	[sflag:s1] =	ssyncadd.s32 $0xFFFFF000  }
0x20: {  	s7 =	sshll.u32 s7, $0x6;
	[bflag:$0x0] =	sbarrier.arrive $0xFFFF  }
0x21: {  	s9 =	sshrl.u32 s6, $0x3;
	s7 =	sor.u32 $0x1C09, s7;
	s10 =	rddreg [dreg:$0x4]  }
0x22: {  	[hbm:s10], [sflag:s7] =	dma.local [spmem:s9], $0x3100  }
0x23: {  	_ =	swait.ge [sflag:s16], $0x3100  }
0x24: {  	s0 =	sadd.s32 $0x1, s0;
	s11 =	rddreg [dreg:$0x5]  }
0x25: {  	p0 =	sne.s32 s0, s11  }
.Ltmp1:
0x26: {  	_ = 	snop;
	(pc) =	sbr.rel @!p0 .LBB2_9-.Ltmp1, $3  }
0x27: {  	_ =	sdelay $0x1  }
0x28: {  	[sflag:s16] =	ssyncset.done $0x0  }
0x29: {  	[sflag:s16] =	ssyncadd.s32 $0xFFFFCF00  }
.LBB2_1:
0x2a: {  	s7 =	simm.s32 $0x0  }
.LBB2_2:
0x2b: {  	p0 =	sne.s32 s7, $0x1F80  }
.Ltmp2:
0x2c: {  	_ = 	snop;
	(pc) =	sbr.rel @p0 .LBB2_2-.Ltmp2, $4  }
0x2d: {  	_ = 	snop  }
0x2e: {  	s9 =	sshra.s32 s7, $0x2  }
0x2f: {  	[tilespmem:s9+$0x0] =	vst v0  }
0x30: {  	s7 =	sadd.s32 $0x80, s7;
	[tilespmem:s9+$0x10] =	vst v0  }
0x31: {  	s7 =	sadd.s32 $0x0, s6  }
0x32: {  	[spmem:s7] =	stream.linear.scatter [tilespmem:s3], [sflag:$0x9], $0x800, $0x38;
	[tilespmem:$0x1B200] =	vst v63  }
0x33: {  	s7 =	simm.s32 $0x2000;
	_ =	swait.ge [sflag:s16], $0x800  }
.LBB2_4:
0x34: {  	s9 =	sshra.s32 s7, $0x2;
	[sflag:s16] =	ssyncset.done $0x0;
	p0 =	sne.s32 s7, $0x60000  }
.Ltmp3:
0x35: {  	s9 =	sadd.s32 s9, s6;
	[sflag:s16] =	ssyncadd.s32 $0xFFFFF800;
	(pc) =	sbr.rel @p0 .LBB2_4-.Ltmp3, $3  }
0x36: {  	[spmem:s9] =	stream.linear.scatter [tilespmem:s3], [sflag:$0x9], $0x800, $0x38;
	[tilespmem:$0x1B200] =	vst v63  }
0x37: {  	s7 =	sadd.s32 $0x2000, s7;
	_ =	sdelay $0x1  }
0x38: {  	_ =	swait.ge [sflag:s16], $0x800  }
0x39: {  	[sflag:s16] =	ssyncset.done $0x0  }
0x3a: {  	[sflag:s16] =	ssyncadd.s32 $0xFFFFF800  }
0x3b: {  	s7 =	simm.s32 $0x0;
	[bflag:$0x0] =	sbarrier.arrive $0xFFFF  }
0x3c: {  	[tilespmem:s17], [sflag:$0x9] =	stream.linear.gather [hbm4b:s5+s7], $0x80, $0x38;
	[tilespmem:$0x1B200] =	vst v63  }
0x3d: {  	_ =	swait.ge [sflag:s16], $0x80  }
0x3e: {  	[sflag:s16] =	ssyncset.done $0x0  }
0x3f: {  	s9 =	rddreg [dreg:$0x3];
	[sflag:s16] =	ssyncadd.s32 $0xFFFFFF80  }
0x40: {  	[tilespmem:s18], [sflag:$0x6] =	stream.linear.gather [hbm4b:s9+s7], $0x80, $0x38;
	[tilespmem:$0x1B200] =	vst v63  }
0x41: {  	_ = 	snop  }
0x42: {  	[tilespmem:s20], [sflag:$0x1] =	stream.indirect.gather [hbm4b:s4+s19], $0x20, s17, s19, $0xb8;
	[tilespmem:$0x1B200] =	vst v63  }
0x43: {  	_ = 	snop  }
0x44: {  	[tilespmem:s21], [sflag:$0x7] =	stream.linear.gather [hbm4b:s8+s7], $0x80, $0x38;
	[tilespmem:$0x1B200] =	vst v63  }
0x45: {  	_ =	swait.ge [sflag:s22], $0x1000  }
0x46: {  	[sflag:s22] =	ssyncset.done $0x0  }
0x47: {  	s11 =	rddreg [dreg:$0x6];
	[sflag:s22] =	ssyncadd.s32 $0xFFFFF000  }
0x48: {  	[tilespmem:s17], [sflag:$0x5] =	stream.linear.gather [hbm4b:s11+s7], $0x80, $0x38;
	[tilespmem:$0x1B200] =	vst v63  }
0x49: {  	_ =	swait.ge [sflag:s23], $0x80  }
0x4a: {  	[sflag:s23] =	ssyncset.done $0x0  }
0x4b: {  	[sflag:s23] =	ssyncadd.s32 $0xFFFFFF80  }
0x4c: {  	[spmem:s2] =	stream.indirect.scatter.add.f32 [tilespmem:s20], [sflag:$0x3], $0x20, s21, s19, $0xb8;
	[tilespmem:$0x1B200] =	vst v63  }
0x4d: {  	_ =	swait.ge [sflag:s24], $0x80  }
0x4e: {  	[sflag:s24] =	ssyncset.done $0x0  }
0x4f: {  	[sflag:s24] =	ssyncadd.s32 $0xFFFFFF80  }
0x50: {  	[tilespmem:s25], [sflag:$0x2] =	stream.indirect.gather [hbm4b:s4+s19], $0x20, s18, s19, $0xb8;
	[tilespmem:$0x1B200] =	vst v63  }
0x51: {  	_ = 	snop  }
0x52: {  	[tilespmem:s26], [sflag:$0x8] =	stream.linear.gather [hbm4b:s12+s7], $0x80, $0x38;
	[tilespmem:$0x1B200] =	vst v63  }
0x53: {  	_ =	swait.ge [sflag:s28], $0x1000  }
0x54: {  	[sflag:s28] =	ssyncset.done $0x0  }
0x55: {  	[sflag:s28] =	ssyncadd.s32 $0xFFFFF000  }
0x56: {  	[tilespmem:s18], [sflag:$0x6] =	stream.linear.gather [hbm4b:s13+s7], $0x80, $0x38;
	[tilespmem:$0x1B200] =	vst v63  }
0x57: {  	_ =	swait.ge [sflag:s29], $0x80  }
0x58: {  	[sflag:s29] =	ssyncset.done $0x0  }
0x59: {  	[sflag:s29] =	ssyncadd.s32 $0xFFFFFF80  }
0x5a: {  	[spmem:s2] =	stream.indirect.scatter.add.f32 [tilespmem:s25], [sflag:$0x4], $0x20, s26, s19, $0xb8;
	[tilespmem:$0x1B200] =	vst v63  }
0x5b: {  	_ =	swait.ge [sflag:s30], $0x1000  }
0x5c: {  	[sflag:s30] =	ssyncset.done $0x0  }
0x5d: {  	[sflag:s30] =	ssyncadd.s32 $0xFFFFF000  }
0x5e: {  	_ =	swait.ge [sflag:s31], $0x80  }
0x5f: {  	[sflag:s31] =	ssyncset.done $0x0  }
0x60: {  	[sflag:s31] =	ssyncadd.s32 $0xFFFFFF80  }
0x61: {  	[tilespmem:s20], [sflag:$0x1] =	stream.indirect.gather [hbm4b:s4+s19], $0x20, s17, s19, $0xb8;
	[tilespmem:$0x1B200] =	vst v63  }
0x62: {  	_ = 	snop  }
0x63: {  	[tilespmem:s21], [sflag:$0x7] =	stream.linear.gather [hbm4b:s14+s7], $0x80, $0x38;
	[tilespmem:$0x1B200] =	vst v63  }
.LBB2_6:
0x64: {  	_ =	swait.ge [sflag:s22], $0x1000;
	p0 =	seq.s32 s7, $0x1840  }
0x65: {  	[sflag:s22] =	ssyncset.done $0x0;
	s9 =	sadd.s32 @!p0 s7, s15;
	s10 =	simm.s32 @!p0 $0x0  }
0x66: {  	s11 =	simm.s32 @!p0 $0x800;
	[sflag:s22] =	ssyncadd.s32 $0xFFFFF000;
	s9 =	sadd.s32 @!p0 $0x40, s9  }
0x67: {  	[tilespmem:s11], [sflag:$0x5] =	stream.linear.gather @!p0 [hbm4b:s9+s10], $0x80, $0x38;
	[tilespmem:$0x1B200] =	vst v63  }
0x68: {  	_ =	swait.ge [sflag:s23], $0x80  }
0x69: {  	[sflag:s23] =	ssyncset.done $0x0  }
0x6a: {  	[sflag:s23] =	ssyncadd.s32 $0xFFFFFF80  }
0x6b: {  	[spmem:s2] =	stream.indirect.scatter.add.f32 [tilespmem:s20], [sflag:$0x3], $0x20, s21, s19, $0xb8;
	[tilespmem:$0x1B200] =	vst v63  }
0x6c: {  	_ =	swait.ge [sflag:s1], $0x1000  }
0x6d: {  	[sflag:s1] =	ssyncset.done $0x0  }
0x6e: {  	[sflag:s1] =	ssyncadd.s32 $0xFFFFF000  }
0x6f: {  	_ =	swait.ge [sflag:s24], $0x80  }
0x70: {  	[sflag:s24] =	ssyncset.done $0x0  }
0x71: {  	s9 =	sadd.s32 s7, s8;
	[sflag:s24] =	ssyncadd.s32 $0xFFFFFF80  }
0x72: {  	[tilespmem:s25], [sflag:$0x2] =	stream.indirect.gather [hbm4b:s4+s19], $0x20, s18, s19, $0xb8;
	[tilespmem:$0x1B200] =	vst v63  }
.Ltmp4:
0x73: {  	s11 =	sadd.s32 $0x30, s9;
	(pc) =	sbr.rel @p0 .LBB2_8-.Ltmp4, $4  }
0x74: {  	[tilespmem:s26], [sflag:$0x8] =	stream.linear.gather [hbm4b:s11+s3], $0x80, $0x38;
	[tilespmem:$0x1B200] =	vst v63  }
0x75: {  	_ =	swait.ge [sflag:s28], $0x1000  }
0x76: {  	[sflag:s28] =	ssyncset.done $0x0  }
0x77: {  	[sflag:s28] =	ssyncadd.s32 $0xFFFFF000  }
0x78: {  	s10 =	sadd.s32 s7, s15  }
0x79: {  	s10 =	sadd.s32 $0x50, s10  }
0x7a: {  	[tilespmem:s18], [sflag:$0x6] =	stream.linear.gather [hbm4b:s10+s3], $0x80, $0x38;
	[tilespmem:$0x1B200] =	vst v63  }
0x7b: {  	_ =	swait.ge [sflag:s29], $0x80  }
0x7c: {  	[sflag:s29] =	ssyncset.done $0x0  }
0x7d: {  	[sflag:s29] =	ssyncadd.s32 $0xFFFFFF80  }
0x7e: {  	[spmem:s2] =	stream.indirect.scatter.add.f32 [tilespmem:s25], [sflag:$0x4], $0x20, s26, s19, $0xb8;
	[tilespmem:$0x1B200] =	vst v63  }
0x7f: {  	_ =	swait.ge [sflag:s30], $0x1000  }
0x80: {  	[sflag:s30] =	ssyncset.done $0x0  }
0x81: {  	[sflag:s30] =	ssyncadd.s32 $0xFFFFF000  }
0x82: {  	_ =	swait.ge [sflag:s31], $0x80  }
.Ltmp5:
0x83: {  	[sflag:s31] =	ssyncset.done $0x0;
	(pc) =	sbr.rel .LBB2_6-.Ltmp5, $4  }
0x84: {  	[sflag:s31] =	ssyncadd.s32 $0xFFFFFF80  }
0x85: {  	[tilespmem:s20], [sflag:$0x1] =	stream.indirect.gather [hbm4b:s4+s19], $0x20, s17, s19, $0xb8;
	[tilespmem:$0x1B200] =	vst v63  }
0x86: {  	s9 =	sadd.s32 $0x40, s9;
	s7 =	sadd.s32 $0x20, s7  }
0x87: {  	[tilespmem:s21], [sflag:$0x7] =	stream.linear.gather [hbm4b:s9+s3], $0x80, $0x38;
	[tilespmem:$0x1B200] =	vst v63  }
.LBB2_9:
0x88: {  	_ =	sfence.sel $0x180000  }
0x89: {  	[bflag:$0x0] =	sbarrier.arrive $0xFFFF  }
0x8a: {  	_ =	strace $0x9000004A  }
0x8b: {  	s0 =	stileid.u32;
	[bflag:$0x2] =	sbarrier.arrive $0xFFFF  }
0x8c: {  	p0 =	sne.s32 s0, $0x0;
	s0 =	rddreg [dreg:$0x2]  }
0x8d: {  	s0 =	sadd.s32 @!p0 $0x100000, s0  }
0x8e: {  	[sflag:s0] =	ssyncadd.tile.s32 @!p0 $0x1;
	_ =	shalt  }
.Lfunc_end2:
_tile_overlayer_lowered:
.L_overlay_start_2:
0x8f: {  	(tag) =	ssettag $0x2  }
0x90: {  	s0 =	rddreg [dreg:$0x0];
	s2 =	stileid.u32  }
0x91: {  	s1 =	rddreg [dreg:$0x1];
	p0 =	sne.s32 s2, $0x0  }
0x92: {  	s3 =	rddreg [dreg:$0x2];
	[bflag:$0x3] =	sbarrier.arrive $0xFFFF;
	s2 =	simm.s32 @!p0 $0x1C09  }
0x93: {  	[timem:s3], [sflag:s2] =	dma.local @!p0 [hbm:s0], s1  }
0x94: {  	s0 =	simm.s32 @!p0 $0x9  }
0x95: {  	_ =	swait.ge @!p0 [sflag:s0], s1  }
0x96: {  	s1 =	ssub.s32 @!p0 $0x0, s1;
	[sflag:s0] =	ssyncset.done @!p0 $0x0  }
0x97: {  	[sflag:s0] =	ssyncadd.s32 @!p0 s1  }
0x98: {  	[bflag:$0x3] =	sbarrier.arrive $0xFFFF  }
0x99: {  	_ =	shalt  }

// kernel: kernel.17.cloned.1.call-start
scs
__scs_entry_jumppad:
0x0: {  	(pc) =	sbr.rel $0x88, $3  }
0x1: {  	(tag) =	ssettag $0x0;
	lr =	simm.s32 $0x1  }
0x2: {  	[smem:$0x3F8F] =	sst lr;
	_ =	strace $0xD0000000  }
0x3: {  	_ = 	snop  }
0x4: {  	_ = 	snop  }
0x5: {  	_ = 	snop  }
0x6: {  	_ = 	snop  }
0x7: {  	_ = 	snop  }
__scs_overlays_trampoline_lowered:
0x8: {  	[smem:$0x3F9E] =	sst s0  }
0x9: {  	[smem:$0x3F9F] =	sst s1  }
0xa: {  	[smem:$0x3FA0] =	sst s2  }
0xb: {  	[smem:$0x3FA1] =	sst s3  }
0xc: {  	[smem:$0x3FA2] =	sst s4  }
0xd: {  	[smem:$0x3FA3] =	sst s5  }
0xe: {  	[smem:$0x3FA4] =	sst s6  }
0xf: {  	[smem:$0x3FA5] =	sst s7  }
0x10: {  	[smem:$0x3FA6] =	sst s8  }
0x11: {  	[smem:$0x3FA7] =	sst s9;
	s0 =	simm.s32 @!p0 $0x0  }
0x12: {  	s1 =	sld [smem:$0x3F8D];
	s0 =	simm.s32 @p0 $0x1  }
0x13: {  	[smem:$0x3FA8] =	sst s0;
	s0 =	simm.s32 @!p1 $0x0  }
0x14: {  	s2 =	sld [smem:$0x3F8C];
	s0 =	simm.s32 @p1 $0x1  }
0x15: {  	[smem:$0x3FA9] =	sst s0;
	s0 =	simm.s32 @!p2 $0x0  }
0x16: {  	s3 =	sld [smem:$0x3FDB];
	s0 =	simm.s32 @p2 $0x1  }
0x17: {  	s4 =	simm.s32 $0x1BF5;
	[smem:$0x3FAB] =	sst s0  }
0x18: {  	s0 =	sld [smem:$0x3F8E];
	_ =	swait.ge [sflag:s4], $0x0  }
0x19: {  	s7 =	sld [smem:$0x3F8F]  }
0x1a: {  	s8 =	sadd.s32 $0xFFFFE003, lr  }
0x1b: {  	s9 =	sadd.s32 $0xFFFFFEF7, lr;
	s5 =	simm.s32 $0xFFFFFFFF;
	p2 =	slt.u32 s8, $0xFFFFF086  }
0x1c: {  	p1 =	slt.u32 s9, $0xF7A;
	s5 =	simm.s32 @!p2 $0x0  }
0x1d: {  	s5 =	simm.s32 @p1 $0x1;
	p0 =	seq.s32 s7, s2  }
0x1e: {  	s7 =	smul.u32 @!p0 $0xF7A, s2;
	p2 =	seq.s32 @!p0 s5, $0x0  }
0x1f: {  	s9 =	smul.u32 $0xF7A, s1;
	s8 =	simm.s32 @!p0 $0x1BF5;
	p2 =	por !p2, p0  }
0x20: {  	[sflag:s8] =	ssyncset.s32 @!p0 $0xFFFFF086;
	s6 =	sadd.s32 @!p0 s3, s7;
	s7 =	simm.s32 @!p0 $0x108  }
0x21: {  	s3 =	sadd.s32 s3, s9;
	s6 =	sadd.s32 @!p0 $0x88, s6;
	s7 =	simm.s32 @p2 $0x1082  }
0x22: {  	[simem:s7], [sflag:s8] =	dma.local @!p0 [hbm:s6], $0xF7A  }
0x23: {  	s9 =	sor.u32 $0xD0000000, s2;
	s6 =	simm.s32 $0x108;
	_ =	swait.ge @!p0 [sflag:s8], $0x0  }
0x24: {  	s3 =	sadd.s32 $0x88, s3;
	s6 =	simm.s32 @!p1 $0x1082;
	[sflag:s4] =	ssyncset.s32 $0xFFFFF086  }
0x25: {  	[simem:s6], [sflag:s4] =	dma.local [hbm:s3], $0xF7A  }
0x26: {  	[smem:$0x3F8F] =	sst s1;
	(tag) =	ssettag s2;
	_ =	strace s9  }
0x27: {  	s1 =	sld [smem:$0x3F9F]  }
0x28: {  	s2 =	sld [smem:$0x3FA0]  }
0x29: {  	s4 =	sld [smem:$0x3FA2]  }
0x2a: {  	p0 =	seq.s32 s5, $0x0;
	s5 =	sld [smem:$0x3FA3]  }
0x2b: {  	s6 =	sld [smem:$0x3FA4]  }
0x2c: {  	s7 =	sld [smem:$0x3FA5]  }
0x2d: {  	s3 =	simm.s32 $0x108;
	s8 =	sld [smem:$0x3FA6]  }
0x2e: {  	s3 =	simm.s32 @!p0 $0x1082;
	s9 =	sld [smem:$0x3FA7]  }
0x2f: {  	lr =	sadd.s32 s0, s3;
	s0 =	sld [smem:$0x3F9E]  }
0x30: {  	s3 =	sld [smem:$0x3FA1]  }
0x31: {  	[smem:$0x3FAA] =	sst s10  }
0x32: {  	s10 =	sld [smem:$0x3FA8];
	_ =	sdelay $0x3  }
0x33: {  	p0 =	seq.s32 s10, $0x1;
	s10 =	sld [smem:$0x3FAA];
	_ =	sdelay $0x3  }
0x34: {  	[smem:$0x3FAA] =	sst s10  }
0x35: {  	s10 =	sld [smem:$0x3FA9];
	_ =	sdelay $0x3  }
0x36: {  	p1 =	seq.s32 s10, $0x1;
	s10 =	sld [smem:$0x3FAA];
	_ =	sdelay $0x3  }
0x37: {  	[smem:$0x3FAA] =	sst s10  }
0x38: {  	s10 =	sld [smem:$0x3FAB]  }
0x39: {  	_ = 	snop;
	(pc) =	sbr.ind lr, $3  }
0x3a: {  	_ = 	snop  }
0x3b: {  	_ = 	snop  }
0x3c: {  	p2 =	seq.s32 s10, $0x1;
	s10 =	sld [smem:$0x3FAA]  }
0x3d: {  	_ =	shalt  }
0x3e: {  	_ =	shalt  }
0x3f: {  	_ =	shalt  }
0x40: {  	_ =	shalt  }
0x41: {  	_ =	shalt  }
0x42: {  	_ =	shalt  }
0x43: {  	_ =	shalt  }
0x44: {  	_ =	shalt  }
0x45: {  	_ =	shalt  }
0x46: {  	_ =	shalt  }
0x47: {  	_ =	shalt  }
0x48: {  	_ =	shalt  }
0x49: {  	_ =	shalt  }
0x4a: {  	_ =	shalt  }
0x4b: {  	_ =	shalt  }
0x4c: {  	_ =	shalt  }
0x4d: {  	_ =	shalt  }
0x4e: {  	_ =	shalt  }
0x4f: {  	_ =	shalt  }
0x50: {  	_ =	shalt  }
0x51: {  	_ =	shalt  }
0x52: {  	_ =	shalt  }
0x53: {  	_ =	shalt  }
0x54: {  	_ =	shalt  }
0x55: {  	_ =	shalt  }
0x56: {  	_ =	shalt  }
0x57: {  	_ =	shalt  }
0x58: {  	_ =	shalt  }
0x59: {  	_ =	shalt  }
0x5a: {  	_ =	shalt  }
0x5b: {  	_ =	shalt  }
0x5c: {  	_ =	shalt  }
0x5d: {  	_ =	shalt  }
0x5e: {  	_ =	shalt  }
0x5f: {  	_ =	shalt  }
0x60: {  	_ =	shalt  }
0x61: {  	_ =	shalt  }
0x62: {  	_ =	shalt  }
0x63: {  	_ =	shalt  }
0x64: {  	_ =	shalt  }
0x65: {  	_ =	shalt  }
0x66: {  	_ =	shalt  }
0x67: {  	_ =	shalt  }
0x68: {  	_ =	shalt  }
0x69: {  	_ =	shalt  }
0x6a: {  	_ =	shalt  }
0x6b: {  	_ =	shalt  }
0x6c: {  	_ =	shalt  }
0x6d: {  	_ =	shalt  }
0x6e: {  	_ =	shalt  }
0x6f: {  	_ =	shalt  }
0x70: {  	_ =	shalt  }
0x71: {  	_ =	shalt  }
0x72: {  	_ =	shalt  }
0x73: {  	_ =	shalt  }
0x74: {  	_ =	shalt  }
0x75: {  	_ =	shalt  }
0x76: {  	_ =	shalt  }
0x77: {  	_ =	shalt  }
0x78: {  	_ =	shalt  }
0x79: {  	_ =	shalt  }
0x7a: {  	_ =	shalt  }
0x7b: {  	_ =	shalt  }
0x7c: {  	_ =	shalt  }
0x7d: {  	_ =	shalt  }
0x7e: {  	_ =	shalt  }
0x7f: {  	_ =	shalt  }
0x80: {  	_ =	shalt  }
0x81: {  	_ =	shalt  }
0x82: {  	_ =	shalt  }
0x83: {  	_ =	shalt  }
0x84: {  	_ =	shalt  }
0x85: {  	_ =	shalt  }
0x86: {  	_ =	shalt  }
0x87: {  	_ =	shalt  }
.Lfunc_end0:
.L_simem_size_0:
called_computation.2_lowered:
.L_overlay_start_0:
0x88: {  	s2 =	sld [smem:$0x3FD9]  }
0x89: {  	s3 =	sld [smem:$0x3FFE];
	_ =	sdelay $0x1  }
0x8a: {  	s1 =	srdreg.scid  }
0x8b: {  	s0 =	sand.u32 $0x1, s1  }
0x8c: {  	s16 =	sshll.u32 s0, $0xA;
	s2 =	sadd.s32 s3, s2  }
0x8d: {  	s2 =	sadd.s32 s2, s16  }
0x8e: {  	[smem:$0x3FB6] =	sst s2  }
0x8f: {  	_ = 	snop  }
0x90: {  	(tm) =	ssettm $0x1  }
0x91: {  	s17 =	sld [smem:$0x3FFB];
	_ =	sdelay $0x3  }
0x92: {  	_ =	strace s17  }
0x93: {  	s2 =	sld [smem:$0x3FFC];
	_ =	sdelay $0x3  }
0x94: {  	_ =	strace s2  }
0x95: {  	s2 =	sld [smem:$0x3FFD];
	_ =	sdelay $0x3  }
0x96: {  	_ =	strace s2  }
0x97: {  	_ =	strace $0x8FFFFFFF  }
0x98: {  	s18 =	sld [smem:$0x3FDB];
	_ =	sdelay $0x1  }
0x99: {  	s19 =	simm.s32 $_scs_section_size  }
0x9a: {  	s4 =	simm.s32 $_size__tile_overlayer_lowered;
	s5 =	simm.s32 $_tile_overlayer_lowered  }
0x9b: {  	s22 =	simm.s32 $0x1BFF;
	s21 =	sshll.u32 s5, $0x1;
	s2 =	sadd.s32 s19, s18  }
0x9c: {  	s6 =	simm.s32 $0x0;
	s20 =	sshll.u32 s4, $0x1;
	s4 =	sadd.s32 s21, s2  }
0x9d: {  	[timem:s6], [sflag:s22] =	dma.local [hbm:s4], s20  }
0x9e: {  	_ =	swait.ge [sflag:s22], s20  }
0x9f: {  	s3 =	ssub.s32 $0x0, s20;
	[sflag:s22] =	ssyncset.done $0x0  }
0xa0: {  	[sflag:s22] =	ssyncadd.s32 s3;
	_ =	sdelay $0x1  }
0xa1: {  	s23 =	simm.s32 $0x1B8B  }
0xa2: {  	_ =	swait.ge [sflag:s23], $0x1  }
0xa3: {  	[sflag:s23] =	ssyncset.done $0x0  }
0xa4: {  	s25 =	simm.s32 $0x1B8E;
	s24 =	sld [smem:$0x3FFE];
	[sflag:s23] =	ssyncadd.s32 $0xFFFFFFFF  }
0xa5: {  	s26 =	simm.s32 $execute0_lowered;
	[smem:$0x3FD2] =	sst s25  }
0xa6: {  	s4 =	sshll.u32 s26, $0x1;
	_ =	strace $0x8000004C;
	[dreg:$0x1] =	wrdreg $0xFFFFFFFF  }
0xa7: {  	s28 =	simm.s32 $_size_execute0_lowered;
	s2 =	sadd.s32 s2, s4;
	[dreg:$0x0] =	wrdreg $0x0  }
0xa8: {  	s4 =	sshll.u32 s28, $0x1;
	[dreg:$0x2] =	wrdreg s2  }
0xa9: {  	[dreg:$0x3] =	wrdreg s4  }
0xaa: {  	[dreg:$0x4] =	wrdreg $0xC0  }
0xab: {  	_ =	task [dreg:s6], $0x5FFFF  }
0xac: {  	[dreg:$0x1] =	wrdreg $0xFFFFFFFF  }
0xad: {  	[dreg:$0x0] =	wrdreg $0x60  }
0xae: {  	[dreg:$0x2] =	wrdreg s24  }
0xaf: {  	[dreg:$0x3] =	wrdreg $0x2A000  }
0xb0: {  	[dreg:$0x4] =	wrdreg $0x9  }
0xb1: {  	_ =	task.clear_ibuf [dreg:s6], $0x5FFFF;
	_ =	strace $0x9000004C  }
0xb2: {  	s29 =	simm.s32 $0x9;
	_ =	strace $0x8000004E  }
0xb3: {  	_ =	swait.ge [sflag:s29], $0x1  }
0xb4: {  	[sflag:s29] =	ssyncadd.s32 $0xFFFFFFFF  }
0xb5: {  	_ =	strace $0x9000004E  }
0xb6: {  	_ =	sfence  }
0xb7: {  	s30 =	sld [smem:$0x0];
	_ =	sdelay $0x2  }
0xb8: {  	s31 =	sshll.u32 s1, $0xD;
	s1 =	sshrl.u32 s1, $0x2  }
0xb9: {  	s3 =	sand.u32 $0x4000, s31;
	s1 =	sadd.s32 s1, s30  }
0xba: {  	s0 =	sor.u32 s3, s0;
	s1 =	sshll.u32 s1, $0x11  }
0xbb: {  	s0 =	sor.u32 s1, s0  }
0xbc: {  	s0 =	sadd.s32 $0x8F2B, s0  }
0xbd: {  	[sflag:s0] =	ssyncadd.remote.s32 $0x1  }
0xbe: {  	_ =	sfence.sel $0xFFFF  }
0xbf: {  	[dreg:$0x0] =	wrdreg $0xFFFFFFFF;
	(pc) =	sbr.abs _section_cstart, $3  }
0xc0: {  	[dreg:$0x1] =	wrdreg $0xFFFFFFFF  }
0xc1: {  	_ =	task.clear_ibuf [dreg:s6], $0x2FFFF;
	_ =	strace $0x9FFFFFFF  }
0xc2: {  	(tm) =	ssettm $0x7FFFFFFF  }
0xc3: {  	_ =	shalt  }
tec
execute0_lowered:
.L_overlay_start_1:
0x0: {  	(tag) =	ssettag $0x1  }
0x1: {  	s10 =	stileid.u32  }
0x2: {  	s0 =	srdreg.scid;
	s1 =	rddreg [dreg:$0x0]  }
0x3: {  	s2 =	rddreg [dreg:$0x1];
	s3 =	simm.s32 $0x0;
	s16 =	simm.s32 $0x9  }
0x4: {  	s17 =	simm.s32 $0x800;
	s18 =	simm.s32 $0x900;
	s7 =	smul.u32 $0x1880, s10  }
0x5: {  	s19 =	simm.s32 $0x80;
	s28 =	simm.s32 $0x2;
	s6 =	smul.u32 $0x3100, s10  }
0x6: {  	s29 =	simm.s32 $0x8;
	s30 =	simm.s32 $0x3;
	s9 =	smul.u32 $0x188, s10  }
0x7: {  	s31 =	simm.s32 $0x5;
	s0 =	sand.u32 $0x1, s0;
	s20 =	smul.u32 $0x62000, s10  }
0x8: {  	[smem:$0x7FF] =	sst s3;
	s15 =	sadd.s32 $0x10F600, s1;
	s5 =	smul.u32 $0x31000, s0  }
0x9: {  	s4 =	sadd.s32 $0x1B000, s1;
	s8 =	smul.u32 $0x1880, s0;
	_ =	strace $0x8000004D  }
0xa: {  	s21 =	ssub.s32 $0x2, s0;
	s0 =	smul.u32 $0x18800, s0;
	s14 =	sadd.s32 s7, s1  }
0xb: {  	s23 =	sshrl.u32 s21, $0x1;
	s5 =	sadd.s32 s6, s5;
	s8 =	sadd.s32 s9, s8  }
0xc: {  	s6 =	sshrl.u32 s20, $0x2;
	s9 =	ssub.s32 s21, s23;
	s12 =	sadd.s32 $0x2810, s14  }
0xd: {  	s0 =	sadd.s32 s0, s15;
	s20 =	simm.s32 $0xA00;
	s21 =	simm.s32 $0x880  }
0xe: {  	s23 =	simm.s32 $0x7;
	s1 =	sadd.s32 s5, s1;
	s22 =	sshll.u32 s8, $0x4  }
0xf: {  	s6 =	sadd.s32 s6, s2;
	s8 =	sadd.s32 $0x2800, s14;
	s25 =	smax.u32 s9, $0x1  }
0x10: {  	s14 =	sadd.s32 $0x2820, s14;
	s5 =	sadd.s32 s15, s22;
	s1 =	sadd.s32 $0x7CC00, s1  }
.Ltmp0:
0x11: {  	[dreg:$0x5] =	wrdreg s25;
	s15 =	sadd.s32 s7, s0;
	(pc) =	sbr.rel .LBB2_1-.Ltmp0, $4  }
0x12: {  	s22 =	simm.s32 $0x1;
	s25 =	simm.s32 $0x1A00;
	s0 =	simm.s32 $0x0  }
0x13: {  	s24 =	sadd.s32 $0x10, s5;
	[dreg:$0x4] =	wrdreg s1;
	s26 =	sadd.s32 $0x20, s5  }
0x14: {  	s13 =	sadd.s32 $0x30, s5;
	s1 =	simm.s32 $0x4;
	[dreg:$0x3] =	wrdreg s24  }
0x15: {  	v0 =	vimm.f32 $0.0e+00;
	[dreg:$0x6] =	wrdreg s26;
	s24 =	simm.s32 $0x6;
	s26 =	simm.s32 $0x980  }
.LBB2_8:
0x16: {  	_ =	swait.ge [sflag:s29], $0x80  }
0x17: {  	[sflag:s29] =	ssyncset.done $0x0  }
0x18: {  	[sflag:s29] =	ssyncadd.s32 $0xFFFFFF80  }
0x19: {  	[spmem:s2] =	stream.indirect.scatter.add.f32 [tilespmem:s25], [sflag:$0x4], $0x20, s26, s19, $0xb8;
	[tilespmem:$0x1B200] =	vst v63  }
0x1a: {  	_ =	swait.ge [sflag:s30], $0x1000  }
0x1b: {  	[sflag:s30] =	ssyncset.done $0x0  }
0x1c: {  	[sflag:s30] =	ssyncadd.s32 $0xFFFFF000  }
0x1d: {  	_ =	swait.ge [sflag:s1], $0x1000  }
0x1e: {  	[sflag:s1] =	ssyncset.done $0x0  }
0x1f: {  	s7 =	stileid.u32;
	[sflag:s1] =	ssyncadd.s32 $0xFFFFF000  }
0x20: {  	s7 =	sshll.u32 s7, $0x6;
	[bflag:$0x0] =	sbarrier.arrive $0xFFFF  }
0x21: {  	s9 =	sshrl.u32 s6, $0x3;
	s7 =	sor.u32 $0x1C09, s7;
	s10 =	rddreg [dreg:$0x4]  }
0x22: {  	[hbm:s10], [sflag:s7] =	dma.local [spmem:s9], $0x3100  }
0x23: {  	_ =	swait.ge [sflag:s16], $0x3100  }
0x24: {  	s0 =	sadd.s32 $0x1, s0;
	s11 =	rddreg [dreg:$0x5]  }
0x25: {  	p0 =	sne.s32 s0, s11  }
.Ltmp1:
0x26: {  	_ = 	snop;
	(pc) =	sbr.rel @!p0 .LBB2_9-.Ltmp1, $3  }
0x27: {  	_ =	sdelay $0x1  }
0x28: {  	[sflag:s16] =	ssyncset.done $0x0  }
0x29: {  	[sflag:s16] =	ssyncadd.s32 $0xFFFFCF00  }
.LBB2_1:
0x2a: {  	s7 =	simm.s32 $0x0  }
.LBB2_2:
0x2b: {  	p0 =	sne.s32 s7, $0x1F80  }
.Ltmp2:
0x2c: {  	_ = 	snop;
	(pc) =	sbr.rel @p0 .LBB2_2-.Ltmp2, $4  }
0x2d: {  	_ = 	snop  }
0x2e: {  	s9 =	sshra.s32 s7, $0x2  }
0x2f: {  	[tilespmem:s9+$0x0] =	vst v0  }
0x30: {  	s7 =	sadd.s32 $0x80, s7;
	[tilespmem:s9+$0x10] =	vst v0  }
0x31: {  	s7 =	sadd.s32 $0x0, s6  }
0x32: {  	[spmem:s7] =	stream.linear.scatter [tilespmem:s3], [sflag:$0x9], $0x800, $0x38;
	[tilespmem:$0x1B200] =	vst v63  }
0x33: {  	s7 =	simm.s32 $0x2000;
	_ =	swait.ge [sflag:s16], $0x800  }
.LBB2_4:
0x34: {  	s9 =	sshra.s32 s7, $0x2;
	[sflag:s16] =	ssyncset.done $0x0;
	p0 =	sne.s32 s7, $0x60000  }
.Ltmp3:
0x35: {  	s9 =	sadd.s32 s9, s6;
	[sflag:s16] =	ssyncadd.s32 $0xFFFFF800;
	(pc) =	sbr.rel @p0 .LBB2_4-.Ltmp3, $3  }
0x36: {  	[spmem:s9] =	stream.linear.scatter [tilespmem:s3], [sflag:$0x9], $0x800, $0x38;
	[tilespmem:$0x1B200] =	vst v63  }
0x37: {  	s7 =	sadd.s32 $0x2000, s7;
	_ =	sdelay $0x1  }
0x38: {  	_ =	swait.ge [sflag:s16], $0x800  }
0x39: {  	[sflag:s16] =	ssyncset.done $0x0  }
0x3a: {  	[sflag:s16] =	ssyncadd.s32 $0xFFFFF800  }
0x3b: {  	s7 =	simm.s32 $0x0;
	[bflag:$0x0] =	sbarrier.arrive $0xFFFF  }
0x3c: {  	[tilespmem:s17], [sflag:$0x9] =	stream.linear.gather [hbm4b:s5+s7], $0x80, $0x38;
	[tilespmem:$0x1B200] =	vst v63  }
0x3d: {  	_ =	swait.ge [sflag:s16], $0x80  }
0x3e: {  	[sflag:s16] =	ssyncset.done $0x0  }
0x3f: {  	s9 =	rddreg [dreg:$0x3];
	[sflag:s16] =	ssyncadd.s32 $0xFFFFFF80  }
0x40: {  	[tilespmem:s18], [sflag:$0x6] =	stream.linear.gather [hbm4b:s9+s7], $0x80, $0x38;
	[tilespmem:$0x1B200] =	vst v63  }
0x41: {  	_ = 	snop  }
0x42: {  	[tilespmem:s20], [sflag:$0x1] =	stream.indirect.gather [hbm4b:s4+s19], $0x20, s17, s19, $0xb8;
	[tilespmem:$0x1B200] =	vst v63  }
0x43: {  	_ = 	snop  }
0x44: {  	[tilespmem:s21], [sflag:$0x7] =	stream.linear.gather [hbm4b:s8+s7], $0x80, $0x38;
	[tilespmem:$0x1B200] =	vst v63  }
0x45: {  	_ =	swait.ge [sflag:s22], $0x1000  }
0x46: {  	[sflag:s22] =	ssyncset.done $0x0  }
0x47: {  	s11 =	rddreg [dreg:$0x6];
	[sflag:s22] =	ssyncadd.s32 $0xFFFFF000  }
0x48: {  	[tilespmem:s17], [sflag:$0x5] =	stream.linear.gather [hbm4b:s11+s7], $0x80, $0x38;
	[tilespmem:$0x1B200] =	vst v63  }
0x49: {  	_ =	swait.ge [sflag:s23], $0x80  }
0x4a: {  	[sflag:s23] =	ssyncset.done $0x0  }
0x4b: {  	[sflag:s23] =	ssyncadd.s32 $0xFFFFFF80  }
0x4c: {  	[spmem:s2] =	stream.indirect.scatter.add.f32 [tilespmem:s20], [sflag:$0x3], $0x20, s21, s19, $0xb8;
	[tilespmem:$0x1B200] =	vst v63  }
0x4d: {  	_ =	swait.ge [sflag:s24], $0x80  }
0x4e: {  	[sflag:s24] =	ssyncset.done $0x0  }
0x4f: {  	[sflag:s24] =	ssyncadd.s32 $0xFFFFFF80  }
0x50: {  	[tilespmem:s25], [sflag:$0x2] =	stream.indirect.gather [hbm4b:s4+s19], $0x20, s18, s19, $0xb8;
	[tilespmem:$0x1B200] =	vst v63  }
0x51: {  	_ = 	snop  }
0x52: {  	[tilespmem:s26], [sflag:$0x8] =	stream.linear.gather [hbm4b:s12+s7], $0x80, $0x38;
	[tilespmem:$0x1B200] =	vst v63  }
0x53: {  	_ =	swait.ge [sflag:s28], $0x1000  }
0x54: {  	[sflag:s28] =	ssyncset.done $0x0  }
0x55: {  	[sflag:s28] =	ssyncadd.s32 $0xFFFFF000  }
0x56: {  	[tilespmem:s18], [sflag:$0x6] =	stream.linear.gather [hbm4b:s13+s7], $0x80, $0x38;
	[tilespmem:$0x1B200] =	vst v63  }
0x57: {  	_ =	swait.ge [sflag:s29], $0x80  }
0x58: {  	[sflag:s29] =	ssyncset.done $0x0  }
0x59: {  	[sflag:s29] =	ssyncadd.s32 $0xFFFFFF80  }
0x5a: {  	[spmem:s2] =	stream.indirect.scatter.add.f32 [tilespmem:s25], [sflag:$0x4], $0x20, s26, s19, $0xb8;
	[tilespmem:$0x1B200] =	vst v63  }
0x5b: {  	_ =	swait.ge [sflag:s30], $0x1000  }
0x5c: {  	[sflag:s30] =	ssyncset.done $0x0  }
0x5d: {  	[sflag:s30] =	ssyncadd.s32 $0xFFFFF000  }
0x5e: {  	_ =	swait.ge [sflag:s31], $0x80  }
0x5f: {  	[sflag:s31] =	ssyncset.done $0x0  }
0x60: {  	[sflag:s31] =	ssyncadd.s32 $0xFFFFFF80  }
0x61: {  	[tilespmem:s20], [sflag:$0x1] =	stream.indirect.gather [hbm4b:s4+s19], $0x20, s17, s19, $0xb8;
	[tilespmem:$0x1B200] =	vst v63  }
0x62: {  	_ = 	snop  }
0x63: {  	[tilespmem:s21], [sflag:$0x7] =	stream.linear.gather [hbm4b:s14+s7], $0x80, $0x38;
	[tilespmem:$0x1B200] =	vst v63  }
.LBB2_6:
0x64: {  	_ =	swait.ge [sflag:s22], $0x1000;
	p0 =	seq.s32 s7, $0x1840  }
0x65: {  	[sflag:s22] =	ssyncset.done $0x0;
	s9 =	sadd.s32 @!p0 s7, s15;
	s10 =	simm.s32 @!p0 $0x0  }
0x66: {  	s11 =	simm.s32 @!p0 $0x800;
	[sflag:s22] =	ssyncadd.s32 $0xFFFFF000;
	s9 =	sadd.s32 @!p0 $0x40, s9  }
0x67: {  	[tilespmem:s11], [sflag:$0x5] =	stream.linear.gather @!p0 [hbm4b:s9+s10], $0x80, $0x38;
	[tilespmem:$0x1B200] =	vst v63  }
0x68: {  	_ =	swait.ge [sflag:s23], $0x80  }
0x69: {  	[sflag:s23] =	ssyncset.done $0x0  }
0x6a: {  	[sflag:s23] =	ssyncadd.s32 $0xFFFFFF80  }
0x6b: {  	[spmem:s2] =	stream.indirect.scatter.add.f32 [tilespmem:s20], [sflag:$0x3], $0x20, s21, s19, $0xb8;
	[tilespmem:$0x1B200] =	vst v63  }
0x6c: {  	_ =	swait.ge [sflag:s1], $0x1000  }
0x6d: {  	[sflag:s1] =	ssyncset.done $0x0  }
0x6e: {  	[sflag:s1] =	ssyncadd.s32 $0xFFFFF000  }
0x6f: {  	_ =	swait.ge [sflag:s24], $0x80  }
0x70: {  	[sflag:s24] =	ssyncset.done $0x0  }
0x71: {  	s9 =	sadd.s32 s7, s8;
	[sflag:s24] =	ssyncadd.s32 $0xFFFFFF80  }
0x72: {  	[tilespmem:s25], [sflag:$0x2] =	stream.indirect.gather [hbm4b:s4+s19], $0x20, s18, s19, $0xb8;
	[tilespmem:$0x1B200] =	vst v63  }
.Ltmp4:
0x73: {  	s11 =	sadd.s32 $0x30, s9;
	(pc) =	sbr.rel @p0 .LBB2_8-.Ltmp4, $4  }
0x74: {  	[tilespmem:s26], [sflag:$0x8] =	stream.linear.gather [hbm4b:s11+s3], $0x80, $0x38;
	[tilespmem:$0x1B200] =	vst v63  }
0x75: {  	_ =	swait.ge [sflag:s28], $0x1000  }
0x76: {  	[sflag:s28] =	ssyncset.done $0x0  }
0x77: {  	[sflag:s28] =	ssyncadd.s32 $0xFFFFF000  }
0x78: {  	s10 =	sadd.s32 s7, s15  }
0x79: {  	s10 =	sadd.s32 $0x50, s10  }
0x7a: {  	[tilespmem:s18], [sflag:$0x6] =	stream.linear.gather [hbm4b:s10+s3], $0x80, $0x38;
	[tilespmem:$0x1B200] =	vst v63  }
0x7b: {  	_ =	swait.ge [sflag:s29], $0x80  }
0x7c: {  	[sflag:s29] =	ssyncset.done $0x0  }
0x7d: {  	[sflag:s29] =	ssyncadd.s32 $0xFFFFFF80  }
0x7e: {  	[spmem:s2] =	stream.indirect.scatter.add.f32 [tilespmem:s25], [sflag:$0x4], $0x20, s26, s19, $0xb8;
	[tilespmem:$0x1B200] =	vst v63  }
0x7f: {  	_ =	swait.ge [sflag:s30], $0x1000  }
0x80: {  	[sflag:s30] =	ssyncset.done $0x0  }
0x81: {  	[sflag:s30] =	ssyncadd.s32 $0xFFFFF000  }
0x82: {  	_ =	swait.ge [sflag:s31], $0x80  }
.Ltmp5:
0x83: {  	[sflag:s31] =	ssyncset.done $0x0;
	(pc) =	sbr.rel .LBB2_6-.Ltmp5, $4  }
0x84: {  	[sflag:s31] =	ssyncadd.s32 $0xFFFFFF80  }
0x85: {  	[tilespmem:s20], [sflag:$0x1] =	stream.indirect.gather [hbm4b:s4+s19], $0x20, s17, s19, $0xb8;
	[tilespmem:$0x1B200] =	vst v63  }
0x86: {  	s9 =	sadd.s32 $0x40, s9;
	s7 =	sadd.s32 $0x20, s7  }
0x87: {  	[tilespmem:s21], [sflag:$0x7] =	stream.linear.gather [hbm4b:s9+s3], $0x80, $0x38;
	[tilespmem:$0x1B200] =	vst v63  }
.LBB2_9:
0x88: {  	_ =	sfence.sel $0x180000  }
0x89: {  	[bflag:$0x0] =	sbarrier.arrive $0xFFFF  }
0x8a: {  	_ =	strace $0x9000004D  }
0x8b: {  	s0 =	stileid.u32;
	[bflag:$0x2] =	sbarrier.arrive $0xFFFF  }
0x8c: {  	p0 =	sne.s32 s0, $0x0;
	s0 =	rddreg [dreg:$0x2]  }
0x8d: {  	s0 =	sadd.s32 @!p0 $0x100000, s0  }
0x8e: {  	[sflag:s0] =	ssyncadd.tile.s32 @!p0 $0x1;
	_ =	shalt  }
.Lfunc_end2:
_tile_overlayer_lowered:
.L_overlay_start_2:
0x8f: {  	(tag) =	ssettag $0x2  }
0x90: {  	s0 =	rddreg [dreg:$0x0];
	s2 =	stileid.u32  }
0x91: {  	s1 =	rddreg [dreg:$0x1];
	p0 =	sne.s32 s2, $0x0  }
0x92: {  	s3 =	rddreg [dreg:$0x2];
	[bflag:$0x3] =	sbarrier.arrive $0xFFFF;
	s2 =	simm.s32 @!p0 $0x1C09  }
0x93: {  	[timem:s3], [sflag:s2] =	dma.local @!p0 [hbm:s0], s1  }
0x94: {  	s0 =	simm.s32 @!p0 $0x9  }
0x95: {  	_ =	swait.ge @!p0 [sflag:s0], s1  }
0x96: {  	s1 =	ssub.s32 @!p0 $0x0, s1;
	[sflag:s0] =	ssyncset.done @!p0 $0x0  }
0x97: {  	[sflag:s0] =	ssyncadd.s32 @!p0 s1  }
0x98: {  	[bflag:$0x3] =	sbarrier.arrive $0xFFFF  }
0x99: {  	_ =	shalt  }

// kernel: kernel.20.cloned.1.call-start
scs
__scs_entry_jumppad:
0x0: {  	(pc) =	sbr.rel $0x88, $3  }
0x1: {  	(tag) =	ssettag $0x0;
	lr =	simm.s32 $0x1  }
0x2: {  	[smem:$0x3F8F] =	sst lr;
	_ =	strace $0xD0000000  }
0x3: {  	_ = 	snop  }
0x4: {  	_ = 	snop  }
0x5: {  	_ = 	snop  }
0x6: {  	_ = 	snop  }
0x7: {  	_ = 	snop  }
__scs_overlays_trampoline_lowered:
0x8: {  	[smem:$0x3F9E] =	sst s0  }
0x9: {  	[smem:$0x3F9F] =	sst s1  }
0xa: {  	[smem:$0x3FA0] =	sst s2  }
0xb: {  	[smem:$0x3FA1] =	sst s3  }
0xc: {  	[smem:$0x3FA2] =	sst s4  }
0xd: {  	[smem:$0x3FA3] =	sst s5  }
0xe: {  	[smem:$0x3FA4] =	sst s6  }
0xf: {  	[smem:$0x3FA5] =	sst s7  }
0x10: {  	[smem:$0x3FA6] =	sst s8  }
0x11: {  	[smem:$0x3FA7] =	sst s9;
	s0 =	simm.s32 @!p0 $0x0  }
0x12: {  	s1 =	sld [smem:$0x3F8D];
	s0 =	simm.s32 @p0 $0x1  }
0x13: {  	[smem:$0x3FA8] =	sst s0;
	s0 =	simm.s32 @!p1 $0x0  }
0x14: {  	s2 =	sld [smem:$0x3F8C];
	s0 =	simm.s32 @p1 $0x1  }
0x15: {  	[smem:$0x3FA9] =	sst s0;
	s0 =	simm.s32 @!p2 $0x0  }
0x16: {  	s3 =	sld [smem:$0x3FDB];
	s0 =	simm.s32 @p2 $0x1  }
0x17: {  	s4 =	simm.s32 $0x1BF5;
	[smem:$0x3FAB] =	sst s0  }
0x18: {  	s0 =	sld [smem:$0x3F8E];
	_ =	swait.ge [sflag:s4], $0x0  }
0x19: {  	s7 =	sld [smem:$0x3F8F]  }
0x1a: {  	s8 =	sadd.s32 $0xFFFFE003, lr  }
0x1b: {  	s9 =	sadd.s32 $0xFFFFFEF7, lr;
	s5 =	simm.s32 $0xFFFFFFFF;
	p2 =	slt.u32 s8, $0xFFFFF086  }
0x1c: {  	p1 =	slt.u32 s9, $0xF7A;
	s5 =	simm.s32 @!p2 $0x0  }
0x1d: {  	s5 =	simm.s32 @p1 $0x1;
	p0 =	seq.s32 s7, s2  }
0x1e: {  	s7 =	smul.u32 @!p0 $0xF7A, s2;
	p2 =	seq.s32 @!p0 s5, $0x0  }
0x1f: {  	s9 =	smul.u32 $0xF7A, s1;
	s8 =	simm.s32 @!p0 $0x1BF5;
	p2 =	por !p2, p0  }
0x20: {  	[sflag:s8] =	ssyncset.s32 @!p0 $0xFFFFF086;
	s6 =	sadd.s32 @!p0 s3, s7;
	s7 =	simm.s32 @!p0 $0x108  }
0x21: {  	s3 =	sadd.s32 s3, s9;
	s6 =	sadd.s32 @!p0 $0x88, s6;
	s7 =	simm.s32 @p2 $0x1082  }
0x22: {  	[simem:s7], [sflag:s8] =	dma.local @!p0 [hbm:s6], $0xF7A  }
0x23: {  	s9 =	sor.u32 $0xD0000000, s2;
	s6 =	simm.s32 $0x108;
	_ =	swait.ge @!p0 [sflag:s8], $0x0  }
0x24: {  	s3 =	sadd.s32 $0x88, s3;
	s6 =	simm.s32 @!p1 $0x1082;
	[sflag:s4] =	ssyncset.s32 $0xFFFFF086  }
0x25: {  	[simem:s6], [sflag:s4] =	dma.local [hbm:s3], $0xF7A  }
0x26: {  	[smem:$0x3F8F] =	sst s1;
	(tag) =	ssettag s2;
	_ =	strace s9  }
0x27: {  	s1 =	sld [smem:$0x3F9F]  }
0x28: {  	s2 =	sld [smem:$0x3FA0]  }
0x29: {  	s4 =	sld [smem:$0x3FA2]  }
0x2a: {  	p0 =	seq.s32 s5, $0x0;
	s5 =	sld [smem:$0x3FA3]  }
0x2b: {  	s6 =	sld [smem:$0x3FA4]  }
0x2c: {  	s7 =	sld [smem:$0x3FA5]  }
0x2d: {  	s3 =	simm.s32 $0x108;
	s8 =	sld [smem:$0x3FA6]  }
0x2e: {  	s3 =	simm.s32 @!p0 $0x1082;
	s9 =	sld [smem:$0x3FA7]  }
0x2f: {  	lr =	sadd.s32 s0, s3;
	s0 =	sld [smem:$0x3F9E]  }
0x30: {  	s3 =	sld [smem:$0x3FA1]  }
0x31: {  	[smem:$0x3FAA] =	sst s10  }
0x32: {  	s10 =	sld [smem:$0x3FA8];
	_ =	sdelay $0x3  }
0x33: {  	p0 =	seq.s32 s10, $0x1;
	s10 =	sld [smem:$0x3FAA];
	_ =	sdelay $0x3  }
0x34: {  	[smem:$0x3FAA] =	sst s10  }
0x35: {  	s10 =	sld [smem:$0x3FA9];
	_ =	sdelay $0x3  }
0x36: {  	p1 =	seq.s32 s10, $0x1;
	s10 =	sld [smem:$0x3FAA];
	_ =	sdelay $0x3  }
0x37: {  	[smem:$0x3FAA] =	sst s10  }
0x38: {  	s10 =	sld [smem:$0x3FAB]  }
0x39: {  	_ = 	snop;
	(pc) =	sbr.ind lr, $3  }
0x3a: {  	_ = 	snop  }
0x3b: {  	_ = 	snop  }
0x3c: {  	p2 =	seq.s32 s10, $0x1;
	s10 =	sld [smem:$0x3FAA]  }
0x3d: {  	_ =	shalt  }
0x3e: {  	_ =	shalt  }
0x3f: {  	_ =	shalt  }
0x40: {  	_ =	shalt  }
0x41: {  	_ =	shalt  }
0x42: {  	_ =	shalt  }
0x43: {  	_ =	shalt  }
0x44: {  	_ =	shalt  }
0x45: {  	_ =	shalt  }
0x46: {  	_ =	shalt  }
0x47: {  	_ =	shalt  }
0x48: {  	_ =	shalt  }
0x49: {  	_ =	shalt  }
0x4a: {  	_ =	shalt  }
0x4b: {  	_ =	shalt  }
0x4c: {  	_ =	shalt  }
0x4d: {  	_ =	shalt  }
0x4e: {  	_ =	shalt  }
0x4f: {  	_ =	shalt  }
0x50: {  	_ =	shalt  }
0x51: {  	_ =	shalt  }
0x52: {  	_ =	shalt  }
0x53: {  	_ =	shalt  }
0x54: {  	_ =	shalt  }
0x55: {  	_ =	shalt  }
0x56: {  	_ =	shalt  }
0x57: {  	_ =	shalt  }
0x58: {  	_ =	shalt  }
0x59: {  	_ =	shalt  }
0x5a: {  	_ =	shalt  }
0x5b: {  	_ =	shalt  }
0x5c: {  	_ =	shalt  }
0x5d: {  	_ =	shalt  }
0x5e: {  	_ =	shalt  }
0x5f: {  	_ =	shalt  }
0x60: {  	_ =	shalt  }
0x61: {  	_ =	shalt  }
0x62: {  	_ =	shalt  }
0x63: {  	_ =	shalt  }
0x64: {  	_ =	shalt  }
0x65: {  	_ =	shalt  }
0x66: {  	_ =	shalt  }
0x67: {  	_ =	shalt  }
0x68: {  	_ =	shalt  }
0x69: {  	_ =	shalt  }
0x6a: {  	_ =	shalt  }
0x6b: {  	_ =	shalt  }
0x6c: {  	_ =	shalt  }
0x6d: {  	_ =	shalt  }
0x6e: {  	_ =	shalt  }
0x6f: {  	_ =	shalt  }
0x70: {  	_ =	shalt  }
0x71: {  	_ =	shalt  }
0x72: {  	_ =	shalt  }
0x73: {  	_ =	shalt  }
0x74: {  	_ =	shalt  }
0x75: {  	_ =	shalt  }
0x76: {  	_ =	shalt  }
0x77: {  	_ =	shalt  }
0x78: {  	_ =	shalt  }
0x79: {  	_ =	shalt  }
0x7a: {  	_ =	shalt  }
0x7b: {  	_ =	shalt  }
0x7c: {  	_ =	shalt  }
0x7d: {  	_ =	shalt  }
0x7e: {  	_ =	shalt  }
0x7f: {  	_ =	shalt  }
0x80: {  	_ =	shalt  }
0x81: {  	_ =	shalt  }
0x82: {  	_ =	shalt  }
0x83: {  	_ =	shalt  }
0x84: {  	_ =	shalt  }
0x85: {  	_ =	shalt  }
0x86: {  	_ =	shalt  }
0x87: {  	_ =	shalt  }
.Lfunc_end0:
.L_simem_size_0:
called_computation.3_lowered:
.L_overlay_start_0:
0x88: {  	s2 =	sld [smem:$0x3FD9]  }
0x89: {  	s3 =	sld [smem:$0x3FFE];
	_ =	sdelay $0x1  }
0x8a: {  	s1 =	srdreg.scid  }
0x8b: {  	s0 =	sand.u32 $0x1, s1  }
0x8c: {  	s16 =	sshll.u32 s0, $0xA;
	s2 =	sadd.s32 s3, s2  }
0x8d: {  	s2 =	sadd.s32 s2, s16  }
0x8e: {  	[smem:$0x3FB6] =	sst s2  }
0x8f: {  	_ = 	snop  }
0x90: {  	(tm) =	ssettm $0x1  }
0x91: {  	s17 =	sld [smem:$0x3FFB];
	_ =	sdelay $0x3  }
0x92: {  	_ =	strace s17  }
0x93: {  	s2 =	sld [smem:$0x3FFC];
	_ =	sdelay $0x3  }
0x94: {  	_ =	strace s2  }
0x95: {  	s2 =	sld [smem:$0x3FFD];
	_ =	sdelay $0x3  }
0x96: {  	_ =	strace s2  }
0x97: {  	_ =	strace $0x8FFFFFFF  }
0x98: {  	s18 =	sld [smem:$0x3FDB];
	_ =	sdelay $0x1  }
0x99: {  	s19 =	simm.s32 $_scs_section_size  }
0x9a: {  	s4 =	simm.s32 $_size__tile_overlayer_lowered;
	s5 =	simm.s32 $_tile_overlayer_lowered  }
0x9b: {  	s22 =	simm.s32 $0x1BFF;
	s21 =	sshll.u32 s5, $0x1;
	s2 =	sadd.s32 s19, s18  }
0x9c: {  	s6 =	simm.s32 $0x0;
	s20 =	sshll.u32 s4, $0x1;
	s4 =	sadd.s32 s21, s2  }
0x9d: {  	[timem:s6], [sflag:s22] =	dma.local [hbm:s4], s20  }
0x9e: {  	_ =	swait.ge [sflag:s22], s20  }
0x9f: {  	s3 =	ssub.s32 $0x0, s20;
	[sflag:s22] =	ssyncset.done $0x0  }
0xa0: {  	[sflag:s22] =	ssyncadd.s32 s3;
	_ =	sdelay $0x1  }
0xa1: {  	s23 =	simm.s32 $0x1B8B  }
0xa2: {  	_ =	swait.ge [sflag:s23], $0x1  }
0xa3: {  	[sflag:s23] =	ssyncset.done $0x0  }
0xa4: {  	s25 =	simm.s32 $0x1B8E;
	s24 =	sld [smem:$0x3FFE];
	[sflag:s23] =	ssyncadd.s32 $0xFFFFFFFF  }
0xa5: {  	s26 =	simm.s32 $execute0_lowered;
	[smem:$0x3FD2] =	sst s25  }
0xa6: {  	s4 =	sshll.u32 s26, $0x1;
	_ =	strace $0x8000004F;
	[dreg:$0x1] =	wrdreg $0xFFFFFFFF  }
0xa7: {  	s28 =	simm.s32 $_size_execute0_lowered;
	s2 =	sadd.s32 s2, s4;
	[dreg:$0x0] =	wrdreg $0x0  }
0xa8: {  	s4 =	sshll.u32 s28, $0x1;
	[dreg:$0x2] =	wrdreg s2  }
0xa9: {  	[dreg:$0x3] =	wrdreg s4  }
0xaa: {  	[dreg:$0x4] =	wrdreg $0xC0  }
0xab: {  	_ =	task [dreg:s6], $0x5FFFF  }
0xac: {  	[dreg:$0x1] =	wrdreg $0xFFFFFFFF  }
0xad: {  	[dreg:$0x0] =	wrdreg $0x60  }
0xae: {  	[dreg:$0x2] =	wrdreg s24  }
0xaf: {  	[dreg:$0x3] =	wrdreg $0x2A000  }
0xb0: {  	[dreg:$0x4] =	wrdreg $0x9  }
0xb1: {  	_ =	task.clear_ibuf [dreg:s6], $0x5FFFF;
	_ =	strace $0x9000004F  }
0xb2: {  	s29 =	simm.s32 $0x9;
	_ =	strace $0x80000051  }
0xb3: {  	_ =	swait.ge [sflag:s29], $0x1  }
0xb4: {  	[sflag:s29] =	ssyncadd.s32 $0xFFFFFFFF  }
0xb5: {  	_ =	strace $0x90000051  }
0xb6: {  	_ =	sfence  }
0xb7: {  	s30 =	sld [smem:$0x0];
	_ =	sdelay $0x2  }
0xb8: {  	s31 =	sshll.u32 s1, $0xD;
	s1 =	sshrl.u32 s1, $0x2  }
0xb9: {  	s3 =	sand.u32 $0x4000, s31;
	s1 =	sadd.s32 s1, s30  }
0xba: {  	s0 =	sor.u32 s3, s0;
	s1 =	sshll.u32 s1, $0x11  }
0xbb: {  	s0 =	sor.u32 s1, s0  }
0xbc: {  	s0 =	sadd.s32 $0x8F2B, s0  }
0xbd: {  	[sflag:s0] =	ssyncadd.remote.s32 $0x1  }
0xbe: {  	_ =	sfence.sel $0xFFFF  }
0xbf: {  	[dreg:$0x0] =	wrdreg $0xFFFFFFFF;
	(pc) =	sbr.abs _section_cstart, $3  }
0xc0: {  	[dreg:$0x1] =	wrdreg $0xFFFFFFFF  }
0xc1: {  	_ =	task.clear_ibuf [dreg:s6], $0x2FFFF;
	_ =	strace $0x9FFFFFFF  }
0xc2: {  	(tm) =	ssettm $0x7FFFFFFF  }
0xc3: {  	_ =	shalt  }
tec
execute0_lowered:
.L_overlay_start_1:
0x0: {  	(tag) =	ssettag $0x1  }
0x1: {  	s10 =	stileid.u32  }
0x2: {  	s0 =	srdreg.scid;
	s1 =	rddreg [dreg:$0x0]  }
0x3: {  	s2 =	rddreg [dreg:$0x1];
	s3 =	simm.s32 $0x0;
	s16 =	simm.s32 $0x9  }
0x4: {  	s17 =	simm.s32 $0x800;
	s18 =	simm.s32 $0x900;
	s7 =	smul.u32 $0x1880, s10  }
0x5: {  	s19 =	simm.s32 $0x80;
	s28 =	simm.s32 $0x2;
	s6 =	smul.u32 $0x3100, s10  }
0x6: {  	s29 =	simm.s32 $0x8;
	s30 =	simm.s32 $0x3;
	s9 =	smul.u32 $0x188, s10  }
0x7: {  	s31 =	simm.s32 $0x5;
	s0 =	sand.u32 $0x1, s0;
	s20 =	smul.u32 $0x62000, s10  }
0x8: {  	[smem:$0x7FF] =	sst s3;
	s15 =	sadd.s32 $0x10F600, s1;
	s5 =	smul.u32 $0x31000, s0  }
0x9: {  	s4 =	sadd.s32 $0x1B000, s1;
	s8 =	smul.u32 $0x1880, s0;
	_ =	strace $0x80000050  }
0xa: {  	s21 =	ssub.s32 $0x2, s0;
	s0 =	smul.u32 $0x18800, s0;
	s14 =	sadd.s32 s7, s1  }
0xb: {  	s23 =	sshrl.u32 s21, $0x1;
	s5 =	sadd.s32 s6, s5;
	s8 =	sadd.s32 s9, s8  }
0xc: {  	s6 =	sshrl.u32 s20, $0x2;
	s9 =	ssub.s32 s21, s23;
	s12 =	sadd.s32 $0x2810, s14  }
0xd: {  	s0 =	sadd.s32 s0, s15;
	s20 =	simm.s32 $0xA00;
	s21 =	simm.s32 $0x880  }
0xe: {  	s23 =	simm.s32 $0x7;
	s1 =	sadd.s32 s5, s1;
	s22 =	sshll.u32 s8, $0x4  }
0xf: {  	s6 =	sadd.s32 s6, s2;
	s8 =	sadd.s32 $0x2800, s14;
	s25 =	smax.u32 s9, $0x1  }
0x10: {  	s14 =	sadd.s32 $0x2820, s14;
	s5 =	sadd.s32 s15, s22;
	s1 =	sadd.s32 $0x7CC00, s1  }
.Ltmp0:
0x11: {  	[dreg:$0x5] =	wrdreg s25;
	s15 =	sadd.s32 s7, s0;
	(pc) =	sbr.rel .LBB2_1-.Ltmp0, $4  }
0x12: {  	s22 =	simm.s32 $0x1;
	s25 =	simm.s32 $0x1A00;
	s0 =	simm.s32 $0x0  }
0x13: {  	s24 =	sadd.s32 $0x10, s5;
	[dreg:$0x4] =	wrdreg s1;
	s26 =	sadd.s32 $0x20, s5  }
0x14: {  	s13 =	sadd.s32 $0x30, s5;
	s1 =	simm.s32 $0x4;
	[dreg:$0x3] =	wrdreg s24  }
0x15: {  	v0 =	vimm.f32 $0.0e+00;
	[dreg:$0x6] =	wrdreg s26;
	s24 =	simm.s32 $0x6;
	s26 =	simm.s32 $0x980  }
.LBB2_8:
0x16: {  	_ =	swait.ge [sflag:s29], $0x80  }
0x17: {  	[sflag:s29] =	ssyncset.done $0x0  }
0x18: {  	[sflag:s29] =	ssyncadd.s32 $0xFFFFFF80  }
0x19: {  	[spmem:s2] =	stream.indirect.scatter.add.f32 [tilespmem:s25], [sflag:$0x4], $0x20, s26, s19, $0xb8;
	[tilespmem:$0x1B200] =	vst v63  }
0x1a: {  	_ =	swait.ge [sflag:s30], $0x1000  }
0x1b: {  	[sflag:s30] =	ssyncset.done $0x0  }
0x1c: {  	[sflag:s30] =	ssyncadd.s32 $0xFFFFF000  }
0x1d: {  	_ =	swait.ge [sflag:s1], $0x1000  }
0x1e: {  	[sflag:s1] =	ssyncset.done $0x0  }
0x1f: {  	s7 =	stileid.u32;
	[sflag:s1] =	ssyncadd.s32 $0xFFFFF000  }
0x20: {  	s7 =	sshll.u32 s7, $0x6;
	[bflag:$0x0] =	sbarrier.arrive $0xFFFF  }
0x21: {  	s9 =	sshrl.u32 s6, $0x3;
	s7 =	sor.u32 $0x1C09, s7;
	s10 =	rddreg [dreg:$0x4]  }
0x22: {  	[hbm:s10], [sflag:s7] =	dma.local [spmem:s9], $0x3100  }
0x23: {  	_ =	swait.ge [sflag:s16], $0x3100  }
0x24: {  	s0 =	sadd.s32 $0x1, s0;
	s11 =	rddreg [dreg:$0x5]  }
0x25: {  	p0 =	sne.s32 s0, s11  }
.Ltmp1:
0x26: {  	_ = 	snop;
	(pc) =	sbr.rel @!p0 .LBB2_9-.Ltmp1, $3  }
0x27: {  	_ =	sdelay $0x1  }
0x28: {  	[sflag:s16] =	ssyncset.done $0x0  }
0x29: {  	[sflag:s16] =	ssyncadd.s32 $0xFFFFCF00  }
.LBB2_1:
0x2a: {  	s7 =	simm.s32 $0x0  }
.LBB2_2:
0x2b: {  	p0 =	sne.s32 s7, $0x1F80  }
.Ltmp2:
0x2c: {  	_ = 	snop;
	(pc) =	sbr.rel @p0 .LBB2_2-.Ltmp2, $4  }
0x2d: {  	_ = 	snop  }
0x2e: {  	s9 =	sshra.s32 s7, $0x2  }
0x2f: {  	[tilespmem:s9+$0x0] =	vst v0  }
0x30: {  	s7 =	sadd.s32 $0x80, s7;
	[tilespmem:s9+$0x10] =	vst v0  }
0x31: {  	s7 =	sadd.s32 $0x0, s6  }
0x32: {  	[spmem:s7] =	stream.linear.scatter [tilespmem:s3], [sflag:$0x9], $0x800, $0x38;
	[tilespmem:$0x1B200] =	vst v63  }
0x33: {  	s7 =	simm.s32 $0x2000;
	_ =	swait.ge [sflag:s16], $0x800  }
.LBB2_4:
0x34: {  	s9 =	sshra.s32 s7, $0x2;
	[sflag:s16] =	ssyncset.done $0x0;
	p0 =	sne.s32 s7, $0x60000  }
.Ltmp3:
0x35: {  	s9 =	sadd.s32 s9, s6;
	[sflag:s16] =	ssyncadd.s32 $0xFFFFF800;
	(pc) =	sbr.rel @p0 .LBB2_4-.Ltmp3, $3  }
0x36: {  	[spmem:s9] =	stream.linear.scatter [tilespmem:s3], [sflag:$0x9], $0x800, $0x38;
	[tilespmem:$0x1B200] =	vst v63  }
0x37: {  	s7 =	sadd.s32 $0x2000, s7;
	_ =	sdelay $0x1  }
0x38: {  	_ =	swait.ge [sflag:s16], $0x800  }
0x39: {  	[sflag:s16] =	ssyncset.done $0x0  }
0x3a: {  	[sflag:s16] =	ssyncadd.s32 $0xFFFFF800  }
0x3b: {  	s7 =	simm.s32 $0x0;
	[bflag:$0x0] =	sbarrier.arrive $0xFFFF  }
0x3c: {  	[tilespmem:s17], [sflag:$0x9] =	stream.linear.gather [hbm4b:s5+s7], $0x80, $0x38;
	[tilespmem:$0x1B200] =	vst v63  }
0x3d: {  	_ =	swait.ge [sflag:s16], $0x80  }
0x3e: {  	[sflag:s16] =	ssyncset.done $0x0  }
0x3f: {  	s9 =	rddreg [dreg:$0x3];
	[sflag:s16] =	ssyncadd.s32 $0xFFFFFF80  }
0x40: {  	[tilespmem:s18], [sflag:$0x6] =	stream.linear.gather [hbm4b:s9+s7], $0x80, $0x38;
	[tilespmem:$0x1B200] =	vst v63  }
0x41: {  	_ = 	snop  }
0x42: {  	[tilespmem:s20], [sflag:$0x1] =	stream.indirect.gather [hbm4b:s4+s19], $0x20, s17, s19, $0xb8;
	[tilespmem:$0x1B200] =	vst v63  }
0x43: {  	_ = 	snop  }
0x44: {  	[tilespmem:s21], [sflag:$0x7] =	stream.linear.gather [hbm4b:s8+s7], $0x80, $0x38;
	[tilespmem:$0x1B200] =	vst v63  }
0x45: {  	_ =	swait.ge [sflag:s22], $0x1000  }
0x46: {  	[sflag:s22] =	ssyncset.done $0x0  }
0x47: {  	s11 =	rddreg [dreg:$0x6];
	[sflag:s22] =	ssyncadd.s32 $0xFFFFF000  }
0x48: {  	[tilespmem:s17], [sflag:$0x5] =	stream.linear.gather [hbm4b:s11+s7], $0x80, $0x38;
	[tilespmem:$0x1B200] =	vst v63  }
0x49: {  	_ =	swait.ge [sflag:s23], $0x80  }
0x4a: {  	[sflag:s23] =	ssyncset.done $0x0  }
0x4b: {  	[sflag:s23] =	ssyncadd.s32 $0xFFFFFF80  }
0x4c: {  	[spmem:s2] =	stream.indirect.scatter.add.f32 [tilespmem:s20], [sflag:$0x3], $0x20, s21, s19, $0xb8;
	[tilespmem:$0x1B200] =	vst v63  }
0x4d: {  	_ =	swait.ge [sflag:s24], $0x80  }
0x4e: {  	[sflag:s24] =	ssyncset.done $0x0  }
0x4f: {  	[sflag:s24] =	ssyncadd.s32 $0xFFFFFF80  }
0x50: {  	[tilespmem:s25], [sflag:$0x2] =	stream.indirect.gather [hbm4b:s4+s19], $0x20, s18, s19, $0xb8;
	[tilespmem:$0x1B200] =	vst v63  }
0x51: {  	_ = 	snop  }
0x52: {  	[tilespmem:s26], [sflag:$0x8] =	stream.linear.gather [hbm4b:s12+s7], $0x80, $0x38;
	[tilespmem:$0x1B200] =	vst v63  }
0x53: {  	_ =	swait.ge [sflag:s28], $0x1000  }
0x54: {  	[sflag:s28] =	ssyncset.done $0x0  }
0x55: {  	[sflag:s28] =	ssyncadd.s32 $0xFFFFF000  }
0x56: {  	[tilespmem:s18], [sflag:$0x6] =	stream.linear.gather [hbm4b:s13+s7], $0x80, $0x38;
	[tilespmem:$0x1B200] =	vst v63  }
0x57: {  	_ =	swait.ge [sflag:s29], $0x80  }
0x58: {  	[sflag:s29] =	ssyncset.done $0x0  }
0x59: {  	[sflag:s29] =	ssyncadd.s32 $0xFFFFFF80  }
0x5a: {  	[spmem:s2] =	stream.indirect.scatter.add.f32 [tilespmem:s25], [sflag:$0x4], $0x20, s26, s19, $0xb8;
	[tilespmem:$0x1B200] =	vst v63  }
0x5b: {  	_ =	swait.ge [sflag:s30], $0x1000  }
0x5c: {  	[sflag:s30] =	ssyncset.done $0x0  }
0x5d: {  	[sflag:s30] =	ssyncadd.s32 $0xFFFFF000  }
0x5e: {  	_ =	swait.ge [sflag:s31], $0x80  }
0x5f: {  	[sflag:s31] =	ssyncset.done $0x0  }
0x60: {  	[sflag:s31] =	ssyncadd.s32 $0xFFFFFF80  }
0x61: {  	[tilespmem:s20], [sflag:$0x1] =	stream.indirect.gather [hbm4b:s4+s19], $0x20, s17, s19, $0xb8;
	[tilespmem:$0x1B200] =	vst v63  }
0x62: {  	_ = 	snop  }
0x63: {  	[tilespmem:s21], [sflag:$0x7] =	stream.linear.gather [hbm4b:s14+s7], $0x80, $0x38;
	[tilespmem:$0x1B200] =	vst v63  }
.LBB2_6:
0x64: {  	_ =	swait.ge [sflag:s22], $0x1000;
	p0 =	seq.s32 s7, $0x1840  }
0x65: {  	[sflag:s22] =	ssyncset.done $0x0;
	s9 =	sadd.s32 @!p0 s7, s15;
	s10 =	simm.s32 @!p0 $0x0  }
0x66: {  	s11 =	simm.s32 @!p0 $0x800;
	[sflag:s22] =	ssyncadd.s32 $0xFFFFF000;
	s9 =	sadd.s32 @!p0 $0x40, s9  }
0x67: {  	[tilespmem:s11], [sflag:$0x5] =	stream.linear.gather @!p0 [hbm4b:s9+s10], $0x80, $0x38;
	[tilespmem:$0x1B200] =	vst v63  }
0x68: {  	_ =	swait.ge [sflag:s23], $0x80  }
0x69: {  	[sflag:s23] =	ssyncset.done $0x0  }
0x6a: {  	[sflag:s23] =	ssyncadd.s32 $0xFFFFFF80  }
0x6b: {  	[spmem:s2] =	stream.indirect.scatter.add.f32 [tilespmem:s20], [sflag:$0x3], $0x20, s21, s19, $0xb8;
	[tilespmem:$0x1B200] =	vst v63  }
0x6c: {  	_ =	swait.ge [sflag:s1], $0x1000  }
0x6d: {  	[sflag:s1] =	ssyncset.done $0x0  }
0x6e: {  	[sflag:s1] =	ssyncadd.s32 $0xFFFFF000  }
0x6f: {  	_ =	swait.ge [sflag:s24], $0x80  }
0x70: {  	[sflag:s24] =	ssyncset.done $0x0  }
0x71: {  	s9 =	sadd.s32 s7, s8;
	[sflag:s24] =	ssyncadd.s32 $0xFFFFFF80  }
0x72: {  	[tilespmem:s25], [sflag:$0x2] =	stream.indirect.gather [hbm4b:s4+s19], $0x20, s18, s19, $0xb8;
	[tilespmem:$0x1B200] =	vst v63  }
.Ltmp4:
0x73: {  	s11 =	sadd.s32 $0x30, s9;
	(pc) =	sbr.rel @p0 .LBB2_8-.Ltmp4, $4  }
0x74: {  	[tilespmem:s26], [sflag:$0x8] =	stream.linear.gather [hbm4b:s11+s3], $0x80, $0x38;
	[tilespmem:$0x1B200] =	vst v63  }
0x75: {  	_ =	swait.ge [sflag:s28], $0x1000  }
0x76: {  	[sflag:s28] =	ssyncset.done $0x0  }
0x77: {  	[sflag:s28] =	ssyncadd.s32 $0xFFFFF000  }
0x78: {  	s10 =	sadd.s32 s7, s15  }
0x79: {  	s10 =	sadd.s32 $0x50, s10  }
0x7a: {  	[tilespmem:s18], [sflag:$0x6] =	stream.linear.gather [hbm4b:s10+s3], $0x80, $0x38;
	[tilespmem:$0x1B200] =	vst v63  }
0x7b: {  	_ =	swait.ge [sflag:s29], $0x80  }
0x7c: {  	[sflag:s29] =	ssyncset.done $0x0  }
0x7d: {  	[sflag:s29] =	ssyncadd.s32 $0xFFFFFF80  }
0x7e: {  	[spmem:s2] =	stream.indirect.scatter.add.f32 [tilespmem:s25], [sflag:$0x4], $0x20, s26, s19, $0xb8;
	[tilespmem:$0x1B200] =	vst v63  }
0x7f: {  	_ =	swait.ge [sflag:s30], $0x1000  }
0x80: {  	[sflag:s30] =	ssyncset.done $0x0  }
0x81: {  	[sflag:s30] =	ssyncadd.s32 $0xFFFFF000  }
0x82: {  	_ =	swait.ge [sflag:s31], $0x80  }
.Ltmp5:
0x83: {  	[sflag:s31] =	ssyncset.done $0x0;
	(pc) =	sbr.rel .LBB2_6-.Ltmp5, $4  }
0x84: {  	[sflag:s31] =	ssyncadd.s32 $0xFFFFFF80  }
0x85: {  	[tilespmem:s20], [sflag:$0x1] =	stream.indirect.gather [hbm4b:s4+s19], $0x20, s17, s19, $0xb8;
	[tilespmem:$0x1B200] =	vst v63  }
0x86: {  	s9 =	sadd.s32 $0x40, s9;
	s7 =	sadd.s32 $0x20, s7  }
0x87: {  	[tilespmem:s21], [sflag:$0x7] =	stream.linear.gather [hbm4b:s9+s3], $0x80, $0x38;
	[tilespmem:$0x1B200] =	vst v63  }
.LBB2_9:
0x88: {  	_ =	sfence.sel $0x180000  }
0x89: {  	[bflag:$0x0] =	sbarrier.arrive $0xFFFF  }
0x8a: {  	_ =	strace $0x90000050  }
0x8b: {  	s0 =	stileid.u32;
	[bflag:$0x2] =	sbarrier.arrive $0xFFFF  }
0x8c: {  	p0 =	sne.s32 s0, $0x0;
	s0 =	rddreg [dreg:$0x2]  }
0x8d: {  	s0 =	sadd.s32 @!p0 $0x100000, s0  }
0x8e: {  	[sflag:s0] =	ssyncadd.tile.s32 @!p0 $0x1;
	_ =	shalt  }
.Lfunc_end2:
_tile_overlayer_lowered:
.L_overlay_start_2:
0x8f: {  	(tag) =	ssettag $0x2  }
0x90: {  	s0 =	rddreg [dreg:$0x0];
	s2 =	stileid.u32  }
0x91: {  	s1 =	rddreg [dreg:$0x1];
	p0 =	sne.s32 s2, $0x0  }
0x92: {  	s3 =	rddreg [dreg:$0x2];
	[bflag:$0x3] =	sbarrier.arrive $0xFFFF;
	s2 =	simm.s32 @!p0 $0x1C09  }
0x93: {  	[timem:s3], [sflag:s2] =	dma.local @!p0 [hbm:s0], s1  }
0x94: {  	s0 =	simm.s32 @!p0 $0x9  }
0x95: {  	_ =	swait.ge @!p0 [sflag:s0], s1  }
0x96: {  	s1 =	ssub.s32 @!p0 $0x0, s1;
	[sflag:s0] =	ssyncset.done @!p0 $0x0  }
0x97: {  	[sflag:s0] =	ssyncadd.s32 @!p0 s1  }
0x98: {  	[bflag:$0x3] =	sbarrier.arrive $0xFFFF  }
0x99: {  	_ =	shalt  }

</sc_bundles>
